<compile_context>
chip_gen: v7x
topology: tpu7x:2x2x1
jax: 0.10.2.dev20260603
libtpu: 0.0.44.dev20260713+nightly
codegen_flags: <defaults>
</compile_context>

<pallas_src>
import functools

import jax
import jax.numpy as jnp
from jax import lax
from jax.experimental import pallas as pl
from jax.experimental.pallas import tpu as pltpu
from jax.experimental.pallas import tpu_sc as plsc

NC = 2
NS = 16
L = 16
NW = NC * NS


@functools.cache
def _make_sampler(B, H, W, C, K):
    P = B * H * W
    assert P % (NW * K) == 0 and C % L == 0 and K % L == 0
    PPW = P // NW
    CHUNKS = PPW // K
    assert CHUNKS % 2 == 0
    assert (H * W) % PPW == 0 and W % K == 0

    mesh = plsc.VectorSubcoreMesh(core_axis_name="c", subcore_axis_name="s")

    def buf_set():
        return [
            pltpu.VMEM((K,), jnp.float32),
            pltpu.VMEM((K,), jnp.float32),
            pltpu.VMEM((4 * K,), jnp.int32),
            pltpu.VMEM((K + L,), jnp.float32),
            pltpu.VMEM((K + L,), jnp.float32),
            pltpu.VMEM((K + L,), jnp.float32),
            pltpu.VMEM((K + L,), jnp.float32),
            pltpu.VMEM((4 * K, C), jnp.float32),
            pltpu.VMEM((K, C), jnp.float32),
            pltpu.SemaphoreType.DMA,
            pltpu.SemaphoreType.DMA,
        ]

    @functools.partial(
        pl.kernel,
        mesh=mesh,
        compiler_params=pltpu.CompilerParams(use_tc_tiling_on_sc=False),
        out_type=jax.ShapeDtypeStruct((B, H, W, C), jnp.float32),
        scratch_types=[buf_set(), buf_set()],
    )
    def sampler(img3_hbm, dx_hbm, dy_hbm, out4_hbm, buf0, buf1):
        bufs = (buf0, buf1)

        def out_slice(pix0):
            bb = lax.div(pix0, H * W)
            rem = lax.rem(pix0, H * W)
            hh = lax.div(rem, W)
            w0 = lax.rem(rem, W)
            return out4_hbm.at[bb, hh, pl.ds(w0, K)]
        wid = lax.axis_index("s") * NC + lax.axis_index("c")
        base = wid * PPW
        img_hbm = img3_hbm.at[lax.div(base, H * W)]

        def fire(ci, b):
            (dxv, dyv, idx, wav, wbv, wcv, wdv, rows, _outv,
             gsem, _osem) = bufs[b]
            pix0 = pl.multiple_of(base + ci * K, 8)
            cdx = pltpu.async_copy(dx_hbm.at[pl.ds(pix0, K)], dxv, gsem)
            cdy = pltpu.async_copy(dy_hbm.at[pl.ds(pix0, K)], dyv, gsem)
            cdx.wait()
            cdy.wait()

            def grp(g, c2):
                sl = pl.ds(g * L, L)
                p = pix0 + g * L + lax.iota(jnp.int32, L)
                ww = lax.rem(p, W)
                hh = lax.rem(lax.div(p, W), H)
                x = dxv[sl] + ww.astype(jnp.float32) + 1.0
                y = dyv[sl] + hh.astype(jnp.float32) + 1.0
                xt = x.astype(jnp.int32)
                x0 = jnp.where(xt.astype(jnp.float32) > x, xt - 1, xt)
                yt = y.astype(jnp.int32)
                y0 = jnp.where(yt.astype(jnp.float32) > y, yt - 1, yt)
                x0c = jnp.clip(x0, 0, W + 1)
                x1c = jnp.clip(x0 + 1, 0, W + 1)
                y0c = jnp.clip(y0, 0, H + 1)
                y1c = jnp.clip(y0 + 1, 0, H + 1)
                ddx = x1c.astype(jnp.float32) - x
                ddy = y1c.astype(jnp.float32) - y
                wa = ddx * ddy
                wb = ddx * (1.0 - ddy)
                wc = (1.0 - ddx) * ddy
                wd = (1.0 - ddx) * (1.0 - ddy)

                def cidx(xi, yi):
                    col = jnp.clip(xi - 1, 0, W - 1)
                    row = jnp.clip(yi - 1, 0, H - 1)
                    return row * W + col

                def cw(xi, yi, wgt):
                    valid = (xi >= 1) & (xi <= W) & (yi >= 1) & (yi <= H)
                    return jnp.where(valid, wgt, 0.0)

                idx[pl.ds(g * L, L)] = cidx(x0c, y0c)
                wav[sl] = cw(x0c, y0c, wa)
                idx[pl.ds(K + g * L, L)] = cidx(x0c, y1c)
                wbv[sl] = cw(x0c, y1c, wb)
                idx[pl.ds(2 * K + g * L, L)] = cidx(x1c, y0c)
                wcv[sl] = cw(x1c, y0c, wc)
                idx[pl.ds(3 * K + g * L, L)] = cidx(x1c, y1c)
                wdv[sl] = cw(x1c, y1c, wd)
                return c2
            lax.fori_loop(0, K // L, grp, 0)
            pltpu.async_copy(img_hbm.at[idx], rows, gsem)

        def drain_combine(ci, b):
            (_dxv, _dyv, idx, wav, wbv, wcv, wdv, rows, outv,
             gsem, osem) = bufs[b]
            pix0 = pl.multiple_of(base + ci * K, 8)

            @pl.when(ci >= 2)
            def _():
                pltpu.make_async_copy(outv, out_slice(pix0), osem).wait()

            pltpu.make_async_copy(img_hbm.at[idx], rows, gsem).wait()

            def pix(pi, c2):
                was = wav[pl.ds(pi, L)][0]
                wbs = wbv[pl.ds(pi, L)][0]
                wcs = wcv[pl.ds(pi, L)][0]
                wds = wdv[pl.ds(pi, L)][0]
                for g in range(C // L):
                    s2 = pl.ds(g * L, L)
                    outv[pi, s2] = (
                        was * rows[pi, s2]
                        + wbs * rows[K + pi, s2]
                        + wcs * rows[2 * K + pi, s2]
                        + wds * rows[3 * K + pi, s2])
                return c2
            lax.fori_loop(0, K, pix, 0)
            pltpu.async_copy(outv, out_slice(pix0), osem)

        fire(0, 0)

        def outer(cio, carry):
            for s in range(2):
                ci = cio * 2 + s
                nci = ci + 1

                @pl.when(nci < CHUNKS)
                def _():
                    fire(nci, (s + 1) % 2)

                drain_combine(ci, s)
            return carry

        lax.fori_loop(0, CHUNKS // 2, outer, 0)
        for b in range(2):
            outv = bufs[b][8]
            osem = bufs[b][10]
            pltpu.make_async_copy(outv, out_slice(base), osem).wait()

    return sampler


def kernel(moving_image, deformation_matrix):
    B, H, W, C = moving_image.shape
    img3 = moving_image.reshape(B, H * W, C)
    dx = deformation_matrix[..., 0].reshape(-1)
    dy = deformation_matrix[..., 1].reshape(-1)
    return _make_sampler(B, H, W, C, 96)(img3, dx, dy)

# --- scband reference (transcript-rebuilt; emitter-appended) ---
"""Pipeline reference for scband-spatial-transformer3d-111669149936 (READ-ONLY COPY).

The authoritative reference and input builder live on the scoring server;
editing this copy changes nothing except your own understanding.
"""

import jax, jax.numpy as jnp
import numpy as np


def setup_inputs(seed: int = 0) -> dict:
    key = jax.random.key(seed)
    k1, k2 = jax.random.split(key)
    moving_image = jax.random.normal(k1, (2, 384, 384, 96), dtype=jnp.float32)
    deformation_matrix = jax.random.normal(k2, (2, 384, 384, 2), dtype=jnp.float32)
    return {"moving_image": moving_image, "deformation_matrix": deformation_matrix}


def reference(moving_image, deformation_matrix):
    B, H, W, C = moving_image.shape
    dx = deformation_matrix[:, :, :, 0]
    dy = deformation_matrix[:, :, :, 1]
    # meshgrid: x_t varies along width, y_t along height
    x_mesh = jnp.broadcast_to(jnp.linspace(0.0, W - 1.0, W)[None, :], (H, W))
    y_mesh = jnp.broadcast_to(jnp.linspace(0.0, H - 1.0, H)[:, None], (H, W))
    x_new = dx + x_mesh[None, :, :]
    y_new = dy + y_mesh[None, :, :]
    # interpolate: pad H and W by 1 on each side
    im = jnp.pad(moving_image, ((0, 0), (1, 1), (1, 1), (0, 0)))
    _, height, width, channels = im.shape
    x = x_new.reshape(-1) + 1.0
    y = y_new.reshape(-1) + 1.0
    max_x = width - 1
    max_y = height - 1
    x0f = jnp.floor(x)
    y0f = jnp.floor(y)
    x0 = jnp.clip(x0f.astype(jnp.int32), 0, max_x)
    x1 = jnp.clip(x0f.astype(jnp.int32) + 1, 0, max_x)
    y0 = jnp.clip(y0f.astype(jnp.int32), 0, max_y)
    y1 = jnp.clip(y0f.astype(jnp.int32) + 1, 0, max_y)
    dim2 = width
    dim1 = width * height
    base = jnp.repeat(jnp.arange(B, dtype=jnp.int32) * dim1, H * W)
    base_y0 = base + y0 * dim2
    base_y1 = base + y1 * dim2
    idx_a = base_y0 + x0
    idx_b = base_y1 + x0
    idx_c = base_y0 + x1
    idx_d = base_y1 + x1
    im_flat = im.reshape(-1, channels).astype(jnp.float32)
    Ia = jnp.take(im_flat, idx_a, axis=0)
    Ib = jnp.take(im_flat, idx_b, axis=0)
    Ic = jnp.take(im_flat, idx_c, axis=0)
    Id = jnp.take(im_flat, idx_d, axis=0)
    x1_f = x1.astype(jnp.float32)
    y1_f = y1.astype(jnp.float32)
    ddx = x1_f - x
    ddy = y1_f - y
    wa = (ddx * ddy)[:, None]
    wb = (ddx * (1.0 - ddy))[:, None]
    wc = ((1.0 - ddx) * ddy)[:, None]
    wd = ((1.0 - ddx) * (1.0 - ddy))[:, None]
    output = wa * Ia + wb * Ib + wc * Ic + wd * Id
    return output.reshape(B, H, W, C)

if __name__ == "__main__":
    import jax
    _d = setup_inputs()
    print(jax.jit(kernel)(*tuple(_d.values())))

</pallas_src>

<mosaic_0001>
#map = affine_map<(d0, d1) -> (0, 0, 0)>
#map1 = affine_map<(d0, d1) -> (0)>
#map2 = affine_map<(d0, d1) -> (0, 0, 0, 0)>
module attributes {stable_mosaic.version = 14 : i64} {
  func.func @sampler(%arg0: i32, %arg1: i32, %arg2: memref<2x147456x96xf32, #tpu.memory_space<hbm>>, %arg3: memref<294912xf32, #tpu.memory_space<hbm>>, %arg4: memref<294912xf32, #tpu.memory_space<hbm>>, %arg5: memref<2x384x384x96xf32, #tpu.memory_space<hbm>>, %arg6: memref<96xf32, #tpu.memory_space<vmem>>, %arg7: memref<96xf32, #tpu.memory_space<vmem>>, %arg8: memref<384xi32, #tpu.memory_space<vmem>>, %arg9: memref<112xf32, #tpu.memory_space<vmem>>, %arg10: memref<112xf32, #tpu.memory_space<vmem>>, %arg11: memref<112xf32, #tpu.memory_space<vmem>>, %arg12: memref<112xf32, #tpu.memory_space<vmem>>, %arg13: memref<384x96xf32, #tpu.memory_space<vmem>>, %arg14: memref<96x96xf32, #tpu.memory_space<vmem>>, %arg15: memref<!tpu.dma_semaphore, #tpu.memory_space<semaphore_mem>>, %arg16: memref<!tpu.dma_semaphore, #tpu.memory_space<semaphore_mem>>, %arg17: memref<96xf32, #tpu.memory_space<vmem>>, %arg18: memref<96xf32, #tpu.memory_space<vmem>>, %arg19: memref<384xi32, #tpu.memory_space<vmem>>, %arg20: memref<112xf32, #tpu.memory_space<vmem>>, %arg21: memref<112xf32, #tpu.memory_space<vmem>>, %arg22: memref<112xf32, #tpu.memory_space<vmem>>, %arg23: memref<112xf32, #tpu.memory_space<vmem>>, %arg24: memref<384x96xf32, #tpu.memory_space<vmem>>, %arg25: memref<96x96xf32, #tpu.memory_space<vmem>>, %arg26: memref<!tpu.dma_semaphore, #tpu.memory_space<semaphore_mem>>, %arg27: memref<!tpu.dma_semaphore, #tpu.memory_space<semaphore_mem>>) attributes {dimension_semantics = [#tpu.dimension_semantics<core_parallel>, #tpu.dimension_semantics<subcore_parallel>], iteration_bounds = array<i64: 2, 16>, scalar_prefetch = 0 : i64, scratch_operands = 22 : i64, tpu.core_type = #tpu.core_type<sc_vector_subcore>, window_params = [{transform_indices = #map}, {transform_indices = #map1}, {transform_indices = #map1}, {transform_indices = #map2}]} {
    %mul3A = arith.constant 2 : i32
    %mul3A_0 = arith.muli %arg1, %mul3A : i32
    %add3A = arith.addi %mul3A_0, %arg0 : i32
    %mul3A_1 = arith.constant 9216 : i32
    %mul3A_2 = arith.muli %add3A, %mul3A_1 : i32
    %div3A = arith.constant 147456 : i32
    %div3A_3 = arith.divsi %mul3A_2, %div3A : i32
    %add3A_4 = arith.constant 0 : i32
    %add3A_5 = arith.addi %mul3A_2, %add3A_4 : i32
    %multiple_of3A = tpu.assume_multiple %add3A_5, 8 : i32
    %dma_start3A = tpu.memref_slice %arg3[%multiple_of3A] : memref<294912xf32, #tpu.memory_space<hbm>> -> memref<96xf32, #tpu.memory_space<hbm>>
    %dma_start3A_6 = tpu.memref_slice %arg3[%multiple_of3A] : memref<294912xf32, #tpu.memory_space<hbm>> -> memref<96xf32, #tpu.memory_space<hbm>>
    tpu.enqueue_dma source(%dma_start3A_6 : memref<96xf32, #tpu.memory_space<hbm>>) target(%arg6 : memref<96xf32, #tpu.memory_space<vmem>>) target_semaphore(%arg15 : memref<!tpu.dma_semaphore, #tpu.memory_space<semaphore_mem>>)
    %dma_start3A_7 = tpu.memref_slice %arg4[%multiple_of3A] : memref<294912xf32, #tpu.memory_space<hbm>> -> memref<96xf32, #tpu.memory_space<hbm>>
    %dma_start3A_8 = tpu.memref_slice %arg4[%multiple_of3A] : memref<294912xf32, #tpu.memory_space<hbm>> -> memref<96xf32, #tpu.memory_space<hbm>>
    tpu.enqueue_dma source(%dma_start3A_8 : memref<96xf32, #tpu.memory_space<hbm>>) target(%arg7 : memref<96xf32, #tpu.memory_space<vmem>>) target_semaphore(%arg15 : memref<!tpu.dma_semaphore, #tpu.memory_space<semaphore_mem>>)
    %dma_wait3A = tpu.memref_slice %arg3[%multiple_of3A] : memref<294912xf32, #tpu.memory_space<hbm>> -> memref<96xf32, #tpu.memory_space<hbm>>
    %dma_wait3A_9 = tpu.memref_slice %arg3[%multiple_of3A] : memref<294912xf32, #tpu.memory_space<hbm>> -> memref<96xf32, #tpu.memory_space<hbm>>
    tpu.wait_dma2 semaphore(%arg15 : memref<!tpu.dma_semaphore, #tpu.memory_space<semaphore_mem>>) src(%dma_wait3A_9 : memref<96xf32, #tpu.memory_space<hbm>>) dst(%arg6 : memref<96xf32, #tpu.memory_space<vmem>>)
    %dma_wait3A_10 = tpu.memref_slice %arg4[%multiple_of3A] : memref<294912xf32, #tpu.memory_space<hbm>> -> memref<96xf32, #tpu.memory_space<hbm>>
    %dma_wait3A_11 = tpu.memref_slice %arg4[%multiple_of3A] : memref<294912xf32, #tpu.memory_space<hbm>> -> memref<96xf32, #tpu.memory_space<hbm>>
    tpu.wait_dma2 semaphore(%arg15 : memref<!tpu.dma_semaphore, #tpu.memory_space<semaphore_mem>>) src(%dma_wait3A_11 : memref<96xf32, #tpu.memory_space<hbm>>) dst(%arg7 : memref<96xf32, #tpu.memory_space<vmem>>)
    %scan3A = arith.constant 0 : i32
    %scan3A_12 = arith.constant 0 : i32
    %scan3A_13 = arith.constant 6 : i32
    %scan3A_14 = arith.addi %scan3A_12, %scan3A_13 : i32
    %scan3A_15 = arith.constant 1 : i32
    scf.for %scan3A_57 = %scan3A_12 to %scan3A_14 step %scan3A_15  : i32 {
      %mul3A_58 = arith.constant 16 : i32
      %mul3A_59 = arith.muli %scan3A_57, %mul3A_58 : i32
      %mul3A_60 = arith.constant 16 : i32
      %mul3A_61 = arith.muli %scan3A_57, %mul3A_60 : i32
      %add3A_62 = arith.addi %multiple_of3A, %mul3A_61 : i32
      %iota3A = tpu.iota {dimensions = array<i32: 0>} : vector<16xi32>
      %add3A_63 = vector.broadcast %add3A_62 : i32 to vector<16xi32>
      %add3A_64 = arith.addi %add3A_63, %iota3A : vector<16xi32>
      %rem3A_65 = arith.constant 384 : i32
      %rem3A_66 = vector.broadcast %rem3A_65 : i32 to vector<16xi32>
      %rem3A_67 = arith.remsi %add3A_64, %rem3A_66 : vector<16xi32>
      %div3A_68 = arith.constant 384 : i32
      %div3A_69 = vector.broadcast %div3A_68 : i32 to vector<16xi32>
      %div3A_70 = arith.divsi %add3A_64, %div3A_69 : vector<16xi32>
      %rem3A_71 = arith.constant 384 : i32
      %rem3A_72 = vector.broadcast %rem3A_71 : i32 to vector<16xi32>
      %rem3A_73 = arith.remsi %div3A_70, %rem3A_72 : vector<16xi32>
      %get3A = arith.index_cast %mul3A_59 : i32 to index
      %get3A_74 = tpu.vector_load %arg6[%get3A] {strides = array<i32>} : memref<96xf32, #tpu.memory_space<vmem>>, vector<16xf32>,
      %get3A_75 = vector.shape_cast %get3A_74 : vector<16xf32> to vector<16xf32>
      %convert_element_type3A = arith.sitofp %rem3A_67 : vector<16xi32> to vector<16xf32>
      %add3A_76 = arith.addf %get3A_75, %convert_element_type3A : vector<16xf32>
      %add3A_77 = arith.constant 1.000000e+00 : f32
      %add3A_78 = vector.broadcast %add3A_77 : f32 to vector<16xf32>
      %add3A_79 = arith.addf %add3A_76, %add3A_78 : vector<16xf32>
      %get3A_80 = arith.index_cast %mul3A_59 : i32 to index
      %get3A_81 = tpu.vector_load %arg7[%get3A_80] {strides = array<i32>} : memref<96xf32, #tpu.memory_space<vmem>>, vector<16xf32>,
      %get3A_82 = vector.shape_cast %get3A_81 : vector<16xf32> to vector<16xf32>
      %convert_element_type3A_83 = arith.sitofp %rem3A_73 : vector<16xi32> to vector<16xf32>
      %add3A_84 = arith.addf %get3A_82, %convert_element_type3A_83 : vector<16xf32>
      %add3A_85 = arith.constant 1.000000e+00 : f32
      %add3A_86 = vector.broadcast %add3A_85 : f32 to vector<16xf32>
      %add3A_87 = arith.addf %add3A_84, %add3A_86 : vector<16xf32>
      %convert_element_type3A_88 = arith.fptosi %add3A_79 : vector<16xf32> to vector<16xi32>
      %convert_element_type3A_89 = arith.sitofp %convert_element_type3A_88 : vector<16xi32> to vector<16xf32>
      %gt3A = arith.cmpf ogt, %convert_element_type3A_89, %add3A_79 : vector<16xf32>
      %sub3A = arith.constant 1 : i32
      %sub3A_90 = vector.broadcast %sub3A : i32 to vector<16xi32>
      %sub3A_91 = arith.subi %convert_element_type3A_88, %sub3A_90 : vector<16xi32>
      %select_n3A = arith.select %gt3A, %sub3A_91, %convert_element_type3A_88 : vector<16xi1>, vector<16xi32>
      %convert_element_type3A_92 = arith.fptosi %add3A_87 : vector<16xf32> to vector<16xi32>
      %convert_element_type3A_93 = arith.sitofp %convert_element_type3A_92 : vector<16xi32> to vector<16xf32>
      %gt3A_94 = arith.cmpf ogt, %convert_element_type3A_93, %add3A_87 : vector<16xf32>
      %sub3A_95 = arith.constant 1 : i32
      %sub3A_96 = vector.broadcast %sub3A_95 : i32 to vector<16xi32>
      %sub3A_97 = arith.subi %convert_element_type3A_92, %sub3A_96 : vector<16xi32>
      %select_n3A_98 = arith.select %gt3A_94, %sub3A_97, %convert_element_type3A_92 : vector<16xi1>, vector<16xi32>
      %jit3A = arith.constant 0 : i32
      %jit3A_99 = arith.constant 385 : i32
      %max3A = vector.broadcast %jit3A : i32 to vector<16xi32>
      %max3A_100 = arith.maxsi %max3A, %select_n3A : vector<16xi32>
      %min3A = vector.broadcast %jit3A_99 : i32 to vector<16xi32>
      %min3A_101 = arith.minsi %min3A, %max3A_100 : vector<16xi32>
      %add3A_102 = arith.constant 1 : i32
      %add3A_103 = vector.broadcast %add3A_102 : i32 to vector<16xi32>
      %add3A_104 = arith.addi %select_n3A, %add3A_103 : vector<16xi32>
      %jit3A_105 = arith.constant 0 : i32
      %jit3A_106 = arith.constant 385 : i32
      %max3A_107 = vector.broadcast %jit3A_105 : i32 to vector<16xi32>
      %max3A_108 = arith.maxsi %max3A_107, %add3A_104 : vector<16xi32>
      %min3A_109 = vector.broadcast %jit3A_106 : i32 to vector<16xi32>
      %min3A_110 = arith.minsi %min3A_109, %max3A_108 : vector<16xi32>
      %jit3A_111 = arith.constant 0 : i32
      %jit3A_112 = arith.constant 385 : i32
      %max3A_113 = vector.broadcast %jit3A_111 : i32 to vector<16xi32>
      %max3A_114 = arith.maxsi %max3A_113, %select_n3A_98 : vector<16xi32>
      %min3A_115 = vector.broadcast %jit3A_112 : i32 to vector<16xi32>
      %min3A_116 = arith.minsi %min3A_115, %max3A_114 : vector<16xi32>
      %add3A_117 = arith.constant 1 : i32
      %add3A_118 = vector.broadcast %add3A_117 : i32 to vector<16xi32>
      %add3A_119 = arith.addi %select_n3A_98, %add3A_118 : vector<16xi32>
      %jit3A_120 = arith.constant 0 : i32
      %jit3A_121 = arith.constant 385 : i32
      %max3A_122 = vector.broadcast %jit3A_120 : i32 to vector<16xi32>
      %max3A_123 = arith.maxsi %max3A_122, %add3A_119 : vector<16xi32>
      %min3A_124 = vector.broadcast %jit3A_121 : i32 to vector<16xi32>
      %min3A_125 = arith.minsi %min3A_124, %max3A_123 : vector<16xi32>
      %convert_element_type3A_126 = arith.sitofp %min3A_110 : vector<16xi32> to vector<16xf32>
      %sub3A_127 = arith.subf %convert_element_type3A_126, %add3A_79 : vector<16xf32>
      %convert_element_type3A_128 = arith.sitofp %min3A_125 : vector<16xi32> to vector<16xf32>
      %sub3A_129 = arith.subf %convert_element_type3A_128, %add3A_87 : vector<16xf32>
      %mul3A_130 = arith.mulf %sub3A_127, %sub3A_129 : vector<16xf32>
      %sub3A_131 = arith.constant 1.000000e+00 : f32
      %sub3A_132 = vector.broadcast %sub3A_131 : f32 to vector<16xf32>
      %sub3A_133 = arith.subf %sub3A_132, %sub3A_129 : vector<16xf32>
      %mul3A_134 = arith.mulf %sub3A_127, %sub3A_133 : vector<16xf32>
      %sub3A_135 = arith.constant 1.000000e+00 : f32
      %sub3A_136 = vector.broadcast %sub3A_135 : f32 to vector<16xf32>
      %sub3A_137 = arith.subf %sub3A_136, %sub3A_127 : vector<16xf32>
      %mul3A_138 = arith.mulf %sub3A_137, %sub3A_129 : vector<16xf32>
      %sub3A_139 = arith.constant 1.000000e+00 : f32
      %sub3A_140 = vector.broadcast %sub3A_139 : f32 to vector<16xf32>
      %sub3A_141 = arith.subf %sub3A_140, %sub3A_127 : vector<16xf32>
      %sub3A_142 = arith.constant 1.000000e+00 : f32
      %sub3A_143 = vector.broadcast %sub3A_142 : f32 to vector<16xf32>
      %sub3A_144 = arith.subf %sub3A_143, %sub3A_129 : vector<16xf32>
      %mul3A_145 = arith.mulf %sub3A_141, %sub3A_144 : vector<16xf32>
      %sub3A_146 = arith.constant 1 : i32
      %sub3A_147 = vector.broadcast %sub3A_146 : i32 to vector<16xi32>
      %sub3A_148 = arith.subi %min3A_101, %sub3A_147 : vector<16xi32>
      %jit3A_149 = arith.constant 0 : i32
      %jit3A_150 = arith.constant 383 : i32
      %max3A_151 = vector.broadcast %jit3A_149 : i32 to vector<16xi32>
      %max3A_152 = arith.maxsi %max3A_151, %sub3A_148 : vector<16xi32>
      %min3A_153 = vector.broadcast %jit3A_150 : i32 to vector<16xi32>
      %min3A_154 = arith.minsi %min3A_153, %max3A_152 : vector<16xi32>
      %sub3A_155 = arith.constant 1 : i32
      %sub3A_156 = vector.broadcast %sub3A_155 : i32 to vector<16xi32>
      %sub3A_157 = arith.subi %min3A_116, %sub3A_156 : vector<16xi32>
      %jit3A_158 = arith.constant 0 : i32
      %jit3A_159 = arith.constant 383 : i32
      %max3A_160 = vector.broadcast %jit3A_158 : i32 to vector<16xi32>
      %max3A_161 = arith.maxsi %max3A_160, %sub3A_157 : vector<16xi32>
      %min3A_162 = vector.broadcast %jit3A_159 : i32 to vector<16xi32>
      %min3A_163 = arith.minsi %min3A_162, %max3A_161 : vector<16xi32>
      %mul3A_164 = arith.constant 384 : i32
      %mul3A_165 = vector.broadcast %mul3A_164 : i32 to vector<16xi32>
      %mul3A_166 = arith.muli %min3A_163, %mul3A_165 : vector<16xi32>
      %add3A_167 = arith.addi %mul3A_166, %min3A_154 : vector<16xi32>
      %mul3A_168 = arith.constant 16 : i32
      %mul3A_169 = arith.muli %scan3A_57, %mul3A_168 : i32
      %swap3A = arith.index_cast %mul3A_169 : i32 to index
      %swap3A_170 = tpu.vector_load %arg8[%swap3A] {strides = array<i32>} : memref<384xi32, #tpu.memory_space<vmem>>, vector<16xi32>,
      %swap3A_171 = vector.shape_cast %swap3A_170 : vector<16xi32> to vector<16xi32>
      %swap3A_172 = vector.shape_cast %add3A_167 : vector<16xi32> to vector<16xi32>
      tpu.vector_store %arg8[%swap3A], %swap3A_172 {strides = array<i32>} : memref<384xi32, #tpu.memory_space<vmem>>, vector<16xi32>,
      %ge3A = arith.constant 1 : i32
      %ge3A_173 = vector.broadcast %ge3A : i32 to vector<16xi32>
      %ge3A_174 = arith.cmpi sge, %min3A_101, %ge3A_173 : vector<16xi32>
      %le3A = arith.constant 384 : i32
      %le3A_175 = vector.broadcast %le3A : i32 to vector<16xi32>
      %le3A_176 = arith.cmpi sle, %min3A_101, %le3A_175 : vector<16xi32>
      %and3A = arith.andi %ge3A_174, %le3A_176 : vector<16xi1>
      %ge3A_177 = arith.constant 1 : i32
      %ge3A_178 = vector.broadcast %ge3A_177 : i32 to vector<16xi32>
      %ge3A_179 = arith.cmpi sge, %min3A_116, %ge3A_178 : vector<16xi32>
      %and3A_180 = arith.andi %and3A, %ge3A_179 : vector<16xi1>
      %le3A_181 = arith.constant 384 : i32
      %le3A_182 = vector.broadcast %le3A_181 : i32 to vector<16xi32>
      %le3A_183 = arith.cmpi sle, %min3A_116, %le3A_182 : vector<16xi32>
      %and3A_184 = arith.andi %and3A_180, %le3A_183 : vector<16xi1>
      %jit3A_185 = arith.constant 0.000000e+00 : f32
      %broadcast_in_dim3A = vector.broadcast %jit3A_185 : f32 to vector<16xf32>
      %select_n3A_186 = arith.select %and3A_184, %mul3A_130, %broadcast_in_dim3A : vector<16xi1>, vector<16xf32>
      %swap3A_187 = arith.index_cast %mul3A_59 : i32 to index
      %swap3A_188 = tpu.vector_load %arg9[%swap3A_187] {strides = array<i32>} : memref<112xf32, #tpu.memory_space<vmem>>, vector<16xf32>,
      %swap3A_189 = vector.shape_cast %swap3A_188 : vector<16xf32> to vector<16xf32>
      %swap3A_190 = vector.shape_cast %select_n3A_186 : vector<16xf32> to vector<16xf32>
      tpu.vector_store %arg9[%swap3A_187], %swap3A_190 {strides = array<i32>} : memref<112xf32, #tpu.memory_space<vmem>>, vector<16xf32>,
      %sub3A_191 = arith.constant 1 : i32
      %sub3A_192 = vector.broadcast %sub3A_191 : i32 to vector<16xi32>
      %sub3A_193 = arith.subi %min3A_101, %sub3A_192 : vector<16xi32>
      %jit3A_194 = arith.constant 0 : i32
      %jit3A_195 = arith.constant 383 : i32
      %max3A_196 = vector.broadcast %jit3A_194 : i32 to vector<16xi32>
      %max3A_197 = arith.maxsi %max3A_196, %sub3A_193 : vector<16xi32>
      %min3A_198 = vector.broadcast %jit3A_195 : i32 to vector<16xi32>
      %min3A_199 = arith.minsi %min3A_198, %max3A_197 : vector<16xi32>
      %sub3A_200 = arith.constant 1 : i32
      %sub3A_201 = vector.broadcast %sub3A_200 : i32 to vector<16xi32>
      %sub3A_202 = arith.subi %min3A_125, %sub3A_201 : vector<16xi32>
      %jit3A_203 = arith.constant 0 : i32
      %jit3A_204 = arith.constant 383 : i32
      %max3A_205 = vector.broadcast %jit3A_203 : i32 to vector<16xi32>
      %max3A_206 = arith.maxsi %max3A_205, %sub3A_202 : vector<16xi32>
      %min3A_207 = vector.broadcast %jit3A_204 : i32 to vector<16xi32>
      %min3A_208 = arith.minsi %min3A_207, %max3A_206 : vector<16xi32>
      %mul3A_209 = arith.constant 384 : i32
      %mul3A_210 = vector.broadcast %mul3A_209 : i32 to vector<16xi32>
      %mul3A_211 = arith.muli %min3A_208, %mul3A_210 : vector<16xi32>
      %add3A_212 = arith.addi %mul3A_211, %min3A_199 : vector<16xi32>
      %mul3A_213 = arith.constant 16 : i32
      %mul3A_214 = arith.muli %scan3A_57, %mul3A_213 : i32
      %add3A_215 = arith.constant 96 : i32
      %add3A_216 = arith.addi %add3A_215, %mul3A_214 : i32
      %swap3A_217 = arith.index_cast %add3A_216 : i32 to index
      %swap3A_218 = tpu.vector_load %arg8[%swap3A_217] {strides = array<i32>} : memref<384xi32, #tpu.memory_space<vmem>>, vector<16xi32>,
      %swap3A_219 = vector.shape_cast %swap3A_218 : vector<16xi32> to vector<16xi32>
      %swap3A_220 = vector.shape_cast %add3A_212 : vector<16xi32> to vector<16xi32>
      tpu.vector_store %arg8[%swap3A_217], %swap3A_220 {strides = array<i32>} : memref<384xi32, #tpu.memory_space<vmem>>, vector<16xi32>,
      %ge3A_221 = arith.constant 1 : i32
      %ge3A_222 = vector.broadcast %ge3A_221 : i32 to vector<16xi32>
      %ge3A_223 = arith.cmpi sge, %min3A_101, %ge3A_222 : vector<16xi32>
      %le3A_224 = arith.constant 384 : i32
      %le3A_225 = vector.broadcast %le3A_224 : i32 to vector<16xi32>
      %le3A_226 = arith.cmpi sle, %min3A_101, %le3A_225 : vector<16xi32>
      %and3A_227 = arith.andi %ge3A_223, %le3A_226 : vector<16xi1>
      %ge3A_228 = arith.constant 1 : i32
      %ge3A_229 = vector.broadcast %ge3A_228 : i32 to vector<16xi32>
      %ge3A_230 = arith.cmpi sge, %min3A_125, %ge3A_229 : vector<16xi32>
      %and3A_231 = arith.andi %and3A_227, %ge3A_230 : vector<16xi1>
      %le3A_232 = arith.constant 384 : i32
      %le3A_233 = vector.broadcast %le3A_232 : i32 to vector<16xi32>
      %le3A_234 = arith.cmpi sle, %min3A_125, %le3A_233 : vector<16xi32>
      %and3A_235 = arith.andi %and3A_231, %le3A_234 : vector<16xi1>
      %jit3A_236 = arith.constant 0.000000e+00 : f32
      %broadcast_in_dim3A_237 = vector.broadcast %jit3A_236 : f32 to vector<16xf32>
      %select_n3A_238 = arith.select %and3A_235, %mul3A_134, %broadcast_in_dim3A_237 : vector<16xi1>, vector<16xf32>
      %swap3A_239 = arith.index_cast %mul3A_59 : i32 to index
      %swap3A_240 = tpu.vector_load %arg10[%swap3A_239] {strides = array<i32>} : memref<112xf32, #tpu.memory_space<vmem>>, vector<16xf32>,
      %swap3A_241 = vector.shape_cast %swap3A_240 : vector<16xf32> to vector<16xf32>
      %swap3A_242 = vector.shape_cast %select_n3A_238 : vector<16xf32> to vector<16xf32>
      tpu.vector_store %arg10[%swap3A_239], %swap3A_242 {strides = array<i32>} : memref<112xf32, #tpu.memory_space<vmem>>, vector<16xf32>,
      %sub3A_243 = arith.constant 1 : i32
      %sub3A_244 = vector.broadcast %sub3A_243 : i32 to vector<16xi32>
      %sub3A_245 = arith.subi %min3A_110, %sub3A_244 : vector<16xi32>
      %jit3A_246 = arith.constant 0 : i32
      %jit3A_247 = arith.constant 383 : i32
      %max3A_248 = vector.broadcast %jit3A_246 : i32 to vector<16xi32>
      %max3A_249 = arith.maxsi %max3A_248, %sub3A_245 : vector<16xi32>
      %min3A_250 = vector.broadcast %jit3A_247 : i32 to vector<16xi32>
      %min3A_251 = arith.minsi %min3A_250, %max3A_249 : vector<16xi32>
      %sub3A_252 = arith.constant 1 : i32
      %sub3A_253 = vector.broadcast %sub3A_252 : i32 to vector<16xi32>
      %sub3A_254 = arith.subi %min3A_116, %sub3A_253 : vector<16xi32>
      %jit3A_255 = arith.constant 0 : i32
      %jit3A_256 = arith.constant 383 : i32
      %max3A_257 = vector.broadcast %jit3A_255 : i32 to vector<16xi32>
      %max3A_258 = arith.maxsi %max3A_257, %sub3A_254 : vector<16xi32>
      %min3A_259 = vector.broadcast %jit3A_256 : i32 to vector<16xi32>
      %min3A_260 = arith.minsi %min3A_259, %max3A_258 : vector<16xi32>
      %mul3A_261 = arith.constant 384 : i32
      %mul3A_262 = vector.broadcast %mul3A_261 : i32 to vector<16xi32>
      %mul3A_263 = arith.muli %min3A_260, %mul3A_262 : vector<16xi32>
      %add3A_264 = arith.addi %mul3A_263, %min3A_251 : vector<16xi32>
      %mul3A_265 = arith.constant 16 : i32
      %mul3A_266 = arith.muli %scan3A_57, %mul3A_265 : i32
      %add3A_267 = arith.constant 192 : i32
      %add3A_268 = arith.addi %add3A_267, %mul3A_266 : i32
      %swap3A_269 = arith.index_cast %add3A_268 : i32 to index
      %swap3A_270 = tpu.vector_load %arg8[%swap3A_269] {strides = array<i32>} : memref<384xi32, #tpu.memory_space<vmem>>, vector<16xi32>,
      %swap3A_271 = vector.shape_cast %swap3A_270 : vector<16xi32> to vector<16xi32>
      %swap3A_272 = vector.shape_cast %add3A_264 : vector<16xi32> to vector<16xi32>
      tpu.vector_store %arg8[%swap3A_269], %swap3A_272 {strides = array<i32>} : memref<384xi32, #tpu.memory_space<vmem>>, vector<16xi32>,
      %ge3A_273 = arith.constant 1 : i32
      %ge3A_274 = vector.broadcast %ge3A_273 : i32 to vector<16xi32>
      %ge3A_275 = arith.cmpi sge, %min3A_110, %ge3A_274 : vector<16xi32>
      %le3A_276 = arith.constant 384 : i32
      %le3A_277 = vector.broadcast %le3A_276 : i32 to vector<16xi32>
      %le3A_278 = arith.cmpi sle, %min3A_110, %le3A_277 : vector<16xi32>
      %and3A_279 = arith.andi %ge3A_275, %le3A_278 : vector<16xi1>
      %ge3A_280 = arith.constant 1 : i32
      %ge3A_281 = vector.broadcast %ge3A_280 : i32 to vector<16xi32>
      %ge3A_282 = arith.cmpi sge, %min3A_116, %ge3A_281 : vector<16xi32>
      %and3A_283 = arith.andi %and3A_279, %ge3A_282 : vector<16xi1>
      %le3A_284 = arith.constant 384 : i32
      %le3A_285 = vector.broadcast %le3A_284 : i32 to vector<16xi32>
      %le3A_286 = arith.cmpi sle, %min3A_116, %le3A_285 : vector<16xi32>
      %and3A_287 = arith.andi %and3A_283, %le3A_286 : vector<16xi1>
      %jit3A_288 = arith.constant 0.000000e+00 : f32
      %broadcast_in_dim3A_289 = vector.broadcast %jit3A_288 : f32 to vector<16xf32>
      %select_n3A_290 = arith.select %and3A_287, %mul3A_138, %broadcast_in_dim3A_289 : vector<16xi1>, vector<16xf32>
      %swap3A_291 = arith.index_cast %mul3A_59 : i32 to index
      %swap3A_292 = tpu.vector_load %arg11[%swap3A_291] {strides = array<i32>} : memref<112xf32, #tpu.memory_space<vmem>>, vector<16xf32>,
      %swap3A_293 = vector.shape_cast %swap3A_292 : vector<16xf32> to vector<16xf32>
      %swap3A_294 = vector.shape_cast %select_n3A_290 : vector<16xf32> to vector<16xf32>
      tpu.vector_store %arg11[%swap3A_291], %swap3A_294 {strides = array<i32>} : memref<112xf32, #tpu.memory_space<vmem>>, vector<16xf32>,
      %sub3A_295 = arith.constant 1 : i32
      %sub3A_296 = vector.broadcast %sub3A_295 : i32 to vector<16xi32>
      %sub3A_297 = arith.subi %min3A_110, %sub3A_296 : vector<16xi32>
      %jit3A_298 = arith.constant 0 : i32
      %jit3A_299 = arith.constant 383 : i32
      %max3A_300 = vector.broadcast %jit3A_298 : i32 to vector<16xi32>
      %max3A_301 = arith.maxsi %max3A_300, %sub3A_297 : vector<16xi32>
      %min3A_302 = vector.broadcast %jit3A_299 : i32 to vector<16xi32>
      %min3A_303 = arith.minsi %min3A_302, %max3A_301 : vector<16xi32>
      %sub3A_304 = arith.constant 1 : i32
      %sub3A_305 = vector.broadcast %sub3A_304 : i32 to vector<16xi32>
      %sub3A_306 = arith.subi %min3A_125, %sub3A_305 : vector<16xi32>
      %jit3A_307 = arith.constant 0 : i32
      %jit3A_308 = arith.constant 383 : i32
      %max3A_309 = vector.broadcast %jit3A_307 : i32 to vector<16xi32>
      %max3A_310 = arith.maxsi %max3A_309, %sub3A_306 : vector<16xi32>
      %min3A_311 = vector.broadcast %jit3A_308 : i32 to vector<16xi32>
      %min3A_312 = arith.minsi %min3A_311, %max3A_310 : vector<16xi32>
      %mul3A_313 = arith.constant 384 : i32
      %mul3A_314 = vector.broadcast %mul3A_313 : i32 to vector<16xi32>
      %mul3A_315 = arith.muli %min3A_312, %mul3A_314 : vector<16xi32>
      %add3A_316 = arith.addi %mul3A_315, %min3A_303 : vector<16xi32>
      %mul3A_317 = arith.constant 16 : i32
      %mul3A_318 = arith.muli %scan3A_57, %mul3A_317 : i32
      %add3A_319 = arith.constant 288 : i32
      %add3A_320 = arith.addi %add3A_319, %mul3A_318 : i32
      %swap3A_321 = arith.index_cast %add3A_320 : i32 to index
      %swap3A_322 = tpu.vector_load %arg8[%swap3A_321] {strides = array<i32>} : memref<384xi32, #tpu.memory_space<vmem>>, vector<16xi32>,
      %swap3A_323 = vector.shape_cast %swap3A_322 : vector<16xi32> to vector<16xi32>
      %swap3A_324 = vector.shape_cast %add3A_316 : vector<16xi32> to vector<16xi32>
      tpu.vector_store %arg8[%swap3A_321], %swap3A_324 {strides = array<i32>} : memref<384xi32, #tpu.memory_space<vmem>>, vector<16xi32>,
      %ge3A_325 = arith.constant 1 : i32
      %ge3A_326 = vector.broadcast %ge3A_325 : i32 to vector<16xi32>
      %ge3A_327 = arith.cmpi sge, %min3A_110, %ge3A_326 : vector<16xi32>
      %le3A_328 = arith.constant 384 : i32
      %le3A_329 = vector.broadcast %le3A_328 : i32 to vector<16xi32>
      %le3A_330 = arith.cmpi sle, %min3A_110, %le3A_329 : vector<16xi32>
      %and3A_331 = arith.andi %ge3A_327, %le3A_330 : vector<16xi1>
      %ge3A_332 = arith.constant 1 : i32
      %ge3A_333 = vector.broadcast %ge3A_332 : i32 to vector<16xi32>
      %ge3A_334 = arith.cmpi sge, %min3A_125, %ge3A_333 : vector<16xi32>
      %and3A_335 = arith.andi %and3A_331, %ge3A_334 : vector<16xi1>
      %le3A_336 = arith.constant 384 : i32
      %le3A_337 = vector.broadcast %le3A_336 : i32 to vector<16xi32>
      %le3A_338 = arith.cmpi sle, %min3A_125, %le3A_337 : vector<16xi32>
      %and3A_339 = arith.andi %and3A_335, %le3A_338 : vector<16xi1>
      %jit3A_340 = arith.constant 0.000000e+00 : f32
      %broadcast_in_dim3A_341 = vector.broadcast %jit3A_340 : f32 to vector<16xf32>
      %select_n3A_342 = arith.select %and3A_339, %mul3A_145, %broadcast_in_dim3A_341 : vector<16xi1>, vector<16xf32>
      %swap3A_343 = arith.index_cast %mul3A_59 : i32 to index
      %swap3A_344 = tpu.vector_load %arg12[%swap3A_343] {strides = array<i32>} : memref<112xf32, #tpu.memory_space<vmem>>, vector<16xf32>,
      %swap3A_345 = vector.shape_cast %swap3A_344 : vector<16xf32> to vector<16xf32>
      %swap3A_346 = vector.shape_cast %select_n3A_342 : vector<16xf32> to vector<16xf32>
      tpu.vector_store %arg12[%swap3A_343], %swap3A_346 {strides = array<i32>} : memref<112xf32, #tpu.memory_space<vmem>>, vector<16xf32>,
    }
    %scan3A_16 = arith.constant 6 : i32
    %dma_start3A_17 = arith.constant 0 : i32
    %dma_start3A_18 = arith.constant 0 : i32
    %dma_start3A_19 = tpu.memref_slice %arg2[%div3A_3, %dma_start3A_17, %dma_start3A_18] : memref<2x147456x96xf32, #tpu.memory_space<hbm>> -> memref<1x147456x96xf32, #tpu.memory_space<hbm>>
    %dma_start3A_20 = tpu.memref_squeeze %dma_start3A_19 : memref<1x147456x96xf32, #tpu.memory_space<hbm>> -> memref<147456x96xf32, #tpu.memory_space<hbm>>
    %dma_start3A_21 = arith.constant 0 : i32
    %dma_start3A_22 = arith.constant 0 : i32
    %dma_start3A_23 = tpu.memref_slice %dma_start3A_20[%dma_start3A_21, %dma_start3A_22] : memref<147456x96xf32, #tpu.memory_space<hbm>> -> memref<147456x96xf32, #tpu.memory_space<hbm>>
    tpu.enqueue_indirect_dma source(%dma_start3A_23 : memref<147456x96xf32, #tpu.memory_space<hbm>>) target(%arg13 : memref<384x96xf32, #tpu.memory_space<vmem>>) offsets(%arg8 : memref<384xi32, #tpu.memory_space<vmem>>) semaphore(%arg15 : memref<!tpu.dma_semaphore, #tpu.memory_space<semaphore_mem>>)
    %scan3A_24 = arith.constant 0 : i32
    %scan3A_25 = arith.constant 0 : i32
    %scan3A_26 = arith.constant 48 : i32
    %scan3A_27 = arith.addi %scan3A_25, %scan3A_26 : i32
    %scan3A_28 = arith.constant 1 : i32
    scf.for %scan3A_57 = %scan3A_25 to %scan3A_27 step %scan3A_28  : i32 {
      %mul3A_58 = arith.constant 2 : i32
      %mul3A_59 = arith.muli %scan3A_57, %mul3A_58 : i32
      %add3A_60 = arith.constant 0 : i32
      %add3A_61 = arith.addi %mul3A_59, %add3A_60 : i32
      %add3A_62 = arith.constant 1 : i32
      %add3A_63 = arith.addi %add3A_61, %add3A_62 : i32
      %lt3A = arith.constant 96 : i32
      %lt3A_64 = arith.cmpi slt, %add3A_63, %lt3A : i32
      %convert_element_type3A = arith.extui %lt3A_64 : i1 to i32
      %cond3A = arith.constant 0 : i32
      %cond3A_65 = arith.cmpi ne, %convert_element_type3A, %cond3A : i32
      scf.if %cond3A_65 {
        %mul3A_148 = arith.constant 96 : i32
        %mul3A_149 = arith.muli %add3A_63, %mul3A_148 : i32
        %add3A_150 = arith.addi %mul3A_2, %mul3A_149 : i32
        %multiple_of3A_151 = tpu.assume_multiple %add3A_150, 8 : i32
        %dma_start3A_152 = tpu.memref_slice %arg3[%multiple_of3A_151] : memref<294912xf32, #tpu.memory_space<hbm>> -> memref<96xf32, #tpu.memory_space<hbm>>
        %dma_start3A_153 = tpu.memref_slice %arg3[%multiple_of3A_151] : memref<294912xf32, #tpu.memory_space<hbm>> -> memref<96xf32, #tpu.memory_space<hbm>>
        tpu.enqueue_dma source(%dma_start3A_153 : memref<96xf32, #tpu.memory_space<hbm>>) target(%arg17 : memref<96xf32, #tpu.memory_space<vmem>>) target_semaphore(%arg26 : memref<!tpu.dma_semaphore, #tpu.memory_space<semaphore_mem>>)
        %dma_start3A_154 = tpu.memref_slice %arg4[%multiple_of3A_151] : memref<294912xf32, #tpu.memory_space<hbm>> -> memref<96xf32, #tpu.memory_space<hbm>>
        %dma_start3A_155 = tpu.memref_slice %arg4[%multiple_of3A_151] : memref<294912xf32, #tpu.memory_space<hbm>> -> memref<96xf32, #tpu.memory_space<hbm>>
        tpu.enqueue_dma source(%dma_start3A_155 : memref<96xf32, #tpu.memory_space<hbm>>) target(%arg18 : memref<96xf32, #tpu.memory_space<vmem>>) target_semaphore(%arg26 : memref<!tpu.dma_semaphore, #tpu.memory_space<semaphore_mem>>)
        %dma_wait3A_156 = tpu.memref_slice %arg3[%multiple_of3A_151] : memref<294912xf32, #tpu.memory_space<hbm>> -> memref<96xf32, #tpu.memory_space<hbm>>
        %dma_wait3A_157 = tpu.memref_slice %arg3[%multiple_of3A_151] : memref<294912xf32, #tpu.memory_space<hbm>> -> memref<96xf32, #tpu.memory_space<hbm>>
        tpu.wait_dma2 semaphore(%arg26 : memref<!tpu.dma_semaphore, #tpu.memory_space<semaphore_mem>>) src(%dma_wait3A_157 : memref<96xf32, #tpu.memory_space<hbm>>) dst(%arg17 : memref<96xf32, #tpu.memory_space<vmem>>)
        %dma_wait3A_158 = tpu.memref_slice %arg4[%multiple_of3A_151] : memref<294912xf32, #tpu.memory_space<hbm>> -> memref<96xf32, #tpu.memory_space<hbm>>
        %dma_wait3A_159 = tpu.memref_slice %arg4[%multiple_of3A_151] : memref<294912xf32, #tpu.memory_space<hbm>> -> memref<96xf32, #tpu.memory_space<hbm>>
        tpu.wait_dma2 semaphore(%arg26 : memref<!tpu.dma_semaphore, #tpu.memory_space<semaphore_mem>>) src(%dma_wait3A_159 : memref<96xf32, #tpu.memory_space<hbm>>) dst(%arg18 : memref<96xf32, #tpu.memory_space<vmem>>)
        %scan3A_160 = arith.constant 0 : i32
        %scan3A_161 = arith.constant 0 : i32
        %scan3A_162 = arith.constant 6 : i32
        %scan3A_163 = arith.addi %scan3A_161, %scan3A_162 : i32
        %scan3A_164 = arith.constant 1 : i32
        scf.for %scan3A_173 = %scan3A_161 to %scan3A_163 step %scan3A_164  : i32 {
          %mul3A_174 = arith.constant 16 : i32
          %mul3A_175 = arith.muli %scan3A_173, %mul3A_174 : i32
          %mul3A_176 = arith.constant 16 : i32
          %mul3A_177 = arith.muli %scan3A_173, %mul3A_176 : i32
          %add3A_178 = arith.addi %multiple_of3A_151, %mul3A_177 : i32
          %iota3A = tpu.iota {dimensions = array<i32: 0>} : vector<16xi32>
          %add3A_179 = vector.broadcast %add3A_178 : i32 to vector<16xi32>
          %add3A_180 = arith.addi %add3A_179, %iota3A : vector<16xi32>
          %rem3A_181 = arith.constant 384 : i32
          %rem3A_182 = vector.broadcast %rem3A_181 : i32 to vector<16xi32>
          %rem3A_183 = arith.remsi %add3A_180, %rem3A_182 : vector<16xi32>
          %div3A_184 = arith.constant 384 : i32
          %div3A_185 = vector.broadcast %div3A_184 : i32 to vector<16xi32>
          %div3A_186 = arith.divsi %add3A_180, %div3A_185 : vector<16xi32>
          %rem3A_187 = arith.constant 384 : i32
          %rem3A_188 = vector.broadcast %rem3A_187 : i32 to vector<16xi32>
          %rem3A_189 = arith.remsi %div3A_186, %rem3A_188 : vector<16xi32>
          %get3A = arith.index_cast %mul3A_175 : i32 to index
          %get3A_190 = tpu.vector_load %arg17[%get3A] {strides = array<i32>} : memref<96xf32, #tpu.memory_space<vmem>>, vector<16xf32>,
          %get3A_191 = vector.shape_cast %get3A_190 : vector<16xf32> to vector<16xf32>
          %convert_element_type3A_192 = arith.sitofp %rem3A_183 : vector<16xi32> to vector<16xf32>
          %add3A_193 = arith.addf %get3A_191, %convert_element_type3A_192 : vector<16xf32>
          %add3A_194 = arith.constant 1.000000e+00 : f32
          %add3A_195 = vector.broadcast %add3A_194 : f32 to vector<16xf32>
          %add3A_196 = arith.addf %add3A_193, %add3A_195 : vector<16xf32>
          %get3A_197 = arith.index_cast %mul3A_175 : i32 to index
          %get3A_198 = tpu.vector_load %arg18[%get3A_197] {strides = array<i32>} : memref<96xf32, #tpu.memory_space<vmem>>, vector<16xf32>,
          %get3A_199 = vector.shape_cast %get3A_198 : vector<16xf32> to vector<16xf32>
          %convert_element_type3A_200 = arith.sitofp %rem3A_189 : vector<16xi32> to vector<16xf32>
          %add3A_201 = arith.addf %get3A_199, %convert_element_type3A_200 : vector<16xf32>
          %add3A_202 = arith.constant 1.000000e+00 : f32
          %add3A_203 = vector.broadcast %add3A_202 : f32 to vector<16xf32>
          %add3A_204 = arith.addf %add3A_201, %add3A_203 : vector<16xf32>
          %convert_element_type3A_205 = arith.fptosi %add3A_196 : vector<16xf32> to vector<16xi32>
          %convert_element_type3A_206 = arith.sitofp %convert_element_type3A_205 : vector<16xi32> to vector<16xf32>
          %gt3A = arith.cmpf ogt, %convert_element_type3A_206, %add3A_196 : vector<16xf32>
          %sub3A = arith.constant 1 : i32
          %sub3A_207 = vector.broadcast %sub3A : i32 to vector<16xi32>
          %sub3A_208 = arith.subi %convert_element_type3A_205, %sub3A_207 : vector<16xi32>
          %select_n3A = arith.select %gt3A, %sub3A_208, %convert_element_type3A_205 : vector<16xi1>, vector<16xi32>
          %convert_element_type3A_209 = arith.fptosi %add3A_204 : vector<16xf32> to vector<16xi32>
          %convert_element_type3A_210 = arith.sitofp %convert_element_type3A_209 : vector<16xi32> to vector<16xf32>
          %gt3A_211 = arith.cmpf ogt, %convert_element_type3A_210, %add3A_204 : vector<16xf32>
          %sub3A_212 = arith.constant 1 : i32
          %sub3A_213 = vector.broadcast %sub3A_212 : i32 to vector<16xi32>
          %sub3A_214 = arith.subi %convert_element_type3A_209, %sub3A_213 : vector<16xi32>
          %select_n3A_215 = arith.select %gt3A_211, %sub3A_214, %convert_element_type3A_209 : vector<16xi1>, vector<16xi32>
          %jit3A = arith.constant 0 : i32
          %jit3A_216 = arith.constant 385 : i32
          %max3A = vector.broadcast %jit3A : i32 to vector<16xi32>
          %max3A_217 = arith.maxsi %max3A, %select_n3A : vector<16xi32>
          %min3A = vector.broadcast %jit3A_216 : i32 to vector<16xi32>
          %min3A_218 = arith.minsi %min3A, %max3A_217 : vector<16xi32>
          %add3A_219 = arith.constant 1 : i32
          %add3A_220 = vector.broadcast %add3A_219 : i32 to vector<16xi32>
          %add3A_221 = arith.addi %select_n3A, %add3A_220 : vector<16xi32>
          %jit3A_222 = arith.constant 0 : i32
          %jit3A_223 = arith.constant 385 : i32
          %max3A_224 = vector.broadcast %jit3A_222 : i32 to vector<16xi32>
          %max3A_225 = arith.maxsi %max3A_224, %add3A_221 : vector<16xi32>
          %min3A_226 = vector.broadcast %jit3A_223 : i32 to vector<16xi32>
          %min3A_227 = arith.minsi %min3A_226, %max3A_225 : vector<16xi32>
          %jit3A_228 = arith.constant 0 : i32
          %jit3A_229 = arith.constant 385 : i32
          %max3A_230 = vector.broadcast %jit3A_228 : i32 to vector<16xi32>
          %max3A_231 = arith.maxsi %max3A_230, %select_n3A_215 : vector<16xi32>
          %min3A_232 = vector.broadcast %jit3A_229 : i32 to vector<16xi32>
          %min3A_233 = arith.minsi %min3A_232, %max3A_231 : vector<16xi32>
          %add3A_234 = arith.constant 1 : i32
          %add3A_235 = vector.broadcast %add3A_234 : i32 to vector<16xi32>
          %add3A_236 = arith.addi %select_n3A_215, %add3A_235 : vector<16xi32>
          %jit3A_237 = arith.constant 0 : i32
          %jit3A_238 = arith.constant 385 : i32
          %max3A_239 = vector.broadcast %jit3A_237 : i32 to vector<16xi32>
          %max3A_240 = arith.maxsi %max3A_239, %add3A_236 : vector<16xi32>
          %min3A_241 = vector.broadcast %jit3A_238 : i32 to vector<16xi32>
          %min3A_242 = arith.minsi %min3A_241, %max3A_240 : vector<16xi32>
          %convert_element_type3A_243 = arith.sitofp %min3A_227 : vector<16xi32> to vector<16xf32>
          %sub3A_244 = arith.subf %convert_element_type3A_243, %add3A_196 : vector<16xf32>
          %convert_element_type3A_245 = arith.sitofp %min3A_242 : vector<16xi32> to vector<16xf32>
          %sub3A_246 = arith.subf %convert_element_type3A_245, %add3A_204 : vector<16xf32>
          %mul3A_247 = arith.mulf %sub3A_244, %sub3A_246 : vector<16xf32>
          %sub3A_248 = arith.constant 1.000000e+00 : f32
          %sub3A_249 = vector.broadcast %sub3A_248 : f32 to vector<16xf32>
          %sub3A_250 = arith.subf %sub3A_249, %sub3A_246 : vector<16xf32>
          %mul3A_251 = arith.mulf %sub3A_244, %sub3A_250 : vector<16xf32>
          %sub3A_252 = arith.constant 1.000000e+00 : f32
          %sub3A_253 = vector.broadcast %sub3A_252 : f32 to vector<16xf32>
          %sub3A_254 = arith.subf %sub3A_253, %sub3A_244 : vector<16xf32>
          %mul3A_255 = arith.mulf %sub3A_254, %sub3A_246 : vector<16xf32>
          %sub3A_256 = arith.constant 1.000000e+00 : f32
          %sub3A_257 = vector.broadcast %sub3A_256 : f32 to vector<16xf32>
          %sub3A_258 = arith.subf %sub3A_257, %sub3A_244 : vector<16xf32>
          %sub3A_259 = arith.constant 1.000000e+00 : f32
          %sub3A_260 = vector.broadcast %sub3A_259 : f32 to vector<16xf32>
          %sub3A_261 = arith.subf %sub3A_260, %sub3A_246 : vector<16xf32>
          %mul3A_262 = arith.mulf %sub3A_258, %sub3A_261 : vector<16xf32>
          %sub3A_263 = arith.constant 1 : i32
          %sub3A_264 = vector.broadcast %sub3A_263 : i32 to vector<16xi32>
          %sub3A_265 = arith.subi %min3A_218, %sub3A_264 : vector<16xi32>
          %jit3A_266 = arith.constant 0 : i32
          %jit3A_267 = arith.constant 383 : i32
          %max3A_268 = vector.broadcast %jit3A_266 : i32 to vector<16xi32>
          %max3A_269 = arith.maxsi %max3A_268, %sub3A_265 : vector<16xi32>
          %min3A_270 = vector.broadcast %jit3A_267 : i32 to vector<16xi32>
          %min3A_271 = arith.minsi %min3A_270, %max3A_269 : vector<16xi32>
          %sub3A_272 = arith.constant 1 : i32
          %sub3A_273 = vector.broadcast %sub3A_272 : i32 to vector<16xi32>
          %sub3A_274 = arith.subi %min3A_233, %sub3A_273 : vector<16xi32>
          %jit3A_275 = arith.constant 0 : i32
          %jit3A_276 = arith.constant 383 : i32
          %max3A_277 = vector.broadcast %jit3A_275 : i32 to vector<16xi32>
          %max3A_278 = arith.maxsi %max3A_277, %sub3A_274 : vector<16xi32>
          %min3A_279 = vector.broadcast %jit3A_276 : i32 to vector<16xi32>
          %min3A_280 = arith.minsi %min3A_279, %max3A_278 : vector<16xi32>
          %mul3A_281 = arith.constant 384 : i32
          %mul3A_282 = vector.broadcast %mul3A_281 : i32 to vector<16xi32>
          %mul3A_283 = arith.muli %min3A_280, %mul3A_282 : vector<16xi32>
          %add3A_284 = arith.addi %mul3A_283, %min3A_271 : vector<16xi32>
          %mul3A_285 = arith.constant 16 : i32
          %mul3A_286 = arith.muli %scan3A_173, %mul3A_285 : i32
          %swap3A = arith.index_cast %mul3A_286 : i32 to index
          %swap3A_287 = tpu.vector_load %arg19[%swap3A] {strides = array<i32>} : memref<384xi32, #tpu.memory_space<vmem>>, vector<16xi32>,
          %swap3A_288 = vector.shape_cast %swap3A_287 : vector<16xi32> to vector<16xi32>
          %swap3A_289 = vector.shape_cast %add3A_284 : vector<16xi32> to vector<16xi32>
          tpu.vector_store %arg19[%swap3A], %swap3A_289 {strides = array<i32>} : memref<384xi32, #tpu.memory_space<vmem>>, vector<16xi32>,
          %ge3A_290 = arith.constant 1 : i32
          %ge3A_291 = vector.broadcast %ge3A_290 : i32 to vector<16xi32>
          %ge3A_292 = arith.cmpi sge, %min3A_218, %ge3A_291 : vector<16xi32>
          %le3A = arith.constant 384 : i32
          %le3A_293 = vector.broadcast %le3A : i32 to vector<16xi32>
          %le3A_294 = arith.cmpi sle, %min3A_218, %le3A_293 : vector<16xi32>
          %and3A = arith.andi %ge3A_292, %le3A_294 : vector<16xi1>
          %ge3A_295 = arith.constant 1 : i32
          %ge3A_296 = vector.broadcast %ge3A_295 : i32 to vector<16xi32>
          %ge3A_297 = arith.cmpi sge, %min3A_233, %ge3A_296 : vector<16xi32>
          %and3A_298 = arith.andi %and3A, %ge3A_297 : vector<16xi1>
          %le3A_299 = arith.constant 384 : i32
          %le3A_300 = vector.broadcast %le3A_299 : i32 to vector<16xi32>
          %le3A_301 = arith.cmpi sle, %min3A_233, %le3A_300 : vector<16xi32>
          %and3A_302 = arith.andi %and3A_298, %le3A_301 : vector<16xi1>
          %jit3A_303 = arith.constant 0.000000e+00 : f32
          %broadcast_in_dim3A = vector.broadcast %jit3A_303 : f32 to vector<16xf32>
          %select_n3A_304 = arith.select %and3A_302, %mul3A_247, %broadcast_in_dim3A : vector<16xi1>, vector<16xf32>
          %swap3A_305 = arith.index_cast %mul3A_175 : i32 to index
          %swap3A_306 = tpu.vector_load %arg20[%swap3A_305] {strides = array<i32>} : memref<112xf32, #tpu.memory_space<vmem>>, vector<16xf32>,
          %swap3A_307 = vector.shape_cast %swap3A_306 : vector<16xf32> to vector<16xf32>
          %swap3A_308 = vector.shape_cast %select_n3A_304 : vector<16xf32> to vector<16xf32>
          tpu.vector_store %arg20[%swap3A_305], %swap3A_308 {strides = array<i32>} : memref<112xf32, #tpu.memory_space<vmem>>, vector<16xf32>,
          %sub3A_309 = arith.constant 1 : i32
          %sub3A_310 = vector.broadcast %sub3A_309 : i32 to vector<16xi32>
          %sub3A_311 = arith.subi %min3A_218, %sub3A_310 : vector<16xi32>
          %jit3A_312 = arith.constant 0 : i32
          %jit3A_313 = arith.constant 383 : i32
          %max3A_314 = vector.broadcast %jit3A_312 : i32 to vector<16xi32>
          %max3A_315 = arith.maxsi %max3A_314, %sub3A_311 : vector<16xi32>
          %min3A_316 = vector.broadcast %jit3A_313 : i32 to vector<16xi32>
          %min3A_317 = arith.minsi %min3A_316, %max3A_315 : vector<16xi32>
          %sub3A_318 = arith.constant 1 : i32
          %sub3A_319 = vector.broadcast %sub3A_318 : i32 to vector<16xi32>
          %sub3A_320 = arith.subi %min3A_242, %sub3A_319 : vector<16xi32>
          %jit3A_321 = arith.constant 0 : i32
          %jit3A_322 = arith.constant 383 : i32
          %max3A_323 = vector.broadcast %jit3A_321 : i32 to vector<16xi32>
          %max3A_324 = arith.maxsi %max3A_323, %sub3A_320 : vector<16xi32>
          %min3A_325 = vector.broadcast %jit3A_322 : i32 to vector<16xi32>
          %min3A_326 = arith.minsi %min3A_325, %max3A_324 : vector<16xi32>
          %mul3A_327 = arith.constant 384 : i32
          %mul3A_328 = vector.broadcast %mul3A_327 : i32 to vector<16xi32>
          %mul3A_329 = arith.muli %min3A_326, %mul3A_328 : vector<16xi32>
          %add3A_330 = arith.addi %mul3A_329, %min3A_317 : vector<16xi32>
          %mul3A_331 = arith.constant 16 : i32
          %mul3A_332 = arith.muli %scan3A_173, %mul3A_331 : i32
          %add3A_333 = arith.constant 96 : i32
          %add3A_334 = arith.addi %add3A_333, %mul3A_332 : i32
          %swap3A_335 = arith.index_cast %add3A_334 : i32 to index
          %swap3A_336 = tpu.vector_load %arg19[%swap3A_335] {strides = array<i32>} : memref<384xi32, #tpu.memory_space<vmem>>, vector<16xi32>,
          %swap3A_337 = vector.shape_cast %swap3A_336 : vector<16xi32> to vector<16xi32>
          %swap3A_338 = vector.shape_cast %add3A_330 : vector<16xi32> to vector<16xi32>
          tpu.vector_store %arg19[%swap3A_335], %swap3A_338 {strides = array<i32>} : memref<384xi32, #tpu.memory_space<vmem>>, vector<16xi32>,
          %ge3A_339 = arith.constant 1 : i32
          %ge3A_340 = vector.broadcast %ge3A_339 : i32 to vector<16xi32>
          %ge3A_341 = arith.cmpi sge, %min3A_218, %ge3A_340 : vector<16xi32>
          %le3A_342 = arith.constant 384 : i32
          %le3A_343 = vector.broadcast %le3A_342 : i32 to vector<16xi32>
          %le3A_344 = arith.cmpi sle, %min3A_218, %le3A_343 : vector<16xi32>
          %and3A_345 = arith.andi %ge3A_341, %le3A_344 : vector<16xi1>
          %ge3A_346 = arith.constant 1 : i32
          %ge3A_347 = vector.broadcast %ge3A_346 : i32 to vector<16xi32>
          %ge3A_348 = arith.cmpi sge, %min3A_242, %ge3A_347 : vector<16xi32>
          %and3A_349 = arith.andi %and3A_345, %ge3A_348 : vector<16xi1>
          %le3A_350 = arith.constant 384 : i32
          %le3A_351 = vector.broadcast %le3A_350 : i32 to vector<16xi32>
          %le3A_352 = arith.cmpi sle, %min3A_242, %le3A_351 : vector<16xi32>
          %and3A_353 = arith.andi %and3A_349, %le3A_352 : vector<16xi1>
          %jit3A_354 = arith.constant 0.000000e+00 : f32
          %broadcast_in_dim3A_355 = vector.broadcast %jit3A_354 : f32 to vector<16xf32>
          %select_n3A_356 = arith.select %and3A_353, %mul3A_251, %broadcast_in_dim3A_355 : vector<16xi1>, vector<16xf32>
          %swap3A_357 = arith.index_cast %mul3A_175 : i32 to index
          %swap3A_358 = tpu.vector_load %arg21[%swap3A_357] {strides = array<i32>} : memref<112xf32, #tpu.memory_space<vmem>>, vector<16xf32>,
          %swap3A_359 = vector.shape_cast %swap3A_358 : vector<16xf32> to vector<16xf32>
          %swap3A_360 = vector.shape_cast %select_n3A_356 : vector<16xf32> to vector<16xf32>
          tpu.vector_store %arg21[%swap3A_357], %swap3A_360 {strides = array<i32>} : memref<112xf32, #tpu.memory_space<vmem>>, vector<16xf32>,
          %sub3A_361 = arith.constant 1 : i32
          %sub3A_362 = vector.broadcast %sub3A_361 : i32 to vector<16xi32>
          %sub3A_363 = arith.subi %min3A_227, %sub3A_362 : vector<16xi32>
          %jit3A_364 = arith.constant 0 : i32
          %jit3A_365 = arith.constant 383 : i32
          %max3A_366 = vector.broadcast %jit3A_364 : i32 to vector<16xi32>
          %max3A_367 = arith.maxsi %max3A_366, %sub3A_363 : vector<16xi32>
          %min3A_368 = vector.broadcast %jit3A_365 : i32 to vector<16xi32>
          %min3A_369 = arith.minsi %min3A_368, %max3A_367 : vector<16xi32>
          %sub3A_370 = arith.constant 1 : i32
          %sub3A_371 = vector.broadcast %sub3A_370 : i32 to vector<16xi32>
          %sub3A_372 = arith.subi %min3A_233, %sub3A_371 : vector<16xi32>
          %jit3A_373 = arith.constant 0 : i32
          %jit3A_374 = arith.constant 383 : i32
          %max3A_375 = vector.broadcast %jit3A_373 : i32 to vector<16xi32>
          %max3A_376 = arith.maxsi %max3A_375, %sub3A_372 : vector<16xi32>
          %min3A_377 = vector.broadcast %jit3A_374 : i32 to vector<16xi32>
          %min3A_378 = arith.minsi %min3A_377, %max3A_376 : vector<16xi32>
          %mul3A_379 = arith.constant 384 : i32
          %mul3A_380 = vector.broadcast %mul3A_379 : i32 to vector<16xi32>
          %mul3A_381 = arith.muli %min3A_378, %mul3A_380 : vector<16xi32>
          %add3A_382 = arith.addi %mul3A_381, %min3A_369 : vector<16xi32>
          %mul3A_383 = arith.constant 16 : i32
          %mul3A_384 = arith.muli %scan3A_173, %mul3A_383 : i32
          %add3A_385 = arith.constant 192 : i32
          %add3A_386 = arith.addi %add3A_385, %mul3A_384 : i32
          %swap3A_387 = arith.index_cast %add3A_386 : i32 to index
          %swap3A_388 = tpu.vector_load %arg19[%swap3A_387] {strides = array<i32>} : memref<384xi32, #tpu.memory_space<vmem>>, vector<16xi32>,
          %swap3A_389 = vector.shape_cast %swap3A_388 : vector<16xi32> to vector<16xi32>
          %swap3A_390 = vector.shape_cast %add3A_382 : vector<16xi32> to vector<16xi32>
          tpu.vector_store %arg19[%swap3A_387], %swap3A_390 {strides = array<i32>} : memref<384xi32, #tpu.memory_space<vmem>>, vector<16xi32>,
          %ge3A_391 = arith.constant 1 : i32
          %ge3A_392 = vector.broadcast %ge3A_391 : i32 to vector<16xi32>
          %ge3A_393 = arith.cmpi sge, %min3A_227, %ge3A_392 : vector<16xi32>
          %le3A_394 = arith.constant 384 : i32
          %le3A_395 = vector.broadcast %le3A_394 : i32 to vector<16xi32>
          %le3A_396 = arith.cmpi sle, %min3A_227, %le3A_395 : vector<16xi32>
          %and3A_397 = arith.andi %ge3A_393, %le3A_396 : vector<16xi1>
          %ge3A_398 = arith.constant 1 : i32
          %ge3A_399 = vector.broadcast %ge3A_398 : i32 to vector<16xi32>
          %ge3A_400 = arith.cmpi sge, %min3A_233, %ge3A_399 : vector<16xi32>
          %and3A_401 = arith.andi %and3A_397, %ge3A_400 : vector<16xi1>
          %le3A_402 = arith.constant 384 : i32
          %le3A_403 = vector.broadcast %le3A_402 : i32 to vector<16xi32>
          %le3A_404 = arith.cmpi sle, %min3A_233, %le3A_403 : vector<16xi32>
          %and3A_405 = arith.andi %and3A_401, %le3A_404 : vector<16xi1>
          %jit3A_406 = arith.constant 0.000000e+00 : f32
          %broadcast_in_dim3A_407 = vector.broadcast %jit3A_406 : f32 to vector<16xf32>
          %select_n3A_408 = arith.select %and3A_405, %mul3A_255, %broadcast_in_dim3A_407 : vector<16xi1>, vector<16xf32>
          %swap3A_409 = arith.index_cast %mul3A_175 : i32 to index
          %swap3A_410 = tpu.vector_load %arg22[%swap3A_409] {strides = array<i32>} : memref<112xf32, #tpu.memory_space<vmem>>, vector<16xf32>,
          %swap3A_411 = vector.shape_cast %swap3A_410 : vector<16xf32> to vector<16xf32>
          %swap3A_412 = vector.shape_cast %select_n3A_408 : vector<16xf32> to vector<16xf32>
          tpu.vector_store %arg22[%swap3A_409], %swap3A_412 {strides = array<i32>} : memref<112xf32, #tpu.memory_space<vmem>>, vector<16xf32>,
          %sub3A_413 = arith.constant 1 : i32
          %sub3A_414 = vector.broadcast %sub3A_413 : i32 to vector<16xi32>
          %sub3A_415 = arith.subi %min3A_227, %sub3A_414 : vector<16xi32>
          %jit3A_416 = arith.constant 0 : i32
          %jit3A_417 = arith.constant 383 : i32
          %max3A_418 = vector.broadcast %jit3A_416 : i32 to vector<16xi32>
          %max3A_419 = arith.maxsi %max3A_418, %sub3A_415 : vector<16xi32>
          %min3A_420 = vector.broadcast %jit3A_417 : i32 to vector<16xi32>
          %min3A_421 = arith.minsi %min3A_420, %max3A_419 : vector<16xi32>
          %sub3A_422 = arith.constant 1 : i32
          %sub3A_423 = vector.broadcast %sub3A_422 : i32 to vector<16xi32>
          %sub3A_424 = arith.subi %min3A_242, %sub3A_423 : vector<16xi32>
          %jit3A_425 = arith.constant 0 : i32
          %jit3A_426 = arith.constant 383 : i32
          %max3A_427 = vector.broadcast %jit3A_425 : i32 to vector<16xi32>
          %max3A_428 = arith.maxsi %max3A_427, %sub3A_424 : vector<16xi32>
          %min3A_429 = vector.broadcast %jit3A_426 : i32 to vector<16xi32>
          %min3A_430 = arith.minsi %min3A_429, %max3A_428 : vector<16xi32>
          %mul3A_431 = arith.constant 384 : i32
          %mul3A_432 = vector.broadcast %mul3A_431 : i32 to vector<16xi32>
          %mul3A_433 = arith.muli %min3A_430, %mul3A_432 : vector<16xi32>
          %add3A_434 = arith.addi %mul3A_433, %min3A_421 : vector<16xi32>
          %mul3A_435 = arith.constant 16 : i32
          %mul3A_436 = arith.muli %scan3A_173, %mul3A_435 : i32
          %add3A_437 = arith.constant 288 : i32
          %add3A_438 = arith.addi %add3A_437, %mul3A_436 : i32
          %swap3A_439 = arith.index_cast %add3A_438 : i32 to index
          %swap3A_440 = tpu.vector_load %arg19[%swap3A_439] {strides = array<i32>} : memref<384xi32, #tpu.memory_space<vmem>>, vector<16xi32>,
          %swap3A_441 = vector.shape_cast %swap3A_440 : vector<16xi32> to vector<16xi32>
          %swap3A_442 = vector.shape_cast %add3A_434 : vector<16xi32> to vector<16xi32>
          tpu.vector_store %arg19[%swap3A_439], %swap3A_442 {strides = array<i32>} : memref<384xi32, #tpu.memory_space<vmem>>, vector<16xi32>,
          %ge3A_443 = arith.constant 1 : i32
          %ge3A_444 = vector.broadcast %ge3A_443 : i32 to vector<16xi32>
          %ge3A_445 = arith.cmpi sge, %min3A_227, %ge3A_444 : vector<16xi32>
          %le3A_446 = arith.constant 384 : i32
          %le3A_447 = vector.broadcast %le3A_446 : i32 to vector<16xi32>
          %le3A_448 = arith.cmpi sle, %min3A_227, %le3A_447 : vector<16xi32>
          %and3A_449 = arith.andi %ge3A_445, %le3A_448 : vector<16xi1>
          %ge3A_450 = arith.constant 1 : i32
          %ge3A_451 = vector.broadcast %ge3A_450 : i32 to vector<16xi32>
          %ge3A_452 = arith.cmpi sge, %min3A_242, %ge3A_451 : vector<16xi32>
          %and3A_453 = arith.andi %and3A_449, %ge3A_452 : vector<16xi1>
          %le3A_454 = arith.constant 384 : i32
          %le3A_455 = vector.broadcast %le3A_454 : i32 to vector<16xi32>
          %le3A_456 = arith.cmpi sle, %min3A_242, %le3A_455 : vector<16xi32>
          %and3A_457 = arith.andi %and3A_453, %le3A_456 : vector<16xi1>
          %jit3A_458 = arith.constant 0.000000e+00 : f32
          %broadcast_in_dim3A_459 = vector.broadcast %jit3A_458 : f32 to vector<16xf32>
          %select_n3A_460 = arith.select %and3A_457, %mul3A_262, %broadcast_in_dim3A_459 : vector<16xi1>, vector<16xf32>
          %swap3A_461 = arith.index_cast %mul3A_175 : i32 to index
          %swap3A_462 = tpu.vector_load %arg23[%swap3A_461] {strides = array<i32>} : memref<112xf32, #tpu.memory_space<vmem>>, vector<16xf32>,
          %swap3A_463 = vector.shape_cast %swap3A_462 : vector<16xf32> to vector<16xf32>
          %swap3A_464 = vector.shape_cast %select_n3A_460 : vector<16xf32> to vector<16xf32>
          tpu.vector_store %arg23[%swap3A_461], %swap3A_464 {strides = array<i32>} : memref<112xf32, #tpu.memory_space<vmem>>, vector<16xf32>,
        }
        %scan3A_165 = arith.constant 6 : i32
        %dma_start3A_166 = arith.constant 0 : i32
        %dma_start3A_167 = arith.constant 0 : i32
        %dma_start3A_168 = tpu.memref_slice %arg2[%div3A_3, %dma_start3A_166, %dma_start3A_167] : memref<2x147456x96xf32, #tpu.memory_space<hbm>> -> memref<1x147456x96xf32, #tpu.memory_space<hbm>>
        %dma_start3A_169 = tpu.memref_squeeze %dma_start3A_168 : memref<1x147456x96xf32, #tpu.memory_space<hbm>> -> memref<147456x96xf32, #tpu.memory_space<hbm>>
        %dma_start3A_170 = arith.constant 0 : i32
        %dma_start3A_171 = arith.constant 0 : i32
        %dma_start3A_172 = tpu.memref_slice %dma_start3A_169[%dma_start3A_170, %dma_start3A_171] : memref<147456x96xf32, #tpu.memory_space<hbm>> -> memref<147456x96xf32, #tpu.memory_space<hbm>>
        tpu.enqueue_indirect_dma source(%dma_start3A_172 : memref<147456x96xf32, #tpu.memory_space<hbm>>) target(%arg24 : memref<384x96xf32, #tpu.memory_space<vmem>>) offsets(%arg19 : memref<384xi32, #tpu.memory_space<vmem>>) semaphore(%arg26 : memref<!tpu.dma_semaphore, #tpu.memory_space<semaphore_mem>>)
      } else {
      }
      %mul3A_66 = arith.constant 96 : i32
      %mul3A_67 = arith.muli %add3A_61, %mul3A_66 : i32
      %add3A_68 = arith.addi %mul3A_2, %mul3A_67 : i32
      %multiple_of3A_69 = tpu.assume_multiple %add3A_68, 8 : i32
      %ge3A = arith.constant 2 : i32
      %ge3A_70 = arith.cmpi sge, %add3A_61, %ge3A : i32
      %convert_element_type3A_71 = arith.extui %ge3A_70 : i1 to i32
      %cond3A_72 = arith.constant 0 : i32
      %cond3A_73 = arith.cmpi ne, %convert_element_type3A_71, %cond3A_72 : i32
      scf.if %cond3A_73 {
        %div3A_148 = arith.constant 147456 : i32
        %div3A_149 = arith.divsi %multiple_of3A_69, %div3A_148 : i32
        %rem3A_150 = arith.constant 147456 : i32
        %rem3A_151 = arith.remsi %multiple_of3A_69, %rem3A_150 : i32
        %div3A_152 = arith.constant 384 : i32
        %div3A_153 = arith.divsi %rem3A_151, %div3A_152 : i32
        %rem3A_154 = arith.constant 384 : i32
        %rem3A_155 = arith.remsi %rem3A_151, %rem3A_154 : i32
        %dma_wait3A_156 = arith.constant 0 : i32
        %dma_wait3A_157 = tpu.memref_slice %arg5[%div3A_149, %div3A_153, %rem3A_155, %dma_wait3A_156] : memref<2x384x384x96xf32, #tpu.memory_space<hbm>> -> memref<1x1x96x96xf32, #tpu.memory_space<hbm>>
        %dma_wait3A_158 = tpu.memref_squeeze %dma_wait3A_157 : memref<1x1x96x96xf32, #tpu.memory_space<hbm>> -> memref<96x96xf32, #tpu.memory_space<hbm>>
        %dma_wait3A_159 = arith.constant 0 : i32
        %dma_wait3A_160 = tpu.memref_slice %arg5[%div3A_149, %div3A_153, %rem3A_155, %dma_wait3A_159] : memref<2x384x384x96xf32, #tpu.memory_space<hbm>> -> memref<1x1x96x96xf32, #tpu.memory_space<hbm>>
        %dma_wait3A_161 = tpu.memref_squeeze %dma_wait3A_160 : memref<1x1x96x96xf32, #tpu.memory_space<hbm>> -> memref<96x96xf32, #tpu.memory_space<hbm>>
        tpu.wait_dma2 semaphore(%arg16 : memref<!tpu.dma_semaphore, #tpu.memory_space<semaphore_mem>>) src(%arg14 : memref<96x96xf32, #tpu.memory_space<vmem>>) dst(%dma_wait3A_161 : memref<96x96xf32, #tpu.memory_space<hbm>>)
      } else {
      }
      %dma_wait3A_74 = arith.constant 0 : i32
      %dma_wait3A_75 = arith.constant 0 : i32
      %dma_wait3A_76 = tpu.memref_slice %arg2[%div3A_3, %dma_wait3A_74, %dma_wait3A_75] : memref<2x147456x96xf32, #tpu.memory_space<hbm>> -> memref<1x147456x96xf32, #tpu.memory_space<hbm>>
      %dma_wait3A_77 = tpu.memref_squeeze %dma_wait3A_76 : memref<1x147456x96xf32, #tpu.memory_space<hbm>> -> memref<147456x96xf32, #tpu.memory_space<hbm>>
      %dma_wait3A_78 = arith.constant 0 : i32
      %dma_wait3A_79 = arith.constant 0 : i32
      %dma_wait3A_80 = tpu.memref_slice %dma_wait3A_77[%dma_wait3A_78, %dma_wait3A_79] : memref<147456x96xf32, #tpu.memory_space<hbm>> -> memref<147456x96xf32, #tpu.memory_space<hbm>>
      tpu.wait_indirect_dma semaphore(%arg15 : memref<!tpu.dma_semaphore, #tpu.memory_space<semaphore_mem>>) src(%dma_wait3A_80 : memref<147456x96xf32, #tpu.memory_space<hbm>>) dst(%arg13 : memref<384x96xf32, #tpu.memory_space<vmem>>)
      %scan3A_81 = arith.constant 0 : i32
      %scan3A_82 = arith.constant 0 : i32
      %scan3A_83 = arith.constant 96 : i32
      %scan3A_84 = arith.addi %scan3A_82, %scan3A_83 : i32
      %scan3A_85 = arith.constant 1 : i32
      scf.for %scan3A_148 = %scan3A_82 to %scan3A_84 step %scan3A_85  : i32 {
        %get3A = arith.index_cast %scan3A_148 : i32 to index
        %get3A_149 = tpu.vector_load %arg9[%get3A] {strides = array<i32>} : memref<112xf32, #tpu.memory_space<vmem>>, vector<16xf32>,
        %get3A_150 = vector.shape_cast %get3A_149 : vector<16xf32> to vector<16xf32>
        %slice3A = vector.extract_strided_slice %get3A_150 {offsets = [0], sizes = [1], strides = [1]} : vector<16xf32> to vector<1xf32>
        %squeeze3A = vector.extract %slice3A[0] : f32 from vector<1xf32>
        %get3A_151 = arith.index_cast %scan3A_148 : i32 to index
        %get3A_152 = tpu.vector_load %arg10[%get3A_151] {strides = array<i32>} : memref<112xf32, #tpu.memory_space<vmem>>, vector<16xf32>,
        %get3A_153 = vector.shape_cast %get3A_152 : vector<16xf32> to vector<16xf32>
        %slice3A_154 = vector.extract_strided_slice %get3A_153 {offsets = [0], sizes = [1], strides = [1]} : vector<16xf32> to vector<1xf32>
        %squeeze3A_155 = vector.extract %slice3A_154[0] : f32 from vector<1xf32>
        %get3A_156 = arith.index_cast %scan3A_148 : i32 to index
        %get3A_157 = tpu.vector_load %arg11[%get3A_156] {strides = array<i32>} : memref<112xf32, #tpu.memory_space<vmem>>, vector<16xf32>,
        %get3A_158 = vector.shape_cast %get3A_157 : vector<16xf32> to vector<16xf32>
        %slice3A_159 = vector.extract_strided_slice %get3A_158 {offsets = [0], sizes = [1], strides = [1]} : vector<16xf32> to vector<1xf32>
        %squeeze3A_160 = vector.extract %slice3A_159[0] : f32 from vector<1xf32>
        %get3A_161 = arith.index_cast %scan3A_148 : i32 to index
        %get3A_162 = tpu.vector_load %arg12[%get3A_161] {strides = array<i32>} : memref<112xf32, #tpu.memory_space<vmem>>, vector<16xf32>,
        %get3A_163 = vector.shape_cast %get3A_162 : vector<16xf32> to vector<16xf32>
        %slice3A_164 = vector.extract_strided_slice %get3A_163 {offsets = [0], sizes = [1], strides = [1]} : vector<16xf32> to vector<1xf32>
        %squeeze3A_165 = vector.extract %slice3A_164[0] : f32 from vector<1xf32>
        %get3A_166 = arith.index_cast %scan3A_148 : i32 to index
        %get3A_167 = arith.constant 0 : index
        %get3A_168 = tpu.vector_load %arg13[%get3A_166, %get3A_167] {strides = array<i32>} : memref<384x96xf32, #tpu.memory_space<vmem>>, vector<1x16xf32>,
        %get3A_169 = vector.shape_cast %get3A_168 : vector<1x16xf32> to vector<16xf32>
        %mul3A_170 = vector.broadcast %squeeze3A : f32 to vector<16xf32>
        %mul3A_171 = arith.mulf %mul3A_170, %get3A_169 : vector<16xf32>
        %add3A_172 = arith.constant 96 : i32
        %add3A_173 = arith.addi %add3A_172, %scan3A_148 : i32
        %get3A_174 = arith.index_cast %add3A_173 : i32 to index
        %get3A_175 = arith.constant 0 : index
        %get3A_176 = tpu.vector_load %arg13[%get3A_174, %get3A_175] {strides = array<i32>} : memref<384x96xf32, #tpu.memory_space<vmem>>, vector<1x16xf32>,
        %get3A_177 = vector.shape_cast %get3A_176 : vector<1x16xf32> to vector<16xf32>
        %mul3A_178 = vector.broadcast %squeeze3A_155 : f32 to vector<16xf32>
        %mul3A_179 = arith.mulf %mul3A_178, %get3A_177 : vector<16xf32>
        %add3A_180 = arith.addf %mul3A_171, %mul3A_179 : vector<16xf32>
        %add3A_181 = arith.constant 192 : i32
        %add3A_182 = arith.addi %add3A_181, %scan3A_148 : i32
        %get3A_183 = arith.index_cast %add3A_182 : i32 to index
        %get3A_184 = arith.constant 0 : index
        %get3A_185 = tpu.vector_load %arg13[%get3A_183, %get3A_184] {strides = array<i32>} : memref<384x96xf32, #tpu.memory_space<vmem>>, vector<1x16xf32>,
        %get3A_186 = vector.shape_cast %get3A_185 : vector<1x16xf32> to vector<16xf32>
        %mul3A_187 = vector.broadcast %squeeze3A_160 : f32 to vector<16xf32>
        %mul3A_188 = arith.mulf %mul3A_187, %get3A_186 : vector<16xf32>
        %add3A_189 = arith.addf %add3A_180, %mul3A_188 : vector<16xf32>
        %add3A_190 = arith.constant 288 : i32
        %add3A_191 = arith.addi %add3A_190, %scan3A_148 : i32
        %get3A_192 = arith.index_cast %add3A_191 : i32 to index
        %get3A_193 = arith.constant 0 : index
        %get3A_194 = tpu.vector_load %arg13[%get3A_192, %get3A_193] {strides = array<i32>} : memref<384x96xf32, #tpu.memory_space<vmem>>, vector<1x16xf32>,
        %get3A_195 = vector.shape_cast %get3A_194 : vector<1x16xf32> to vector<16xf32>
        %mul3A_196 = vector.broadcast %squeeze3A_165 : f32 to vector<16xf32>
        %mul3A_197 = arith.mulf %mul3A_196, %get3A_195 : vector<16xf32>
        %add3A_198 = arith.addf %add3A_189, %mul3A_197 : vector<16xf32>
        %swap3A = arith.index_cast %scan3A_148 : i32 to index
        %swap3A_199 = arith.constant 0 : index
        %swap3A_200 = tpu.vector_load %arg14[%swap3A, %swap3A_199] {strides = array<i32>} : memref<96x96xf32, #tpu.memory_space<vmem>>, vector<1x16xf32>,
        %swap3A_201 = vector.shape_cast %swap3A_200 : vector<1x16xf32> to vector<16xf32>
        %swap3A_202 = vector.shape_cast %add3A_198 : vector<16xf32> to vector<1x16xf32>
        tpu.vector_store %arg14[%swap3A, %swap3A_199], %swap3A_202 {strides = array<i32>} : memref<96x96xf32, #tpu.memory_space<vmem>>, vector<1x16xf32>,
        %get3A_203 = arith.index_cast %scan3A_148 : i32 to index
        %get3A_204 = arith.constant 16 : index
        %get3A_205 = tpu.vector_load %arg13[%get3A_203, %get3A_204] {strides = array<i32>} : memref<384x96xf32, #tpu.memory_space<vmem>>, vector<1x16xf32>,
        %get3A_206 = vector.shape_cast %get3A_205 : vector<1x16xf32> to vector<16xf32>
        %mul3A_207 = vector.broadcast %squeeze3A : f32 to vector<16xf32>
        %mul3A_208 = arith.mulf %mul3A_207, %get3A_206 : vector<16xf32>
        %add3A_209 = arith.constant 96 : i32
        %add3A_210 = arith.addi %add3A_209, %scan3A_148 : i32
        %get3A_211 = arith.index_cast %add3A_210 : i32 to index
        %get3A_212 = arith.constant 16 : index
        %get3A_213 = tpu.vector_load %arg13[%get3A_211, %get3A_212] {strides = array<i32>} : memref<384x96xf32, #tpu.memory_space<vmem>>, vector<1x16xf32>,
        %get3A_214 = vector.shape_cast %get3A_213 : vector<1x16xf32> to vector<16xf32>
        %mul3A_215 = vector.broadcast %squeeze3A_155 : f32 to vector<16xf32>
        %mul3A_216 = arith.mulf %mul3A_215, %get3A_214 : vector<16xf32>
        %add3A_217 = arith.addf %mul3A_208, %mul3A_216 : vector<16xf32>
        %add3A_218 = arith.constant 192 : i32
        %add3A_219 = arith.addi %add3A_218, %scan3A_148 : i32
        %get3A_220 = arith.index_cast %add3A_219 : i32 to index
        %get3A_221 = arith.constant 16 : index
        %get3A_222 = tpu.vector_load %arg13[%get3A_220, %get3A_221] {strides = array<i32>} : memref<384x96xf32, #tpu.memory_space<vmem>>, vector<1x16xf32>,
        %get3A_223 = vector.shape_cast %get3A_222 : vector<1x16xf32> to vector<16xf32>
        %mul3A_224 = vector.broadcast %squeeze3A_160 : f32 to vector<16xf32>
        %mul3A_225 = arith.mulf %mul3A_224, %get3A_223 : vector<16xf32>
        %add3A_226 = arith.addf %add3A_217, %mul3A_225 : vector<16xf32>
        %add3A_227 = arith.constant 288 : i32
        %add3A_228 = arith.addi %add3A_227, %scan3A_148 : i32
        %get3A_229 = arith.index_cast %add3A_228 : i32 to index
        %get3A_230 = arith.constant 16 : index
        %get3A_231 = tpu.vector_load %arg13[%get3A_229, %get3A_230] {strides = array<i32>} : memref<384x96xf32, #tpu.memory_space<vmem>>, vector<1x16xf32>,
        %get3A_232 = vector.shape_cast %get3A_231 : vector<1x16xf32> to vector<16xf32>
        %mul3A_233 = vector.broadcast %squeeze3A_165 : f32 to vector<16xf32>
        %mul3A_234 = arith.mulf %mul3A_233, %get3A_232 : vector<16xf32>
        %add3A_235 = arith.addf %add3A_226, %mul3A_234 : vector<16xf32>
        %swap3A_236 = arith.index_cast %scan3A_148 : i32 to index
        %swap3A_237 = arith.constant 16 : index
        %swap3A_238 = tpu.vector_load %arg14[%swap3A_236, %swap3A_237] {strides = array<i32>} : memref<96x96xf32, #tpu.memory_space<vmem>>, vector<1x16xf32>,
        %swap3A_239 = vector.shape_cast %swap3A_238 : vector<1x16xf32> to vector<16xf32>
        %swap3A_240 = vector.shape_cast %add3A_235 : vector<16xf32> to vector<1x16xf32>
        tpu.vector_store %arg14[%swap3A_236, %swap3A_237], %swap3A_240 {strides = array<i32>} : memref<96x96xf32, #tpu.memory_space<vmem>>, vector<1x16xf32>,
        %get3A_241 = arith.index_cast %scan3A_148 : i32 to index
        %get3A_242 = arith.constant 32 : index
        %get3A_243 = tpu.vector_load %arg13[%get3A_241, %get3A_242] {strides = array<i32>} : memref<384x96xf32, #tpu.memory_space<vmem>>, vector<1x16xf32>,
        %get3A_244 = vector.shape_cast %get3A_243 : vector<1x16xf32> to vector<16xf32>
        %mul3A_245 = vector.broadcast %squeeze3A : f32 to vector<16xf32>
        %mul3A_246 = arith.mulf %mul3A_245, %get3A_244 : vector<16xf32>
        %add3A_247 = arith.constant 96 : i32
        %add3A_248 = arith.addi %add3A_247, %scan3A_148 : i32
        %get3A_249 = arith.index_cast %add3A_248 : i32 to index
        %get3A_250 = arith.constant 32 : index
        %get3A_251 = tpu.vector_load %arg13[%get3A_249, %get3A_250] {strides = array<i32>} : memref<384x96xf32, #tpu.memory_space<vmem>>, vector<1x16xf32>,
        %get3A_252 = vector.shape_cast %get3A_251 : vector<1x16xf32> to vector<16xf32>
        %mul3A_253 = vector.broadcast %squeeze3A_155 : f32 to vector<16xf32>
        %mul3A_254 = arith.mulf %mul3A_253, %get3A_252 : vector<16xf32>
        %add3A_255 = arith.addf %mul3A_246, %mul3A_254 : vector<16xf32>
        %add3A_256 = arith.constant 192 : i32
        %add3A_257 = arith.addi %add3A_256, %scan3A_148 : i32
        %get3A_258 = arith.index_cast %add3A_257 : i32 to index
        %get3A_259 = arith.constant 32 : index
        %get3A_260 = tpu.vector_load %arg13[%get3A_258, %get3A_259] {strides = array<i32>} : memref<384x96xf32, #tpu.memory_space<vmem>>, vector<1x16xf32>,
        %get3A_261 = vector.shape_cast %get3A_260 : vector<1x16xf32> to vector<16xf32>
        %mul3A_262 = vector.broadcast %squeeze3A_160 : f32 to vector<16xf32>
        %mul3A_263 = arith.mulf %mul3A_262, %get3A_261 : vector<16xf32>
        %add3A_264 = arith.addf %add3A_255, %mul3A_263 : vector<16xf32>
        %add3A_265 = arith.constant 288 : i32
        %add3A_266 = arith.addi %add3A_265, %scan3A_148 : i32
        %get3A_267 = arith.index_cast %add3A_266 : i32 to index
        %get3A_268 = arith.constant 32 : index
        %get3A_269 = tpu.vector_load %arg13[%get3A_267, %get3A_268] {strides = array<i32>} : memref<384x96xf32, #tpu.memory_space<vmem>>, vector<1x16xf32>,
        %get3A_270 = vector.shape_cast %get3A_269 : vector<1x16xf32> to vector<16xf32>
        %mul3A_271 = vector.broadcast %squeeze3A_165 : f32 to vector<16xf32>
        %mul3A_272 = arith.mulf %mul3A_271, %get3A_270 : vector<16xf32>
        %add3A_273 = arith.addf %add3A_264, %mul3A_272 : vector<16xf32>
        %swap3A_274 = arith.index_cast %scan3A_148 : i32 to index
        %swap3A_275 = arith.constant 32 : index
        %swap3A_276 = tpu.vector_load %arg14[%swap3A_274, %swap3A_275] {strides = array<i32>} : memref<96x96xf32, #tpu.memory_space<vmem>>, vector<1x16xf32>,
        %swap3A_277 = vector.shape_cast %swap3A_276 : vector<1x16xf32> to vector<16xf32>
        %swap3A_278 = vector.shape_cast %add3A_273 : vector<16xf32> to vector<1x16xf32>
        tpu.vector_store %arg14[%swap3A_274, %swap3A_275], %swap3A_278 {strides = array<i32>} : memref<96x96xf32, #tpu.memory_space<vmem>>, vector<1x16xf32>,
        %get3A_279 = arith.index_cast %scan3A_148 : i32 to index
        %get3A_280 = arith.constant 48 : index
        %get3A_281 = tpu.vector_load %arg13[%get3A_279, %get3A_280] {strides = array<i32>} : memref<384x96xf32, #tpu.memory_space<vmem>>, vector<1x16xf32>,
        %get3A_282 = vector.shape_cast %get3A_281 : vector<1x16xf32> to vector<16xf32>
        %mul3A_283 = vector.broadcast %squeeze3A : f32 to vector<16xf32>
        %mul3A_284 = arith.mulf %mul3A_283, %get3A_282 : vector<16xf32>
        %add3A_285 = arith.constant 96 : i32
        %add3A_286 = arith.addi %add3A_285, %scan3A_148 : i32
        %get3A_287 = arith.index_cast %add3A_286 : i32 to index
        %get3A_288 = arith.constant 48 : index
        %get3A_289 = tpu.vector_load %arg13[%get3A_287, %get3A_288] {strides = array<i32>} : memref<384x96xf32, #tpu.memory_space<vmem>>, vector<1x16xf32>,
        %get3A_290 = vector.shape_cast %get3A_289 : vector<1x16xf32> to vector<16xf32>
        %mul3A_291 = vector.broadcast %squeeze3A_155 : f32 to vector<16xf32>
        %mul3A_292 = arith.mulf %mul3A_291, %get3A_290 : vector<16xf32>
        %add3A_293 = arith.addf %mul3A_284, %mul3A_292 : vector<16xf32>
        %add3A_294 = arith.constant 192 : i32
        %add3A_295 = arith.addi %add3A_294, %scan3A_148 : i32
        %get3A_296 = arith.index_cast %add3A_295 : i32 to index
        %get3A_297 = arith.constant 48 : index
        %get3A_298 = tpu.vector_load %arg13[%get3A_296, %get3A_297] {strides = array<i32>} : memref<384x96xf32, #tpu.memory_space<vmem>>, vector<1x16xf32>,
        %get3A_299 = vector.shape_cast %get3A_298 : vector<1x16xf32> to vector<16xf32>
        %mul3A_300 = vector.broadcast %squeeze3A_160 : f32 to vector<16xf32>
        %mul3A_301 = arith.mulf %mul3A_300, %get3A_299 : vector<16xf32>
        %add3A_302 = arith.addf %add3A_293, %mul3A_301 : vector<16xf32>
        %add3A_303 = arith.constant 288 : i32
        %add3A_304 = arith.addi %add3A_303, %scan3A_148 : i32
        %get3A_305 = arith.index_cast %add3A_304 : i32 to index
        %get3A_306 = arith.constant 48 : index
        %get3A_307 = tpu.vector_load %arg13[%get3A_305, %get3A_306] {strides = array<i32>} : memref<384x96xf32, #tpu.memory_space<vmem>>, vector<1x16xf32>,
        %get3A_308 = vector.shape_cast %get3A_307 : vector<1x16xf32> to vector<16xf32>
        %mul3A_309 = vector.broadcast %squeeze3A_165 : f32 to vector<16xf32>
        %mul3A_310 = arith.mulf %mul3A_309, %get3A_308 : vector<16xf32>
        %add3A_311 = arith.addf %add3A_302, %mul3A_310 : vector<16xf32>
        %swap3A_312 = arith.index_cast %scan3A_148 : i32 to index
        %swap3A_313 = arith.constant 48 : index
        %swap3A_314 = tpu.vector_load %arg14[%swap3A_312, %swap3A_313] {strides = array<i32>} : memref<96x96xf32, #tpu.memory_space<vmem>>, vector<1x16xf32>,
        %swap3A_315 = vector.shape_cast %swap3A_314 : vector<1x16xf32> to vector<16xf32>
        %swap3A_316 = vector.shape_cast %add3A_311 : vector<16xf32> to vector<1x16xf32>
        tpu.vector_store %arg14[%swap3A_312, %swap3A_313], %swap3A_316 {strides = array<i32>} : memref<96x96xf32, #tpu.memory_space<vmem>>, vector<1x16xf32>,
        %get3A_317 = arith.index_cast %scan3A_148 : i32 to index
        %get3A_318 = arith.constant 64 : index
        %get3A_319 = tpu.vector_load %arg13[%get3A_317, %get3A_318] {strides = array<i32>} : memref<384x96xf32, #tpu.memory_space<vmem>>, vector<1x16xf32>,
        %get3A_320 = vector.shape_cast %get3A_319 : vector<1x16xf32> to vector<16xf32>
        %mul3A_321 = vector.broadcast %squeeze3A : f32 to vector<16xf32>
        %mul3A_322 = arith.mulf %mul3A_321, %get3A_320 : vector<16xf32>
        %add3A_323 = arith.constant 96 : i32
        %add3A_324 = arith.addi %add3A_323, %scan3A_148 : i32
        %get3A_325 = arith.index_cast %add3A_324 : i32 to index
        %get3A_326 = arith.constant 64 : index
        %get3A_327 = tpu.vector_load %arg13[%get3A_325, %get3A_326] {strides = array<i32>} : memref<384x96xf32, #tpu.memory_space<vmem>>, vector<1x16xf32>,
        %get3A_328 = vector.shape_cast %get3A_327 : vector<1x16xf32> to vector<16xf32>
        %mul3A_329 = vector.broadcast %squeeze3A_155 : f32 to vector<16xf32>
        %mul3A_330 = arith.mulf %mul3A_329, %get3A_328 : vector<16xf32>
        %add3A_331 = arith.addf %mul3A_322, %mul3A_330 : vector<16xf32>
        %add3A_332 = arith.constant 192 : i32
        %add3A_333 = arith.addi %add3A_332, %scan3A_148 : i32
        %get3A_334 = arith.index_cast %add3A_333 : i32 to index
        %get3A_335 = arith.constant 64 : index
        %get3A_336 = tpu.vector_load %arg13[%get3A_334, %get3A_335] {strides = array<i32>} : memref<384x96xf32, #tpu.memory_space<vmem>>, vector<1x16xf32>,
        %get3A_337 = vector.shape_cast %get3A_336 : vector<1x16xf32> to vector<16xf32>
        %mul3A_338 = vector.broadcast %squeeze3A_160 : f32 to vector<16xf32>
        %mul3A_339 = arith.mulf %mul3A_338, %get3A_337 : vector<16xf32>
        %add3A_340 = arith.addf %add3A_331, %mul3A_339 : vector<16xf32>
        %add3A_341 = arith.constant 288 : i32
        %add3A_342 = arith.addi %add3A_341, %scan3A_148 : i32
        %get3A_343 = arith.index_cast %add3A_342 : i32 to index
        %get3A_344 = arith.constant 64 : index
        %get3A_345 = tpu.vector_load %arg13[%get3A_343, %get3A_344] {strides = array<i32>} : memref<384x96xf32, #tpu.memory_space<vmem>>, vector<1x16xf32>,
        %get3A_346 = vector.shape_cast %get3A_345 : vector<1x16xf32> to vector<16xf32>
        %mul3A_347 = vector.broadcast %squeeze3A_165 : f32 to vector<16xf32>
        %mul3A_348 = arith.mulf %mul3A_347, %get3A_346 : vector<16xf32>
        %add3A_349 = arith.addf %add3A_340, %mul3A_348 : vector<16xf32>
        %swap3A_350 = arith.index_cast %scan3A_148 : i32 to index
        %swap3A_351 = arith.constant 64 : index
        %swap3A_352 = tpu.vector_load %arg14[%swap3A_350, %swap3A_351] {strides = array<i32>} : memref<96x96xf32, #tpu.memory_space<vmem>>, vector<1x16xf32>,
        %swap3A_353 = vector.shape_cast %swap3A_352 : vector<1x16xf32> to vector<16xf32>
        %swap3A_354 = vector.shape_cast %add3A_349 : vector<16xf32> to vector<1x16xf32>
        tpu.vector_store %arg14[%swap3A_350, %swap3A_351], %swap3A_354 {strides = array<i32>} : memref<96x96xf32, #tpu.memory_space<vmem>>, vector<1x16xf32>,
        %get3A_355 = arith.index_cast %scan3A_148 : i32 to index
        %get3A_356 = arith.constant 80 : index
        %get3A_357 = tpu.vector_load %arg13[%get3A_355, %get3A_356] {strides = array<i32>} : memref<384x96xf32, #tpu.memory_space<vmem>>, vector<1x16xf32>,
        %get3A_358 = vector.shape_cast %get3A_357 : vector<1x16xf32> to vector<16xf32>
        %mul3A_359 = vector.broadcast %squeeze3A : f32 to vector<16xf32>
        %mul3A_360 = arith.mulf %mul3A_359, %get3A_358 : vector<16xf32>
        %add3A_361 = arith.constant 96 : i32
        %add3A_362 = arith.addi %add3A_361, %scan3A_148 : i32
        %get3A_363 = arith.index_cast %add3A_362 : i32 to index
        %get3A_364 = arith.constant 80 : index
        %get3A_365 = tpu.vector_load %arg13[%get3A_363, %get3A_364] {strides = array<i32>} : memref<384x96xf32, #tpu.memory_space<vmem>>, vector<1x16xf32>,
        %get3A_366 = vector.shape_cast %get3A_365 : vector<1x16xf32> to vector<16xf32>
        %mul3A_367 = vector.broadcast %squeeze3A_155 : f32 to vector<16xf32>
        %mul3A_368 = arith.mulf %mul3A_367, %get3A_366 : vector<16xf32>
        %add3A_369 = arith.addf %mul3A_360, %mul3A_368 : vector<16xf32>
        %add3A_370 = arith.constant 192 : i32
        %add3A_371 = arith.addi %add3A_370, %scan3A_148 : i32
        %get3A_372 = arith.index_cast %add3A_371 : i32 to index
        %get3A_373 = arith.constant 80 : index
        %get3A_374 = tpu.vector_load %arg13[%get3A_372, %get3A_373] {strides = array<i32>} : memref<384x96xf32, #tpu.memory_space<vmem>>, vector<1x16xf32>,
        %get3A_375 = vector.shape_cast %get3A_374 : vector<1x16xf32> to vector<16xf32>
        %mul3A_376 = vector.broadcast %squeeze3A_160 : f32 to vector<16xf32>
        %mul3A_377 = arith.mulf %mul3A_376, %get3A_375 : vector<16xf32>
        %add3A_378 = arith.addf %add3A_369, %mul3A_377 : vector<16xf32>
        %add3A_379 = arith.constant 288 : i32
        %add3A_380 = arith.addi %add3A_379, %scan3A_148 : i32
        %get3A_381 = arith.index_cast %add3A_380 : i32 to index
        %get3A_382 = arith.constant 80 : index
        %get3A_383 = tpu.vector_load %arg13[%get3A_381, %get3A_382] {strides = array<i32>} : memref<384x96xf32, #tpu.memory_space<vmem>>, vector<1x16xf32>,
        %get3A_384 = vector.shape_cast %get3A_383 : vector<1x16xf32> to vector<16xf32>
        %mul3A_385 = vector.broadcast %squeeze3A_165 : f32 to vector<16xf32>
        %mul3A_386 = arith.mulf %mul3A_385, %get3A_384 : vector<16xf32>
        %add3A_387 = arith.addf %add3A_378, %mul3A_386 : vector<16xf32>
        %swap3A_388 = arith.index_cast %scan3A_148 : i32 to index
        %swap3A_389 = arith.constant 80 : index
        %swap3A_390 = tpu.vector_load %arg14[%swap3A_388, %swap3A_389] {strides = array<i32>} : memref<96x96xf32, #tpu.memory_space<vmem>>, vector<1x16xf32>,
        %swap3A_391 = vector.shape_cast %swap3A_390 : vector<1x16xf32> to vector<16xf32>
        %swap3A_392 = vector.shape_cast %add3A_387 : vector<16xf32> to vector<1x16xf32>
        tpu.vector_store %arg14[%swap3A_388, %swap3A_389], %swap3A_392 {strides = array<i32>} : memref<96x96xf32, #tpu.memory_space<vmem>>, vector<1x16xf32>,
      }
      %scan3A_86 = arith.constant 96 : i32
      %div3A_87 = arith.constant 147456 : i32
      %div3A_88 = arith.divsi %multiple_of3A_69, %div3A_87 : i32
      %rem3A_89 = arith.constant 147456 : i32
      %rem3A_90 = arith.remsi %multiple_of3A_69, %rem3A_89 : i32
      %div3A_91 = arith.constant 384 : i32
      %div3A_92 = arith.divsi %rem3A_90, %div3A_91 : i32
      %rem3A_93 = arith.constant 384 : i32
      %rem3A_94 = arith.remsi %rem3A_90, %rem3A_93 : i32
      %dma_start3A_95 = arith.constant 0 : i32
      %dma_start3A_96 = tpu.memref_slice %arg5[%div3A_88, %div3A_92, %rem3A_94, %dma_start3A_95] : memref<2x384x384x96xf32, #tpu.memory_space<hbm>> -> memref<1x1x96x96xf32, #tpu.memory_space<hbm>>
      %dma_start3A_97 = tpu.memref_squeeze %dma_start3A_96 : memref<1x1x96x96xf32, #tpu.memory_space<hbm>> -> memref<96x96xf32, #tpu.memory_space<hbm>>
      %dma_start3A_98 = arith.constant 0 : i32
      %dma_start3A_99 = tpu.memref_slice %arg5[%div3A_88, %div3A_92, %rem3A_94, %dma_start3A_98] : memref<2x384x384x96xf32, #tpu.memory_space<hbm>> -> memref<1x1x96x96xf32, #tpu.memory_space<hbm>>
      %dma_start3A_100 = tpu.memref_squeeze %dma_start3A_99 : memref<1x1x96x96xf32, #tpu.memory_space<hbm>> -> memref<96x96xf32, #tpu.memory_space<hbm>>
      tpu.enqueue_dma source(%arg14 : memref<96x96xf32, #tpu.memory_space<vmem>>) target(%dma_start3A_100 : memref<96x96xf32, #tpu.memory_space<hbm>>) target_semaphore(%arg16 : memref<!tpu.dma_semaphore, #tpu.memory_space<semaphore_mem>>)
      %mul3A_101 = arith.constant 2 : i32
      %mul3A_102 = arith.muli %scan3A_57, %mul3A_101 : i32
      %add3A_103 = arith.constant 1 : i32
      %add3A_104 = arith.addi %mul3A_102, %add3A_103 : i32
      %add3A_105 = arith.constant 1 : i32
      %add3A_106 = arith.addi %add3A_104, %add3A_105 : i32
      %lt3A_107 = arith.constant 96 : i32
      %lt3A_108 = arith.cmpi slt, %add3A_106, %lt3A_107 : i32
      %convert_element_type3A_109 = arith.extui %lt3A_108 : i1 to i32
      %cond3A_110 = arith.constant 0 : i32
      %cond3A_111 = arith.cmpi ne, %convert_element_type3A_109, %cond3A_110 : i32
      scf.if %cond3A_111 {
        %mul3A_148 = arith.constant 96 : i32
        %mul3A_149 = arith.muli %add3A_106, %mul3A_148 : i32
        %add3A_150 = arith.addi %mul3A_2, %mul3A_149 : i32
        %multiple_of3A_151 = tpu.assume_multiple %add3A_150, 8 : i32
        %dma_start3A_152 = tpu.memref_slice %arg3[%multiple_of3A_151] : memref<294912xf32, #tpu.memory_space<hbm>> -> memref<96xf32, #tpu.memory_space<hbm>>
        %dma_start3A_153 = tpu.memref_slice %arg3[%multiple_of3A_151] : memref<294912xf32, #tpu.memory_space<hbm>> -> memref<96xf32, #tpu.memory_space<hbm>>
        tpu.enqueue_dma source(%dma_start3A_153 : memref<96xf32, #tpu.memory_space<hbm>>) target(%arg6 : memref<96xf32, #tpu.memory_space<vmem>>) target_semaphore(%arg15 : memref<!tpu.dma_semaphore, #tpu.memory_space<semaphore_mem>>)
        %dma_start3A_154 = tpu.memref_slice %arg4[%multiple_of3A_151] : memref<294912xf32, #tpu.memory_space<hbm>> -> memref<96xf32, #tpu.memory_space<hbm>>
        %dma_start3A_155 = tpu.memref_slice %arg4[%multiple_of3A_151] : memref<294912xf32, #tpu.memory_space<hbm>> -> memref<96xf32, #tpu.memory_space<hbm>>
        tpu.enqueue_dma source(%dma_start3A_155 : memref<96xf32, #tpu.memory_space<hbm>>) target(%arg7 : memref<96xf32, #tpu.memory_space<vmem>>) target_semaphore(%arg15 : memref<!tpu.dma_semaphore, #tpu.memory_space<semaphore_mem>>)
        %dma_wait3A_156 = tpu.memref_slice %arg3[%multiple_of3A_151] : memref<294912xf32, #tpu.memory_space<hbm>> -> memref<96xf32, #tpu.memory_space<hbm>>
        %dma_wait3A_157 = tpu.memref_slice %arg3[%multiple_of3A_151] : memref<294912xf32, #tpu.memory_space<hbm>> -> memref<96xf32, #tpu.memory_space<hbm>>
        tpu.wait_dma2 semaphore(%arg15 : memref<!tpu.dma_semaphore, #tpu.memory_space<semaphore_mem>>) src(%dma_wait3A_157 : memref<96xf32, #tpu.memory_space<hbm>>) dst(%arg6 : memref<96xf32, #tpu.memory_space<vmem>>)
        %dma_wait3A_158 = tpu.memref_slice %arg4[%multiple_of3A_151] : memref<294912xf32, #tpu.memory_space<hbm>> -> memref<96xf32, #tpu.memory_space<hbm>>
        %dma_wait3A_159 = tpu.memref_slice %arg4[%multiple_of3A_151] : memref<294912xf32, #tpu.memory_space<hbm>> -> memref<96xf32, #tpu.memory_space<hbm>>
        tpu.wait_dma2 semaphore(%arg15 : memref<!tpu.dma_semaphore, #tpu.memory_space<semaphore_mem>>) src(%dma_wait3A_159 : memref<96xf32, #tpu.memory_space<hbm>>) dst(%arg7 : memref<96xf32, #tpu.memory_space<vmem>>)
        %scan3A_160 = arith.constant 0 : i32
        %scan3A_161 = arith.constant 0 : i32
        %scan3A_162 = arith.constant 6 : i32
        %scan3A_163 = arith.addi %scan3A_161, %scan3A_162 : i32
        %scan3A_164 = arith.constant 1 : i32
        scf.for %scan3A_173 = %scan3A_161 to %scan3A_163 step %scan3A_164  : i32 {
          %mul3A_174 = arith.constant 16 : i32
          %mul3A_175 = arith.muli %scan3A_173, %mul3A_174 : i32
          %mul3A_176 = arith.constant 16 : i32
          %mul3A_177 = arith.muli %scan3A_173, %mul3A_176 : i32
          %add3A_178 = arith.addi %multiple_of3A_151, %mul3A_177 : i32
          %iota3A = tpu.iota {dimensions = array<i32: 0>} : vector<16xi32>
          %add3A_179 = vector.broadcast %add3A_178 : i32 to vector<16xi32>
          %add3A_180 = arith.addi %add3A_179, %iota3A : vector<16xi32>
          %rem3A_181 = arith.constant 384 : i32
          %rem3A_182 = vector.broadcast %rem3A_181 : i32 to vector<16xi32>
          %rem3A_183 = arith.remsi %add3A_180, %rem3A_182 : vector<16xi32>
          %div3A_184 = arith.constant 384 : i32
          %div3A_185 = vector.broadcast %div3A_184 : i32 to vector<16xi32>
          %div3A_186 = arith.divsi %add3A_180, %div3A_185 : vector<16xi32>
          %rem3A_187 = arith.constant 384 : i32
          %rem3A_188 = vector.broadcast %rem3A_187 : i32 to vector<16xi32>
          %rem3A_189 = arith.remsi %div3A_186, %rem3A_188 : vector<16xi32>
          %get3A = arith.index_cast %mul3A_175 : i32 to index
          %get3A_190 = tpu.vector_load %arg6[%get3A] {strides = array<i32>} : memref<96xf32, #tpu.memory_space<vmem>>, vector<16xf32>,
          %get3A_191 = vector.shape_cast %get3A_190 : vector<16xf32> to vector<16xf32>
          %convert_element_type3A_192 = arith.sitofp %rem3A_183 : vector<16xi32> to vector<16xf32>
          %add3A_193 = arith.addf %get3A_191, %convert_element_type3A_192 : vector<16xf32>
          %add3A_194 = arith.constant 1.000000e+00 : f32
          %add3A_195 = vector.broadcast %add3A_194 : f32 to vector<16xf32>
          %add3A_196 = arith.addf %add3A_193, %add3A_195 : vector<16xf32>
          %get3A_197 = arith.index_cast %mul3A_175 : i32 to index
          %get3A_198 = tpu.vector_load %arg7[%get3A_197] {strides = array<i32>} : memref<96xf32, #tpu.memory_space<vmem>>, vector<16xf32>,
          %get3A_199 = vector.shape_cast %get3A_198 : vector<16xf32> to vector<16xf32>
          %convert_element_type3A_200 = arith.sitofp %rem3A_189 : vector<16xi32> to vector<16xf32>
          %add3A_201 = arith.addf %get3A_199, %convert_element_type3A_200 : vector<16xf32>
          %add3A_202 = arith.constant 1.000000e+00 : f32
          %add3A_203 = vector.broadcast %add3A_202 : f32 to vector<16xf32>
          %add3A_204 = arith.addf %add3A_201, %add3A_203 : vector<16xf32>
          %convert_element_type3A_205 = arith.fptosi %add3A_196 : vector<16xf32> to vector<16xi32>
          %convert_element_type3A_206 = arith.sitofp %convert_element_type3A_205 : vector<16xi32> to vector<16xf32>
          %gt3A = arith.cmpf ogt, %convert_element_type3A_206, %add3A_196 : vector<16xf32>
          %sub3A = arith.constant 1 : i32
          %sub3A_207 = vector.broadcast %sub3A : i32 to vector<16xi32>
          %sub3A_208 = arith.subi %convert_element_type3A_205, %sub3A_207 : vector<16xi32>
          %select_n3A = arith.select %gt3A, %sub3A_208, %convert_element_type3A_205 : vector<16xi1>, vector<16xi32>
          %convert_element_type3A_209 = arith.fptosi %add3A_204 : vector<16xf32> to vector<16xi32>
          %convert_element_type3A_210 = arith.sitofp %convert_element_type3A_209 : vector<16xi32> to vector<16xf32>
          %gt3A_211 = arith.cmpf ogt, %convert_element_type3A_210, %add3A_204 : vector<16xf32>
          %sub3A_212 = arith.constant 1 : i32
          %sub3A_213 = vector.broadcast %sub3A_212 : i32 to vector<16xi32>
          %sub3A_214 = arith.subi %convert_element_type3A_209, %sub3A_213 : vector<16xi32>
          %select_n3A_215 = arith.select %gt3A_211, %sub3A_214, %convert_element_type3A_209 : vector<16xi1>, vector<16xi32>
          %jit3A = arith.constant 0 : i32
          %jit3A_216 = arith.constant 385 : i32
          %max3A = vector.broadcast %jit3A : i32 to vector<16xi32>
          %max3A_217 = arith.maxsi %max3A, %select_n3A : vector<16xi32>
          %min3A = vector.broadcast %jit3A_216 : i32 to vector<16xi32>
          %min3A_218 = arith.minsi %min3A, %max3A_217 : vector<16xi32>
          %add3A_219 = arith.constant 1 : i32
          %add3A_220 = vector.broadcast %add3A_219 : i32 to vector<16xi32>
          %add3A_221 = arith.addi %select_n3A, %add3A_220 : vector<16xi32>
          %jit3A_222 = arith.constant 0 : i32
          %jit3A_223 = arith.constant 385 : i32
          %max3A_224 = vector.broadcast %jit3A_222 : i32 to vector<16xi32>
          %max3A_225 = arith.maxsi %max3A_224, %add3A_221 : vector<16xi32>
          %min3A_226 = vector.broadcast %jit3A_223 : i32 to vector<16xi32>
          %min3A_227 = arith.minsi %min3A_226, %max3A_225 : vector<16xi32>
          %jit3A_228 = arith.constant 0 : i32
          %jit3A_229 = arith.constant 385 : i32
          %max3A_230 = vector.broadcast %jit3A_228 : i32 to vector<16xi32>
          %max3A_231 = arith.maxsi %max3A_230, %select_n3A_215 : vector<16xi32>
          %min3A_232 = vector.broadcast %jit3A_229 : i32 to vector<16xi32>
          %min3A_233 = arith.minsi %min3A_232, %max3A_231 : vector<16xi32>
          %add3A_234 = arith.constant 1 : i32
          %add3A_235 = vector.broadcast %add3A_234 : i32 to vector<16xi32>
          %add3A_236 = arith.addi %select_n3A_215, %add3A_235 : vector<16xi32>
          %jit3A_237 = arith.constant 0 : i32
          %jit3A_238 = arith.constant 385 : i32
          %max3A_239 = vector.broadcast %jit3A_237 : i32 to vector<16xi32>
          %max3A_240 = arith.maxsi %max3A_239, %add3A_236 : vector<16xi32>
          %min3A_241 = vector.broadcast %jit3A_238 : i32 to vector<16xi32>
          %min3A_242 = arith.minsi %min3A_241, %max3A_240 : vector<16xi32>
          %convert_element_type3A_243 = arith.sitofp %min3A_227 : vector<16xi32> to vector<16xf32>
          %sub3A_244 = arith.subf %convert_element_type3A_243, %add3A_196 : vector<16xf32>
          %convert_element_type3A_245 = arith.sitofp %min3A_242 : vector<16xi32> to vector<16xf32>
          %sub3A_246 = arith.subf %convert_element_type3A_245, %add3A_204 : vector<16xf32>
          %mul3A_247 = arith.mulf %sub3A_244, %sub3A_246 : vector<16xf32>
          %sub3A_248 = arith.constant 1.000000e+00 : f32
          %sub3A_249 = vector.broadcast %sub3A_248 : f32 to vector<16xf32>
          %sub3A_250 = arith.subf %sub3A_249, %sub3A_246 : vector<16xf32>
          %mul3A_251 = arith.mulf %sub3A_244, %sub3A_250 : vector<16xf32>
          %sub3A_252 = arith.constant 1.000000e+00 : f32
          %sub3A_253 = vector.broadcast %sub3A_252 : f32 to vector<16xf32>
          %sub3A_254 = arith.subf %sub3A_253, %sub3A_244 : vector<16xf32>
          %mul3A_255 = arith.mulf %sub3A_254, %sub3A_246 : vector<16xf32>
          %sub3A_256 = arith.constant 1.000000e+00 : f32
          %sub3A_257 = vector.broadcast %sub3A_256 : f32 to vector<16xf32>
          %sub3A_258 = arith.subf %sub3A_257, %sub3A_244 : vector<16xf32>
          %sub3A_259 = arith.constant 1.000000e+00 : f32
          %sub3A_260 = vector.broadcast %sub3A_259 : f32 to vector<16xf32>
          %sub3A_261 = arith.subf %sub3A_260, %sub3A_246 : vector<16xf32>
          %mul3A_262 = arith.mulf %sub3A_258, %sub3A_261 : vector<16xf32>
          %sub3A_263 = arith.constant 1 : i32
          %sub3A_264 = vector.broadcast %sub3A_263 : i32 to vector<16xi32>
          %sub3A_265 = arith.subi %min3A_218, %sub3A_264 : vector<16xi32>
          %jit3A_266 = arith.constant 0 : i32
          %jit3A_267 = arith.constant 383 : i32
          %max3A_268 = vector.broadcast %jit3A_266 : i32 to vector<16xi32>
          %max3A_269 = arith.maxsi %max3A_268, %sub3A_265 : vector<16xi32>
          %min3A_270 = vector.broadcast %jit3A_267 : i32 to vector<16xi32>
          %min3A_271 = arith.minsi %min3A_270, %max3A_269 : vector<16xi32>
          %sub3A_272 = arith.constant 1 : i32
          %sub3A_273 = vector.broadcast %sub3A_272 : i32 to vector<16xi32>
          %sub3A_274 = arith.subi %min3A_233, %sub3A_273 : vector<16xi32>
          %jit3A_275 = arith.constant 0 : i32
          %jit3A_276 = arith.constant 383 : i32
          %max3A_277 = vector.broadcast %jit3A_275 : i32 to vector<16xi32>
          %max3A_278 = arith.maxsi %max3A_277, %sub3A_274 : vector<16xi32>
          %min3A_279 = vector.broadcast %jit3A_276 : i32 to vector<16xi32>
          %min3A_280 = arith.minsi %min3A_279, %max3A_278 : vector<16xi32>
          %mul3A_281 = arith.constant 384 : i32
          %mul3A_282 = vector.broadcast %mul3A_281 : i32 to vector<16xi32>
          %mul3A_283 = arith.muli %min3A_280, %mul3A_282 : vector<16xi32>
          %add3A_284 = arith.addi %mul3A_283, %min3A_271 : vector<16xi32>
          %mul3A_285 = arith.constant 16 : i32
          %mul3A_286 = arith.muli %scan3A_173, %mul3A_285 : i32
          %swap3A = arith.index_cast %mul3A_286 : i32 to index
          %swap3A_287 = tpu.vector_load %arg8[%swap3A] {strides = array<i32>} : memref<384xi32, #tpu.memory_space<vmem>>, vector<16xi32>,
          %swap3A_288 = vector.shape_cast %swap3A_287 : vector<16xi32> to vector<16xi32>
          %swap3A_289 = vector.shape_cast %add3A_284 : vector<16xi32> to vector<16xi32>
          tpu.vector_store %arg8[%swap3A], %swap3A_289 {strides = array<i32>} : memref<384xi32, #tpu.memory_space<vmem>>, vector<16xi32>,
          %ge3A_290 = arith.constant 1 : i32
          %ge3A_291 = vector.broadcast %ge3A_290 : i32 to vector<16xi32>
          %ge3A_292 = arith.cmpi sge, %min3A_218, %ge3A_291 : vector<16xi32>
          %le3A = arith.constant 384 : i32
          %le3A_293 = vector.broadcast %le3A : i32 to vector<16xi32>
          %le3A_294 = arith.cmpi sle, %min3A_218, %le3A_293 : vector<16xi32>
          %and3A = arith.andi %ge3A_292, %le3A_294 : vector<16xi1>
          %ge3A_295 = arith.constant 1 : i32
          %ge3A_296 = vector.broadcast %ge3A_295 : i32 to vector<16xi32>
          %ge3A_297 = arith.cmpi sge, %min3A_233, %ge3A_296 : vector<16xi32>
          %and3A_298 = arith.andi %and3A, %ge3A_297 : vector<16xi1>
          %le3A_299 = arith.constant 384 : i32
          %le3A_300 = vector.broadcast %le3A_299 : i32 to vector<16xi32>
          %le3A_301 = arith.cmpi sle, %min3A_233, %le3A_300 : vector<16xi32>
          %and3A_302 = arith.andi %and3A_298, %le3A_301 : vector<16xi1>
          %jit3A_303 = arith.constant 0.000000e+00 : f32
          %broadcast_in_dim3A = vector.broadcast %jit3A_303 : f32 to vector<16xf32>
          %select_n3A_304 = arith.select %and3A_302, %mul3A_247, %broadcast_in_dim3A : vector<16xi1>, vector<16xf32>
          %swap3A_305 = arith.index_cast %mul3A_175 : i32 to index
          %swap3A_306 = tpu.vector_load %arg9[%swap3A_305] {strides = array<i32>} : memref<112xf32, #tpu.memory_space<vmem>>, vector<16xf32>,
          %swap3A_307 = vector.shape_cast %swap3A_306 : vector<16xf32> to vector<16xf32>
          %swap3A_308 = vector.shape_cast %select_n3A_304 : vector<16xf32> to vector<16xf32>
          tpu.vector_store %arg9[%swap3A_305], %swap3A_308 {strides = array<i32>} : memref<112xf32, #tpu.memory_space<vmem>>, vector<16xf32>,
          %sub3A_309 = arith.constant 1 : i32
          %sub3A_310 = vector.broadcast %sub3A_309 : i32 to vector<16xi32>
          %sub3A_311 = arith.subi %min3A_218, %sub3A_310 : vector<16xi32>
          %jit3A_312 = arith.constant 0 : i32
          %jit3A_313 = arith.constant 383 : i32
          %max3A_314 = vector.broadcast %jit3A_312 : i32 to vector<16xi32>
          %max3A_315 = arith.maxsi %max3A_314, %sub3A_311 : vector<16xi32>
          %min3A_316 = vector.broadcast %jit3A_313 : i32 to vector<16xi32>
          %min3A_317 = arith.minsi %min3A_316, %max3A_315 : vector<16xi32>
          %sub3A_318 = arith.constant 1 : i32
          %sub3A_319 = vector.broadcast %sub3A_318 : i32 to vector<16xi32>
          %sub3A_320 = arith.subi %min3A_242, %sub3A_319 : vector<16xi32>
          %jit3A_321 = arith.constant 0 : i32
          %jit3A_322 = arith.constant 383 : i32
          %max3A_323 = vector.broadcast %jit3A_321 : i32 to vector<16xi32>
          %max3A_324 = arith.maxsi %max3A_323, %sub3A_320 : vector<16xi32>
          %min3A_325 = vector.broadcast %jit3A_322 : i32 to vector<16xi32>
          %min3A_326 = arith.minsi %min3A_325, %max3A_324 : vector<16xi32>
          %mul3A_327 = arith.constant 384 : i32
          %mul3A_328 = vector.broadcast %mul3A_327 : i32 to vector<16xi32>
          %mul3A_329 = arith.muli %min3A_326, %mul3A_328 : vector<16xi32>
          %add3A_330 = arith.addi %mul3A_329, %min3A_317 : vector<16xi32>
          %mul3A_331 = arith.constant 16 : i32
          %mul3A_332 = arith.muli %scan3A_173, %mul3A_331 : i32
          %add3A_333 = arith.constant 96 : i32
          %add3A_334 = arith.addi %add3A_333, %mul3A_332 : i32
          %swap3A_335 = arith.index_cast %add3A_334 : i32 to index
          %swap3A_336 = tpu.vector_load %arg8[%swap3A_335] {strides = array<i32>} : memref<384xi32, #tpu.memory_space<vmem>>, vector<16xi32>,
          %swap3A_337 = vector.shape_cast %swap3A_336 : vector<16xi32> to vector<16xi32>
          %swap3A_338 = vector.shape_cast %add3A_330 : vector<16xi32> to vector<16xi32>
          tpu.vector_store %arg8[%swap3A_335], %swap3A_338 {strides = array<i32>} : memref<384xi32, #tpu.memory_space<vmem>>, vector<16xi32>,
          %ge3A_339 = arith.constant 1 : i32
          %ge3A_340 = vector.broadcast %ge3A_339 : i32 to vector<16xi32>
          %ge3A_341 = arith.cmpi sge, %min3A_218, %ge3A_340 : vector<16xi32>
          %le3A_342 = arith.constant 384 : i32
          %le3A_343 = vector.broadcast %le3A_342 : i32 to vector<16xi32>
          %le3A_344 = arith.cmpi sle, %min3A_218, %le3A_343 : vector<16xi32>
          %and3A_345 = arith.andi %ge3A_341, %le3A_344 : vector<16xi1>
          %ge3A_346 = arith.constant 1 : i32
          %ge3A_347 = vector.broadcast %ge3A_346 : i32 to vector<16xi32>
          %ge3A_348 = arith.cmpi sge, %min3A_242, %ge3A_347 : vector<16xi32>
          %and3A_349 = arith.andi %and3A_345, %ge3A_348 : vector<16xi1>
          %le3A_350 = arith.constant 384 : i32
          %le3A_351 = vector.broadcast %le3A_350 : i32 to vector<16xi32>
          %le3A_352 = arith.cmpi sle, %min3A_242, %le3A_351 : vector<16xi32>
          %and3A_353 = arith.andi %and3A_349, %le3A_352 : vector<16xi1>
          %jit3A_354 = arith.constant 0.000000e+00 : f32
          %broadcast_in_dim3A_355 = vector.broadcast %jit3A_354 : f32 to vector<16xf32>
          %select_n3A_356 = arith.select %and3A_353, %mul3A_251, %broadcast_in_dim3A_355 : vector<16xi1>, vector<16xf32>
          %swap3A_357 = arith.index_cast %mul3A_175 : i32 to index
          %swap3A_358 = tpu.vector_load %arg10[%swap3A_357] {strides = array<i32>} : memref<112xf32, #tpu.memory_space<vmem>>, vector<16xf32>,
          %swap3A_359 = vector.shape_cast %swap3A_358 : vector<16xf32> to vector<16xf32>
          %swap3A_360 = vector.shape_cast %select_n3A_356 : vector<16xf32> to vector<16xf32>
          tpu.vector_store %arg10[%swap3A_357], %swap3A_360 {strides = array<i32>} : memref<112xf32, #tpu.memory_space<vmem>>, vector<16xf32>,
          %sub3A_361 = arith.constant 1 : i32
          %sub3A_362 = vector.broadcast %sub3A_361 : i32 to vector<16xi32>
          %sub3A_363 = arith.subi %min3A_227, %sub3A_362 : vector<16xi32>
          %jit3A_364 = arith.constant 0 : i32
          %jit3A_365 = arith.constant 383 : i32
          %max3A_366 = vector.broadcast %jit3A_364 : i32 to vector<16xi32>
          %max3A_367 = arith.maxsi %max3A_366, %sub3A_363 : vector<16xi32>
          %min3A_368 = vector.broadcast %jit3A_365 : i32 to vector<16xi32>
          %min3A_369 = arith.minsi %min3A_368, %max3A_367 : vector<16xi32>
          %sub3A_370 = arith.constant 1 : i32
          %sub3A_371 = vector.broadcast %sub3A_370 : i32 to vector<16xi32>
          %sub3A_372 = arith.subi %min3A_233, %sub3A_371 : vector<16xi32>
          %jit3A_373 = arith.constant 0 : i32
          %jit3A_374 = arith.constant 383 : i32
          %max3A_375 = vector.broadcast %jit3A_373 : i32 to vector<16xi32>
          %max3A_376 = arith.maxsi %max3A_375, %sub3A_372 : vector<16xi32>
          %min3A_377 = vector.broadcast %jit3A_374 : i32 to vector<16xi32>
          %min3A_378 = arith.minsi %min3A_377, %max3A_376 : vector<16xi32>
          %mul3A_379 = arith.constant 384 : i32
          %mul3A_380 = vector.broadcast %mul3A_379 : i32 to vector<16xi32>
          %mul3A_381 = arith.muli %min3A_378, %mul3A_380 : vector<16xi32>
          %add3A_382 = arith.addi %mul3A_381, %min3A_369 : vector<16xi32>
          %mul3A_383 = arith.constant 16 : i32
          %mul3A_384 = arith.muli %scan3A_173, %mul3A_383 : i32
          %add3A_385 = arith.constant 192 : i32
          %add3A_386 = arith.addi %add3A_385, %mul3A_384 : i32
          %swap3A_387 = arith.index_cast %add3A_386 : i32 to index
          %swap3A_388 = tpu.vector_load %arg8[%swap3A_387] {strides = array<i32>} : memref<384xi32, #tpu.memory_space<vmem>>, vector<16xi32>,
          %swap3A_389 = vector.shape_cast %swap3A_388 : vector<16xi32> to vector<16xi32>
          %swap3A_390 = vector.shape_cast %add3A_382 : vector<16xi32> to vector<16xi32>
          tpu.vector_store %arg8[%swap3A_387], %swap3A_390 {strides = array<i32>} : memref<384xi32, #tpu.memory_space<vmem>>, vector<16xi32>,
          %ge3A_391 = arith.constant 1 : i32
          %ge3A_392 = vector.broadcast %ge3A_391 : i32 to vector<16xi32>
          %ge3A_393 = arith.cmpi sge, %min3A_227, %ge3A_392 : vector<16xi32>
          %le3A_394 = arith.constant 384 : i32
          %le3A_395 = vector.broadcast %le3A_394 : i32 to vector<16xi32>
          %le3A_396 = arith.cmpi sle, %min3A_227, %le3A_395 : vector<16xi32>
          %and3A_397 = arith.andi %ge3A_393, %le3A_396 : vector<16xi1>
          %ge3A_398 = arith.constant 1 : i32
          %ge3A_399 = vector.broadcast %ge3A_398 : i32 to vector<16xi32>
          %ge3A_400 = arith.cmpi sge, %min3A_233, %ge3A_399 : vector<16xi32>
          %and3A_401 = arith.andi %and3A_397, %ge3A_400 : vector<16xi1>
          %le3A_402 = arith.constant 384 : i32
          %le3A_403 = vector.broadcast %le3A_402 : i32 to vector<16xi32>
          %le3A_404 = arith.cmpi sle, %min3A_233, %le3A_403 : vector<16xi32>
          %and3A_405 = arith.andi %and3A_401, %le3A_404 : vector<16xi1>
          %jit3A_406 = arith.constant 0.000000e+00 : f32
          %broadcast_in_dim3A_407 = vector.broadcast %jit3A_406 : f32 to vector<16xf32>
          %select_n3A_408 = arith.select %and3A_405, %mul3A_255, %broadcast_in_dim3A_407 : vector<16xi1>, vector<16xf32>
          %swap3A_409 = arith.index_cast %mul3A_175 : i32 to index
          %swap3A_410 = tpu.vector_load %arg11[%swap3A_409] {strides = array<i32>} : memref<112xf32, #tpu.memory_space<vmem>>, vector<16xf32>,
          %swap3A_411 = vector.shape_cast %swap3A_410 : vector<16xf32> to vector<16xf32>
          %swap3A_412 = vector.shape_cast %select_n3A_408 : vector<16xf32> to vector<16xf32>
          tpu.vector_store %arg11[%swap3A_409], %swap3A_412 {strides = array<i32>} : memref<112xf32, #tpu.memory_space<vmem>>, vector<16xf32>,
          %sub3A_413 = arith.constant 1 : i32
          %sub3A_414 = vector.broadcast %sub3A_413 : i32 to vector<16xi32>
          %sub3A_415 = arith.subi %min3A_227, %sub3A_414 : vector<16xi32>
          %jit3A_416 = arith.constant 0 : i32
          %jit3A_417 = arith.constant 383 : i32
          %max3A_418 = vector.broadcast %jit3A_416 : i32 to vector<16xi32>
          %max3A_419 = arith.maxsi %max3A_418, %sub3A_415 : vector<16xi32>
          %min3A_420 = vector.broadcast %jit3A_417 : i32 to vector<16xi32>
          %min3A_421 = arith.minsi %min3A_420, %max3A_419 : vector<16xi32>
          %sub3A_422 = arith.constant 1 : i32
          %sub3A_423 = vector.broadcast %sub3A_422 : i32 to vector<16xi32>
          %sub3A_424 = arith.subi %min3A_242, %sub3A_423 : vector<16xi32>
          %jit3A_425 = arith.constant 0 : i32
          %jit3A_426 = arith.constant 383 : i32
          %max3A_427 = vector.broadcast %jit3A_425 : i32 to vector<16xi32>
          %max3A_428 = arith.maxsi %max3A_427, %sub3A_424 : vector<16xi32>
          %min3A_429 = vector.broadcast %jit3A_426 : i32 to vector<16xi32>
          %min3A_430 = arith.minsi %min3A_429, %max3A_428 : vector<16xi32>
          %mul3A_431 = arith.constant 384 : i32
          %mul3A_432 = vector.broadcast %mul3A_431 : i32 to vector<16xi32>
          %mul3A_433 = arith.muli %min3A_430, %mul3A_432 : vector<16xi32>
          %add3A_434 = arith.addi %mul3A_433, %min3A_421 : vector<16xi32>
          %mul3A_435 = arith.constant 16 : i32
          %mul3A_436 = arith.muli %scan3A_173, %mul3A_435 : i32
          %add3A_437 = arith.constant 288 : i32
          %add3A_438 = arith.addi %add3A_437, %mul3A_436 : i32
          %swap3A_439 = arith.index_cast %add3A_438 : i32 to index
          %swap3A_440 = tpu.vector_load %arg8[%swap3A_439] {strides = array<i32>} : memref<384xi32, #tpu.memory_space<vmem>>, vector<16xi32>,
          %swap3A_441 = vector.shape_cast %swap3A_440 : vector<16xi32> to vector<16xi32>
          %swap3A_442 = vector.shape_cast %add3A_434 : vector<16xi32> to vector<16xi32>
          tpu.vector_store %arg8[%swap3A_439], %swap3A_442 {strides = array<i32>} : memref<384xi32, #tpu.memory_space<vmem>>, vector<16xi32>,
          %ge3A_443 = arith.constant 1 : i32
          %ge3A_444 = vector.broadcast %ge3A_443 : i32 to vector<16xi32>
          %ge3A_445 = arith.cmpi sge, %min3A_227, %ge3A_444 : vector<16xi32>
          %le3A_446 = arith.constant 384 : i32
          %le3A_447 = vector.broadcast %le3A_446 : i32 to vector<16xi32>
          %le3A_448 = arith.cmpi sle, %min3A_227, %le3A_447 : vector<16xi32>
          %and3A_449 = arith.andi %ge3A_445, %le3A_448 : vector<16xi1>
          %ge3A_450 = arith.constant 1 : i32
          %ge3A_451 = vector.broadcast %ge3A_450 : i32 to vector<16xi32>
          %ge3A_452 = arith.cmpi sge, %min3A_242, %ge3A_451 : vector<16xi32>
          %and3A_453 = arith.andi %and3A_449, %ge3A_452 : vector<16xi1>
          %le3A_454 = arith.constant 384 : i32
          %le3A_455 = vector.broadcast %le3A_454 : i32 to vector<16xi32>
          %le3A_456 = arith.cmpi sle, %min3A_242, %le3A_455 : vector<16xi32>
          %and3A_457 = arith.andi %and3A_453, %le3A_456 : vector<16xi1>
          %jit3A_458 = arith.constant 0.000000e+00 : f32
          %broadcast_in_dim3A_459 = vector.broadcast %jit3A_458 : f32 to vector<16xf32>
          %select_n3A_460 = arith.select %and3A_457, %mul3A_262, %broadcast_in_dim3A_459 : vector<16xi1>, vector<16xf32>
          %swap3A_461 = arith.index_cast %mul3A_175 : i32 to index
          %swap3A_462 = tpu.vector_load %arg12[%swap3A_461] {strides = array<i32>} : memref<112xf32, #tpu.memory_space<vmem>>, vector<16xf32>,
          %swap3A_463 = vector.shape_cast %swap3A_462 : vector<16xf32> to vector<16xf32>
          %swap3A_464 = vector.shape_cast %select_n3A_460 : vector<16xf32> to vector<16xf32>
          tpu.vector_store %arg12[%swap3A_461], %swap3A_464 {strides = array<i32>} : memref<112xf32, #tpu.memory_space<vmem>>, vector<16xf32>,
        }
        %scan3A_165 = arith.constant 6 : i32
        %dma_start3A_166 = arith.constant 0 : i32
        %dma_start3A_167 = arith.constant 0 : i32
        %dma_start3A_168 = tpu.memref_slice %arg2[%div3A_3, %dma_start3A_166, %dma_start3A_167] : memref<2x147456x96xf32, #tpu.memory_space<hbm>> -> memref<1x147456x96xf32, #tpu.memory_space<hbm>>
        %dma_start3A_169 = tpu.memref_squeeze %dma_start3A_168 : memref<1x147456x96xf32, #tpu.memory_space<hbm>> -> memref<147456x96xf32, #tpu.memory_space<hbm>>
        %dma_start3A_170 = arith.constant 0 : i32
        %dma_start3A_171 = arith.constant 0 : i32
        %dma_start3A_172 = tpu.memref_slice %dma_start3A_169[%dma_start3A_170, %dma_start3A_171] : memref<147456x96xf32, #tpu.memory_space<hbm>> -> memref<147456x96xf32, #tpu.memory_space<hbm>>
        tpu.enqueue_indirect_dma source(%dma_start3A_172 : memref<147456x96xf32, #tpu.memory_space<hbm>>) target(%arg13 : memref<384x96xf32, #tpu.memory_space<vmem>>) offsets(%arg8 : memref<384xi32, #tpu.memory_space<vmem>>) semaphore(%arg15 : memref<!tpu.dma_semaphore, #tpu.memory_space<semaphore_mem>>)
      } else {
      }
      %mul3A_112 = arith.constant 96 : i32
      %mul3A_113 = arith.muli %add3A_104, %mul3A_112 : i32
      %add3A_114 = arith.addi %mul3A_2, %mul3A_113 : i32
      %multiple_of3A_115 = tpu.assume_multiple %add3A_114, 8 : i32
      %ge3A_116 = arith.constant 2 : i32
      %ge3A_117 = arith.cmpi sge, %add3A_104, %ge3A_116 : i32
      %convert_element_type3A_118 = arith.extui %ge3A_117 : i1 to i32
      %cond3A_119 = arith.constant 0 : i32
      %cond3A_120 = arith.cmpi ne, %convert_element_type3A_118, %cond3A_119 : i32
      scf.if %cond3A_120 {
        %div3A_148 = arith.constant 147456 : i32
        %div3A_149 = arith.divsi %multiple_of3A_115, %div3A_148 : i32
        %rem3A_150 = arith.constant 147456 : i32
        %rem3A_151 = arith.remsi %multiple_of3A_115, %rem3A_150 : i32
        %div3A_152 = arith.constant 384 : i32
        %div3A_153 = arith.divsi %rem3A_151, %div3A_152 : i32
        %rem3A_154 = arith.constant 384 : i32
        %rem3A_155 = arith.remsi %rem3A_151, %rem3A_154 : i32
        %dma_wait3A_156 = arith.constant 0 : i32
        %dma_wait3A_157 = tpu.memref_slice %arg5[%div3A_149, %div3A_153, %rem3A_155, %dma_wait3A_156] : memref<2x384x384x96xf32, #tpu.memory_space<hbm>> -> memref<1x1x96x96xf32, #tpu.memory_space<hbm>>
        %dma_wait3A_158 = tpu.memref_squeeze %dma_wait3A_157 : memref<1x1x96x96xf32, #tpu.memory_space<hbm>> -> memref<96x96xf32, #tpu.memory_space<hbm>>
        %dma_wait3A_159 = arith.constant 0 : i32
        %dma_wait3A_160 = tpu.memref_slice %arg5[%div3A_149, %div3A_153, %rem3A_155, %dma_wait3A_159] : memref<2x384x384x96xf32, #tpu.memory_space<hbm>> -> memref<1x1x96x96xf32, #tpu.memory_space<hbm>>
        %dma_wait3A_161 = tpu.memref_squeeze %dma_wait3A_160 : memref<1x1x96x96xf32, #tpu.memory_space<hbm>> -> memref<96x96xf32, #tpu.memory_space<hbm>>
        tpu.wait_dma2 semaphore(%arg27 : memref<!tpu.dma_semaphore, #tpu.memory_space<semaphore_mem>>) src(%arg25 : memref<96x96xf32, #tpu.memory_space<vmem>>) dst(%dma_wait3A_161 : memref<96x96xf32, #tpu.memory_space<hbm>>)
      } else {
      }
      %dma_wait3A_121 = arith.constant 0 : i32
      %dma_wait3A_122 = arith.constant 0 : i32
      %dma_wait3A_123 = tpu.memref_slice %arg2[%div3A_3, %dma_wait3A_121, %dma_wait3A_122] : memref<2x147456x96xf32, #tpu.memory_space<hbm>> -> memref<1x147456x96xf32, #tpu.memory_space<hbm>>
      %dma_wait3A_124 = tpu.memref_squeeze %dma_wait3A_123 : memref<1x147456x96xf32, #tpu.memory_space<hbm>> -> memref<147456x96xf32, #tpu.memory_space<hbm>>
      %dma_wait3A_125 = arith.constant 0 : i32
      %dma_wait3A_126 = arith.constant 0 : i32
      %dma_wait3A_127 = tpu.memref_slice %dma_wait3A_124[%dma_wait3A_125, %dma_wait3A_126] : memref<147456x96xf32, #tpu.memory_space<hbm>> -> memref<147456x96xf32, #tpu.memory_space<hbm>>
      tpu.wait_indirect_dma semaphore(%arg26 : memref<!tpu.dma_semaphore, #tpu.memory_space<semaphore_mem>>) src(%dma_wait3A_127 : memref<147456x96xf32, #tpu.memory_space<hbm>>) dst(%arg24 : memref<384x96xf32, #tpu.memory_space<vmem>>)
      %scan3A_128 = arith.constant 0 : i32
      %scan3A_129 = arith.constant 0 : i32
      %scan3A_130 = arith.constant 96 : i32
      %scan3A_131 = arith.addi %scan3A_129, %scan3A_130 : i32
      %scan3A_132 = arith.constant 1 : i32
      scf.for %scan3A_148 = %scan3A_129 to %scan3A_131 step %scan3A_132  : i32 {
        %get3A = arith.index_cast %scan3A_148 : i32 to index
        %get3A_149 = tpu.vector_load %arg20[%get3A] {strides = array<i32>} : memref<112xf32, #tpu.memory_space<vmem>>, vector<16xf32>,
        %get3A_150 = vector.shape_cast %get3A_149 : vector<16xf32> to vector<16xf32>
        %slice3A = vector.extract_strided_slice %get3A_150 {offsets = [0], sizes = [1], strides = [1]} : vector<16xf32> to vector<1xf32>
        %squeeze3A = vector.extract %slice3A[0] : f32 from vector<1xf32>
        %get3A_151 = arith.index_cast %scan3A_148 : i32 to index
        %get3A_152 = tpu.vector_load %arg21[%get3A_151] {strides = array<i32>} : memref<112xf32, #tpu.memory_space<vmem>>, vector<16xf32>,
        %get3A_153 = vector.shape_cast %get3A_152 : vector<16xf32> to vector<16xf32>
        %slice3A_154 = vector.extract_strided_slice %get3A_153 {offsets = [0], sizes = [1], strides = [1]} : vector<16xf32> to vector<1xf32>
        %squeeze3A_155 = vector.extract %slice3A_154[0] : f32 from vector<1xf32>
        %get3A_156 = arith.index_cast %scan3A_148 : i32 to index
        %get3A_157 = tpu.vector_load %arg22[%get3A_156] {strides = array<i32>} : memref<112xf32, #tpu.memory_space<vmem>>, vector<16xf32>,
        %get3A_158 = vector.shape_cast %get3A_157 : vector<16xf32> to vector<16xf32>
        %slice3A_159 = vector.extract_strided_slice %get3A_158 {offsets = [0], sizes = [1], strides = [1]} : vector<16xf32> to vector<1xf32>
        %squeeze3A_160 = vector.extract %slice3A_159[0] : f32 from vector<1xf32>
        %get3A_161 = arith.index_cast %scan3A_148 : i32 to index
        %get3A_162 = tpu.vector_load %arg23[%get3A_161] {strides = array<i32>} : memref<112xf32, #tpu.memory_space<vmem>>, vector<16xf32>,
        %get3A_163 = vector.shape_cast %get3A_162 : vector<16xf32> to vector<16xf32>
        %slice3A_164 = vector.extract_strided_slice %get3A_163 {offsets = [0], sizes = [1], strides = [1]} : vector<16xf32> to vector<1xf32>
        %squeeze3A_165 = vector.extract %slice3A_164[0] : f32 from vector<1xf32>
        %get3A_166 = arith.index_cast %scan3A_148 : i32 to index
        %get3A_167 = arith.constant 0 : index
        %get3A_168 = tpu.vector_load %arg24[%get3A_166, %get3A_167] {strides = array<i32>} : memref<384x96xf32, #tpu.memory_space<vmem>>, vector<1x16xf32>,
        %get3A_169 = vector.shape_cast %get3A_168 : vector<1x16xf32> to vector<16xf32>
        %mul3A_170 = vector.broadcast %squeeze3A : f32 to vector<16xf32>
        %mul3A_171 = arith.mulf %mul3A_170, %get3A_169 : vector<16xf32>
        %add3A_172 = arith.constant 96 : i32
        %add3A_173 = arith.addi %add3A_172, %scan3A_148 : i32
        %get3A_174 = arith.index_cast %add3A_173 : i32 to index
        %get3A_175 = arith.constant 0 : index
        %get3A_176 = tpu.vector_load %arg24[%get3A_174, %get3A_175] {strides = array<i32>} : memref<384x96xf32, #tpu.memory_space<vmem>>, vector<1x16xf32>,
        %get3A_177 = vector.shape_cast %get3A_176 : vector<1x16xf32> to vector<16xf32>
        %mul3A_178 = vector.broadcast %squeeze3A_155 : f32 to vector<16xf32>
        %mul3A_179 = arith.mulf %mul3A_178, %get3A_177 : vector<16xf32>
        %add3A_180 = arith.addf %mul3A_171, %mul3A_179 : vector<16xf32>
        %add3A_181 = arith.constant 192 : i32
        %add3A_182 = arith.addi %add3A_181, %scan3A_148 : i32
        %get3A_183 = arith.index_cast %add3A_182 : i32 to index
        %get3A_184 = arith.constant 0 : index
        %get3A_185 = tpu.vector_load %arg24[%get3A_183, %get3A_184] {strides = array<i32>} : memref<384x96xf32, #tpu.memory_space<vmem>>, vector<1x16xf32>,
        %get3A_186 = vector.shape_cast %get3A_185 : vector<1x16xf32> to vector<16xf32>
        %mul3A_187 = vector.broadcast %squeeze3A_160 : f32 to vector<16xf32>
        %mul3A_188 = arith.mulf %mul3A_187, %get3A_186 : vector<16xf32>
        %add3A_189 = arith.addf %add3A_180, %mul3A_188 : vector<16xf32>
        %add3A_190 = arith.constant 288 : i32
        %add3A_191 = arith.addi %add3A_190, %scan3A_148 : i32
        %get3A_192 = arith.index_cast %add3A_191 : i32 to index
        %get3A_193 = arith.constant 0 : index
        %get3A_194 = tpu.vector_load %arg24[%get3A_192, %get3A_193] {strides = array<i32>} : memref<384x96xf32, #tpu.memory_space<vmem>>, vector<1x16xf32>,
        %get3A_195 = vector.shape_cast %get3A_194 : vector<1x16xf32> to vector<16xf32>
        %mul3A_196 = vector.broadcast %squeeze3A_165 : f32 to vector<16xf32>
        %mul3A_197 = arith.mulf %mul3A_196, %get3A_195 : vector<16xf32>
        %add3A_198 = arith.addf %add3A_189, %mul3A_197 : vector<16xf32>
        %swap3A = arith.index_cast %scan3A_148 : i32 to index
        %swap3A_199 = arith.constant 0 : index
        %swap3A_200 = tpu.vector_load %arg25[%swap3A, %swap3A_199] {strides = array<i32>} : memref<96x96xf32, #tpu.memory_space<vmem>>, vector<1x16xf32>,
        %swap3A_201 = vector.shape_cast %swap3A_200 : vector<1x16xf32> to vector<16xf32>
        %swap3A_202 = vector.shape_cast %add3A_198 : vector<16xf32> to vector<1x16xf32>
        tpu.vector_store %arg25[%swap3A, %swap3A_199], %swap3A_202 {strides = array<i32>} : memref<96x96xf32, #tpu.memory_space<vmem>>, vector<1x16xf32>,
        %get3A_203 = arith.index_cast %scan3A_148 : i32 to index
        %get3A_204 = arith.constant 16 : index
        %get3A_205 = tpu.vector_load %arg24[%get3A_203, %get3A_204] {strides = array<i32>} : memref<384x96xf32, #tpu.memory_space<vmem>>, vector<1x16xf32>,
        %get3A_206 = vector.shape_cast %get3A_205 : vector<1x16xf32> to vector<16xf32>
        %mul3A_207 = vector.broadcast %squeeze3A : f32 to vector<16xf32>
        %mul3A_208 = arith.mulf %mul3A_207, %get3A_206 : vector<16xf32>
        %add3A_209 = arith.constant 96 : i32
        %add3A_210 = arith.addi %add3A_209, %scan3A_148 : i32
        %get3A_211 = arith.index_cast %add3A_210 : i32 to index
        %get3A_212 = arith.constant 16 : index
        %get3A_213 = tpu.vector_load %arg24[%get3A_211, %get3A_212] {strides = array<i32>} : memref<384x96xf32, #tpu.memory_space<vmem>>, vector<1x16xf32>,
        %get3A_214 = vector.shape_cast %get3A_213 : vector<1x16xf32> to vector<16xf32>
        %mul3A_215 = vector.broadcast %squeeze3A_155 : f32 to vector<16xf32>
        %mul3A_216 = arith.mulf %mul3A_215, %get3A_214 : vector<16xf32>
        %add3A_217 = arith.addf %mul3A_208, %mul3A_216 : vector<16xf32>
        %add3A_218 = arith.constant 192 : i32
        %add3A_219 = arith.addi %add3A_218, %scan3A_148 : i32
        %get3A_220 = arith.index_cast %add3A_219 : i32 to index
        %get3A_221 = arith.constant 16 : index
        %get3A_222 = tpu.vector_load %arg24[%get3A_220, %get3A_221] {strides = array<i32>} : memref<384x96xf32, #tpu.memory_space<vmem>>, vector<1x16xf32>,
        %get3A_223 = vector.shape_cast %get3A_222 : vector<1x16xf32> to vector<16xf32>
        %mul3A_224 = vector.broadcast %squeeze3A_160 : f32 to vector<16xf32>
        %mul3A_225 = arith.mulf %mul3A_224, %get3A_223 : vector<16xf32>
        %add3A_226 = arith.addf %add3A_217, %mul3A_225 : vector<16xf32>
        %add3A_227 = arith.constant 288 : i32
        %add3A_228 = arith.addi %add3A_227, %scan3A_148 : i32
        %get3A_229 = arith.index_cast %add3A_228 : i32 to index
        %get3A_230 = arith.constant 16 : index
        %get3A_231 = tpu.vector_load %arg24[%get3A_229, %get3A_230] {strides = array<i32>} : memref<384x96xf32, #tpu.memory_space<vmem>>, vector<1x16xf32>,
        %get3A_232 = vector.shape_cast %get3A_231 : vector<1x16xf32> to vector<16xf32>
        %mul3A_233 = vector.broadcast %squeeze3A_165 : f32 to vector<16xf32>
        %mul3A_234 = arith.mulf %mul3A_233, %get3A_232 : vector<16xf32>
        %add3A_235 = arith.addf %add3A_226, %mul3A_234 : vector<16xf32>
        %swap3A_236 = arith.index_cast %scan3A_148 : i32 to index
        %swap3A_237 = arith.constant 16 : index
        %swap3A_238 = tpu.vector_load %arg25[%swap3A_236, %swap3A_237] {strides = array<i32>} : memref<96x96xf32, #tpu.memory_space<vmem>>, vector<1x16xf32>,
        %swap3A_239 = vector.shape_cast %swap3A_238 : vector<1x16xf32> to vector<16xf32>
        %swap3A_240 = vector.shape_cast %add3A_235 : vector<16xf32> to vector<1x16xf32>
        tpu.vector_store %arg25[%swap3A_236, %swap3A_237], %swap3A_240 {strides = array<i32>} : memref<96x96xf32, #tpu.memory_space<vmem>>, vector<1x16xf32>,
        %get3A_241 = arith.index_cast %scan3A_148 : i32 to index
        %get3A_242 = arith.constant 32 : index
        %get3A_243 = tpu.vector_load %arg24[%get3A_241, %get3A_242] {strides = array<i32>} : memref<384x96xf32, #tpu.memory_space<vmem>>, vector<1x16xf32>,
        %get3A_244 = vector.shape_cast %get3A_243 : vector<1x16xf32> to vector<16xf32>
        %mul3A_245 = vector.broadcast %squeeze3A : f32 to vector<16xf32>
        %mul3A_246 = arith.mulf %mul3A_245, %get3A_244 : vector<16xf32>
        %add3A_247 = arith.constant 96 : i32
        %add3A_248 = arith.addi %add3A_247, %scan3A_148 : i32
        %get3A_249 = arith.index_cast %add3A_248 : i32 to index
        %get3A_250 = arith.constant 32 : index
        %get3A_251 = tpu.vector_load %arg24[%get3A_249, %get3A_250] {strides = array<i32>} : memref<384x96xf32, #tpu.memory_space<vmem>>, vector<1x16xf32>,
        %get3A_252 = vector.shape_cast %get3A_251 : vector<1x16xf32> to vector<16xf32>
        %mul3A_253 = vector.broadcast %squeeze3A_155 : f32 to vector<16xf32>
        %mul3A_254 = arith.mulf %mul3A_253, %get3A_252 : vector<16xf32>
        %add3A_255 = arith.addf %mul3A_246, %mul3A_254 : vector<16xf32>
        %add3A_256 = arith.constant 192 : i32
        %add3A_257 = arith.addi %add3A_256, %scan3A_148 : i32
        %get3A_258 = arith.index_cast %add3A_257 : i32 to index
        %get3A_259 = arith.constant 32 : index
        %get3A_260 = tpu.vector_load %arg24[%get3A_258, %get3A_259] {strides = array<i32>} : memref<384x96xf32, #tpu.memory_space<vmem>>, vector<1x16xf32>,
        %get3A_261 = vector.shape_cast %get3A_260 : vector<1x16xf32> to vector<16xf32>
        %mul3A_262 = vector.broadcast %squeeze3A_160 : f32 to vector<16xf32>
        %mul3A_263 = arith.mulf %mul3A_262, %get3A_261 : vector<16xf32>
        %add3A_264 = arith.addf %add3A_255, %mul3A_263 : vector<16xf32>
        %add3A_265 = arith.constant 288 : i32
        %add3A_266 = arith.addi %add3A_265, %scan3A_148 : i32
        %get3A_267 = arith.index_cast %add3A_266 : i32 to index
        %get3A_268 = arith.constant 32 : index
        %get3A_269 = tpu.vector_load %arg24[%get3A_267, %get3A_268] {strides = array<i32>} : memref<384x96xf32, #tpu.memory_space<vmem>>, vector<1x16xf32>,
        %get3A_270 = vector.shape_cast %get3A_269 : vector<1x16xf32> to vector<16xf32>
        %mul3A_271 = vector.broadcast %squeeze3A_165 : f32 to vector<16xf32>
        %mul3A_272 = arith.mulf %mul3A_271, %get3A_270 : vector<16xf32>
        %add3A_273 = arith.addf %add3A_264, %mul3A_272 : vector<16xf32>
        %swap3A_274 = arith.index_cast %scan3A_148 : i32 to index
        %swap3A_275 = arith.constant 32 : index
        %swap3A_276 = tpu.vector_load %arg25[%swap3A_274, %swap3A_275] {strides = array<i32>} : memref<96x96xf32, #tpu.memory_space<vmem>>, vector<1x16xf32>,
        %swap3A_277 = vector.shape_cast %swap3A_276 : vector<1x16xf32> to vector<16xf32>
        %swap3A_278 = vector.shape_cast %add3A_273 : vector<16xf32> to vector<1x16xf32>
        tpu.vector_store %arg25[%swap3A_274, %swap3A_275], %swap3A_278 {strides = array<i32>} : memref<96x96xf32, #tpu.memory_space<vmem>>, vector<1x16xf32>,
        %get3A_279 = arith.index_cast %scan3A_148 : i32 to index
        %get3A_280 = arith.constant 48 : index
        %get3A_281 = tpu.vector_load %arg24[%get3A_279, %get3A_280] {strides = array<i32>} : memref<384x96xf32, #tpu.memory_space<vmem>>, vector<1x16xf32>,
        %get3A_282 = vector.shape_cast %get3A_281 : vector<1x16xf32> to vector<16xf32>
        %mul3A_283 = vector.broadcast %squeeze3A : f32 to vector<16xf32>
        %mul3A_284 = arith.mulf %mul3A_283, %get3A_282 : vector<16xf32>
        %add3A_285 = arith.constant 96 : i32
        %add3A_286 = arith.addi %add3A_285, %scan3A_148 : i32
        %get3A_287 = arith.index_cast %add3A_286 : i32 to index
        %get3A_288 = arith.constant 48 : index
        %get3A_289 = tpu.vector_load %arg24[%get3A_287, %get3A_288] {strides = array<i32>} : memref<384x96xf32, #tpu.memory_space<vmem>>, vector<1x16xf32>,
        %get3A_290 = vector.shape_cast %get3A_289 : vector<1x16xf32> to vector<16xf32>
        %mul3A_291 = vector.broadcast %squeeze3A_155 : f32 to vector<16xf32>
        %mul3A_292 = arith.mulf %mul3A_291, %get3A_290 : vector<16xf32>
        %add3A_293 = arith.addf %mul3A_284, %mul3A_292 : vector<16xf32>
        %add3A_294 = arith.constant 192 : i32
        %add3A_295 = arith.addi %add3A_294, %scan3A_148 : i32
        %get3A_296 = arith.index_cast %add3A_295 : i32 to index
        %get3A_297 = arith.constant 48 : index
        %get3A_298 = tpu.vector_load %arg24[%get3A_296, %get3A_297] {strides = array<i32>} : memref<384x96xf32, #tpu.memory_space<vmem>>, vector<1x16xf32>,
        %get3A_299 = vector.shape_cast %get3A_298 : vector<1x16xf32> to vector<16xf32>
        %mul3A_300 = vector.broadcast %squeeze3A_160 : f32 to vector<16xf32>
        %mul3A_301 = arith.mulf %mul3A_300, %get3A_299 : vector<16xf32>
        %add3A_302 = arith.addf %add3A_293, %mul3A_301 : vector<16xf32>
        %add3A_303 = arith.constant 288 : i32
        %add3A_304 = arith.addi %add3A_303, %scan3A_148 : i32
        %get3A_305 = arith.index_cast %add3A_304 : i32 to index
        %get3A_306 = arith.constant 48 : index
        %get3A_307 = tpu.vector_load %arg24[%get3A_305, %get3A_306] {strides = array<i32>} : memref<384x96xf32, #tpu.memory_space<vmem>>, vector<1x16xf32>,
        %get3A_308 = vector.shape_cast %get3A_307 : vector<1x16xf32> to vector<16xf32>
        %mul3A_309 = vector.broadcast %squeeze3A_165 : f32 to vector<16xf32>
        %mul3A_310 = arith.mulf %mul3A_309, %get3A_308 : vector<16xf32>
        %add3A_311 = arith.addf %add3A_302, %mul3A_310 : vector<16xf32>
        %swap3A_312 = arith.index_cast %scan3A_148 : i32 to index
        %swap3A_313 = arith.constant 48 : index
        %swap3A_314 = tpu.vector_load %arg25[%swap3A_312, %swap3A_313] {strides = array<i32>} : memref<96x96xf32, #tpu.memory_space<vmem>>, vector<1x16xf32>,
        %swap3A_315 = vector.shape_cast %swap3A_314 : vector<1x16xf32> to vector<16xf32>
        %swap3A_316 = vector.shape_cast %add3A_311 : vector<16xf32> to vector<1x16xf32>
        tpu.vector_store %arg25[%swap3A_312, %swap3A_313], %swap3A_316 {strides = array<i32>} : memref<96x96xf32, #tpu.memory_space<vmem>>, vector<1x16xf32>,
        %get3A_317 = arith.index_cast %scan3A_148 : i32 to index
        %get3A_318 = arith.constant 64 : index
        %get3A_319 = tpu.vector_load %arg24[%get3A_317, %get3A_318] {strides = array<i32>} : memref<384x96xf32, #tpu.memory_space<vmem>>, vector<1x16xf32>,
        %get3A_320 = vector.shape_cast %get3A_319 : vector<1x16xf32> to vector<16xf32>
        %mul3A_321 = vector.broadcast %squeeze3A : f32 to vector<16xf32>
        %mul3A_322 = arith.mulf %mul3A_321, %get3A_320 : vector<16xf32>
        %add3A_323 = arith.constant 96 : i32
        %add3A_324 = arith.addi %add3A_323, %scan3A_148 : i32
        %get3A_325 = arith.index_cast %add3A_324 : i32 to index
        %get3A_326 = arith.constant 64 : index
        %get3A_327 = tpu.vector_load %arg24[%get3A_325, %get3A_326] {strides = array<i32>} : memref<384x96xf32, #tpu.memory_space<vmem>>, vector<1x16xf32>,
        %get3A_328 = vector.shape_cast %get3A_327 : vector<1x16xf32> to vector<16xf32>
        %mul3A_329 = vector.broadcast %squeeze3A_155 : f32 to vector<16xf32>
        %mul3A_330 = arith.mulf %mul3A_329, %get3A_328 : vector<16xf32>
        %add3A_331 = arith.addf %mul3A_322, %mul3A_330 : vector<16xf32>
        %add3A_332 = arith.constant 192 : i32
        %add3A_333 = arith.addi %add3A_332, %scan3A_148 : i32
        %get3A_334 = arith.index_cast %add3A_333 : i32 to index
        %get3A_335 = arith.constant 64 : index
        %get3A_336 = tpu.vector_load %arg24[%get3A_334, %get3A_335] {strides = array<i32>} : memref<384x96xf32, #tpu.memory_space<vmem>>, vector<1x16xf32>,
        %get3A_337 = vector.shape_cast %get3A_336 : vector<1x16xf32> to vector<16xf32>
        %mul3A_338 = vector.broadcast %squeeze3A_160 : f32 to vector<16xf32>
        %mul3A_339 = arith.mulf %mul3A_338, %get3A_337 : vector<16xf32>
        %add3A_340 = arith.addf %add3A_331, %mul3A_339 : vector<16xf32>
        %add3A_341 = arith.constant 288 : i32
        %add3A_342 = arith.addi %add3A_341, %scan3A_148 : i32
        %get3A_343 = arith.index_cast %add3A_342 : i32 to index
        %get3A_344 = arith.constant 64 : index
        %get3A_345 = tpu.vector_load %arg24[%get3A_343, %get3A_344] {strides = array<i32>} : memref<384x96xf32, #tpu.memory_space<vmem>>, vector<1x16xf32>,
        %get3A_346 = vector.shape_cast %get3A_345 : vector<1x16xf32> to vector<16xf32>
        %mul3A_347 = vector.broadcast %squeeze3A_165 : f32 to vector<16xf32>
        %mul3A_348 = arith.mulf %mul3A_347, %get3A_346 : vector<16xf32>
        %add3A_349 = arith.addf %add3A_340, %mul3A_348 : vector<16xf32>
        %swap3A_350 = arith.index_cast %scan3A_148 : i32 to index
        %swap3A_351 = arith.constant 64 : index
        %swap3A_352 = tpu.vector_load %arg25[%swap3A_350, %swap3A_351] {strides = array<i32>} : memref<96x96xf32, #tpu.memory_space<vmem>>, vector<1x16xf32>,
        %swap3A_353 = vector.shape_cast %swap3A_352 : vector<1x16xf32> to vector<16xf32>
        %swap3A_354 = vector.shape_cast %add3A_349 : vector<16xf32> to vector<1x16xf32>
        tpu.vector_store %arg25[%swap3A_350, %swap3A_351], %swap3A_354 {strides = array<i32>} : memref<96x96xf32, #tpu.memory_space<vmem>>, vector<1x16xf32>,
        %get3A_355 = arith.index_cast %scan3A_148 : i32 to index
        %get3A_356 = arith.constant 80 : index
        %get3A_357 = tpu.vector_load %arg24[%get3A_355, %get3A_356] {strides = array<i32>} : memref<384x96xf32, #tpu.memory_space<vmem>>, vector<1x16xf32>,
        %get3A_358 = vector.shape_cast %get3A_357 : vector<1x16xf32> to vector<16xf32>
        %mul3A_359 = vector.broadcast %squeeze3A : f32 to vector<16xf32>
        %mul3A_360 = arith.mulf %mul3A_359, %get3A_358 : vector<16xf32>
        %add3A_361 = arith.constant 96 : i32
        %add3A_362 = arith.addi %add3A_361, %scan3A_148 : i32
        %get3A_363 = arith.index_cast %add3A_362 : i32 to index
        %get3A_364 = arith.constant 80 : index
        %get3A_365 = tpu.vector_load %arg24[%get3A_363, %get3A_364] {strides = array<i32>} : memref<384x96xf32, #tpu.memory_space<vmem>>, vector<1x16xf32>,
        %get3A_366 = vector.shape_cast %get3A_365 : vector<1x16xf32> to vector<16xf32>
        %mul3A_367 = vector.broadcast %squeeze3A_155 : f32 to vector<16xf32>
        %mul3A_368 = arith.mulf %mul3A_367, %get3A_366 : vector<16xf32>
        %add3A_369 = arith.addf %mul3A_360, %mul3A_368 : vector<16xf32>
        %add3A_370 = arith.constant 192 : i32
        %add3A_371 = arith.addi %add3A_370, %scan3A_148 : i32
        %get3A_372 = arith.index_cast %add3A_371 : i32 to index
        %get3A_373 = arith.constant 80 : index
        %get3A_374 = tpu.vector_load %arg24[%get3A_372, %get3A_373] {strides = array<i32>} : memref<384x96xf32, #tpu.memory_space<vmem>>, vector<1x16xf32>,
        %get3A_375 = vector.shape_cast %get3A_374 : vector<1x16xf32> to vector<16xf32>
        %mul3A_376 = vector.broadcast %squeeze3A_160 : f32 to vector<16xf32>
        %mul3A_377 = arith.mulf %mul3A_376, %get3A_375 : vector<16xf32>
        %add3A_378 = arith.addf %add3A_369, %mul3A_377 : vector<16xf32>
        %add3A_379 = arith.constant 288 : i32
        %add3A_380 = arith.addi %add3A_379, %scan3A_148 : i32
        %get3A_381 = arith.index_cast %add3A_380 : i32 to index
        %get3A_382 = arith.constant 80 : index
        %get3A_383 = tpu.vector_load %arg24[%get3A_381, %get3A_382] {strides = array<i32>} : memref<384x96xf32, #tpu.memory_space<vmem>>, vector<1x16xf32>,
        %get3A_384 = vector.shape_cast %get3A_383 : vector<1x16xf32> to vector<16xf32>
        %mul3A_385 = vector.broadcast %squeeze3A_165 : f32 to vector<16xf32>
        %mul3A_386 = arith.mulf %mul3A_385, %get3A_384 : vector<16xf32>
        %add3A_387 = arith.addf %add3A_378, %mul3A_386 : vector<16xf32>
        %swap3A_388 = arith.index_cast %scan3A_148 : i32 to index
        %swap3A_389 = arith.constant 80 : index
        %swap3A_390 = tpu.vector_load %arg25[%swap3A_388, %swap3A_389] {strides = array<i32>} : memref<96x96xf32, #tpu.memory_space<vmem>>, vector<1x16xf32>,
        %swap3A_391 = vector.shape_cast %swap3A_390 : vector<1x16xf32> to vector<16xf32>
        %swap3A_392 = vector.shape_cast %add3A_387 : vector<16xf32> to vector<1x16xf32>
        tpu.vector_store %arg25[%swap3A_388, %swap3A_389], %swap3A_392 {strides = array<i32>} : memref<96x96xf32, #tpu.memory_space<vmem>>, vector<1x16xf32>,
      }
      %scan3A_133 = arith.constant 96 : i32
      %div3A_134 = arith.constant 147456 : i32
      %div3A_135 = arith.divsi %multiple_of3A_115, %div3A_134 : i32
      %rem3A_136 = arith.constant 147456 : i32
      %rem3A_137 = arith.remsi %multiple_of3A_115, %rem3A_136 : i32
      %div3A_138 = arith.constant 384 : i32
      %div3A_139 = arith.divsi %rem3A_137, %div3A_138 : i32
      %rem3A_140 = arith.constant 384 : i32
      %rem3A_141 = arith.remsi %rem3A_137, %rem3A_140 : i32
      %dma_start3A_142 = arith.constant 0 : i32
      %dma_start3A_143 = tpu.memref_slice %arg5[%div3A_135, %div3A_139, %rem3A_141, %dma_start3A_142] : memref<2x384x384x96xf32, #tpu.memory_space<hbm>> -> memref<1x1x96x96xf32, #tpu.memory_space<hbm>>
      %dma_start3A_144 = tpu.memref_squeeze %dma_start3A_143 : memref<1x1x96x96xf32, #tpu.memory_space<hbm>> -> memref<96x96xf32, #tpu.memory_space<hbm>>
      %dma_start3A_145 = arith.constant 0 : i32
      %dma_start3A_146 = tpu.memref_slice %arg5[%div3A_135, %div3A_139, %rem3A_141, %dma_start3A_145] : memref<2x384x384x96xf32, #tpu.memory_space<hbm>> -> memref<1x1x96x96xf32, #tpu.memory_space<hbm>>
      %dma_start3A_147 = tpu.memref_squeeze %dma_start3A_146 : memref<1x1x96x96xf32, #tpu.memory_space<hbm>> -> memref<96x96xf32, #tpu.memory_space<hbm>>
      tpu.enqueue_dma source(%arg25 : memref<96x96xf32, #tpu.memory_space<vmem>>) target(%dma_start3A_147 : memref<96x96xf32, #tpu.memory_space<hbm>>) target_semaphore(%arg27 : memref<!tpu.dma_semaphore, #tpu.memory_space<semaphore_mem>>)
    }
    %scan3A_29 = arith.constant 48 : i32
    %div3A_30 = arith.constant 147456 : i32
    %div3A_31 = arith.divsi %mul3A_2, %div3A_30 : i32
    %rem3A = arith.constant 147456 : i32
    %rem3A_32 = arith.remsi %mul3A_2, %rem3A : i32
    %div3A_33 = arith.constant 384 : i32
    %div3A_34 = arith.divsi %rem3A_32, %div3A_33 : i32
    %rem3A_35 = arith.constant 384 : i32
    %rem3A_36 = arith.remsi %rem3A_32, %rem3A_35 : i32
    %dma_wait3A_37 = arith.constant 0 : i32
    %dma_wait3A_38 = tpu.memref_slice %arg5[%div3A_31, %div3A_34, %rem3A_36, %dma_wait3A_37] : memref<2x384x384x96xf32, #tpu.memory_space<hbm>> -> memref<1x1x96x96xf32, #tpu.memory_space<hbm>>
    %dma_wait3A_39 = tpu.memref_squeeze %dma_wait3A_38 : memref<1x1x96x96xf32, #tpu.memory_space<hbm>> -> memref<96x96xf32, #tpu.memory_space<hbm>>
    %dma_wait3A_40 = arith.constant 0 : i32
    %dma_wait3A_41 = tpu.memref_slice %arg5[%div3A_31, %div3A_34, %rem3A_36, %dma_wait3A_40] : memref<2x384x384x96xf32, #tpu.memory_space<hbm>> -> memref<1x1x96x96xf32, #tpu.memory_space<hbm>>
    %dma_wait3A_42 = tpu.memref_squeeze %dma_wait3A_41 : memref<1x1x96x96xf32, #tpu.memory_space<hbm>> -> memref<96x96xf32, #tpu.memory_space<hbm>>
    tpu.wait_dma2 semaphore(%arg16 : memref<!tpu.dma_semaphore, #tpu.memory_space<semaphore_mem>>) src(%arg14 : memref<96x96xf32, #tpu.memory_space<vmem>>) dst(%dma_wait3A_42 : memref<96x96xf32, #tpu.memory_space<hbm>>)
    %div3A_43 = arith.constant 147456 : i32
    %div3A_44 = arith.divsi %mul3A_2, %div3A_43 : i32
    %rem3A_45 = arith.constant 147456 : i32
    %rem3A_46 = arith.remsi %mul3A_2, %rem3A_45 : i32
    %div3A_47 = arith.constant 384 : i32
    %div3A_48 = arith.divsi %rem3A_46, %div3A_47 : i32
    %rem3A_49 = arith.constant 384 : i32
    %rem3A_50 = arith.remsi %rem3A_46, %rem3A_49 : i32
    %dma_wait3A_51 = arith.constant 0 : i32
    %dma_wait3A_52 = tpu.memref_slice %arg5[%div3A_44, %div3A_48, %rem3A_50, %dma_wait3A_51] : memref<2x384x384x96xf32, #tpu.memory_space<hbm>> -> memref<1x1x96x96xf32, #tpu.memory_space<hbm>>
    %dma_wait3A_53 = tpu.memref_squeeze %dma_wait3A_52 : memref<1x1x96x96xf32, #tpu.memory_space<hbm>> -> memref<96x96xf32, #tpu.memory_space<hbm>>
    %dma_wait3A_54 = arith.constant 0 : i32
    %dma_wait3A_55 = tpu.memref_slice %arg5[%div3A_44, %div3A_48, %rem3A_50, %dma_wait3A_54] : memref<2x384x384x96xf32, #tpu.memory_space<hbm>> -> memref<1x1x96x96xf32, #tpu.memory_space<hbm>>
    %dma_wait3A_56 = tpu.memref_squeeze %dma_wait3A_55 : memref<1x1x96x96xf32, #tpu.memory_space<hbm>> -> memref<96x96xf32, #tpu.memory_space<hbm>>
    tpu.wait_dma2 semaphore(%arg27 : memref<!tpu.dma_semaphore, #tpu.memory_space<semaphore_mem>>) src(%arg25 : memref<96x96xf32, #tpu.memory_space<vmem>>) dst(%dma_wait3A_56 : memref<96x96xf32, #tpu.memory_space<hbm>>)
    return
  }
}

</mosaic_0001>

<sc_bundles>
// kernel: kernel.3.cloned.1.call-start
scs
__scs_entry_jumppad:
0x0: {  	(pc) =	sbr.rel $0x88, $3  }
0x1: {  	(tag) =	ssettag $0x0;
	lr =	simm.s32 $0x1  }
0x2: {  	[smem:$0x3F9F] =	sst lr;
	_ =	strace $0xD0000000  }
0x3: {  	_ = 	snop  }
0x4: {  	_ = 	snop  }
0x5: {  	_ = 	snop  }
0x6: {  	_ = 	snop  }
0x7: {  	_ = 	snop  }
__scs_overlays_trampoline_lowered:
0x8: {  	[smem:$0x3FAE] =	sst s0  }
0x9: {  	[smem:$0x3FAF] =	sst s1  }
0xa: {  	[smem:$0x3FB0] =	sst s2  }
0xb: {  	[smem:$0x3FB1] =	sst s3  }
0xc: {  	[smem:$0x3FB2] =	sst s4  }
0xd: {  	[smem:$0x3FB3] =	sst s5  }
0xe: {  	[smem:$0x3FB4] =	sst s6  }
0xf: {  	[smem:$0x3FB5] =	sst s7  }
0x10: {  	[smem:$0x3FB6] =	sst s8  }
0x11: {  	[smem:$0x3FB7] =	sst s9;
	s0 =	simm.s32 @!p0 $0x0  }
0x12: {  	s1 =	sld [smem:$0x3F9D];
	s0 =	simm.s32 @p0 $0x1  }
0x13: {  	[smem:$0x3FB8] =	sst s0;
	s0 =	simm.s32 @!p1 $0x0  }
0x14: {  	s2 =	sld [smem:$0x3F9C];
	s0 =	simm.s32 @p1 $0x1  }
0x15: {  	[smem:$0x3FB9] =	sst s0;
	s0 =	simm.s32 @!p2 $0x0  }
0x16: {  	s3 =	sld [smem:$0x3FDB];
	s0 =	simm.s32 @p2 $0x1  }
0x17: {  	s4 =	simm.s32 $0x1BF5;
	[smem:$0x3FBB] =	sst s0  }
0x18: {  	s0 =	sld [smem:$0x3F9E];
	_ =	swait.ge [sflag:s4], $0x0  }
0x19: {  	s7 =	sld [smem:$0x3F9F]  }
0x1a: {  	s8 =	sadd.s32 $0xFFFFE003, lr  }
0x1b: {  	s9 =	sadd.s32 $0xFFFFFEF7, lr;
	s5 =	simm.s32 $0xFFFFFFFF;
	p2 =	slt.u32 s8, $0xFFFFF086  }
0x1c: {  	p1 =	slt.u32 s9, $0xF7A;
	s5 =	simm.s32 @!p2 $0x0  }
0x1d: {  	s5 =	simm.s32 @p1 $0x1;
	p0 =	seq.s32 s7, s2  }
0x1e: {  	s7 =	smul.u32 @!p0 $0xF7A, s2;
	p2 =	seq.s32 @!p0 s5, $0x0  }
0x1f: {  	s9 =	smul.u32 $0xF7A, s1;
	s8 =	simm.s32 @!p0 $0x1BF5;
	p2 =	por !p2, p0  }
0x20: {  	[sflag:s8] =	ssyncset.s32 @!p0 $0xFFFFF086;
	s6 =	sadd.s32 @!p0 s3, s7;
	s7 =	simm.s32 @!p0 $0x108  }
0x21: {  	s3 =	sadd.s32 s3, s9;
	s6 =	sadd.s32 @!p0 $0x88, s6;
	s7 =	simm.s32 @p2 $0x1082  }
0x22: {  	[simem:s7], [sflag:s8] =	dma.local @!p0 [hbm:s6], $0xF7A  }
0x23: {  	s9 =	sor.u32 $0xD0000000, s2;
	s6 =	simm.s32 $0x108;
	_ =	swait.ge @!p0 [sflag:s8], $0x0  }
0x24: {  	s3 =	sadd.s32 $0x88, s3;
	s6 =	simm.s32 @!p1 $0x1082;
	[sflag:s4] =	ssyncset.s32 $0xFFFFF086  }
0x25: {  	[simem:s6], [sflag:s4] =	dma.local [hbm:s3], $0xF7A  }
0x26: {  	[smem:$0x3F9F] =	sst s1;
	(tag) =	ssettag s2;
	_ =	strace s9  }
0x27: {  	s1 =	sld [smem:$0x3FAF]  }
0x28: {  	s2 =	sld [smem:$0x3FB0]  }
0x29: {  	s4 =	sld [smem:$0x3FB2]  }
0x2a: {  	p0 =	seq.s32 s5, $0x0;
	s5 =	sld [smem:$0x3FB3]  }
0x2b: {  	s6 =	sld [smem:$0x3FB4]  }
0x2c: {  	s7 =	sld [smem:$0x3FB5]  }
0x2d: {  	s3 =	simm.s32 $0x108;
	s8 =	sld [smem:$0x3FB6]  }
0x2e: {  	s3 =	simm.s32 @!p0 $0x1082;
	s9 =	sld [smem:$0x3FB7]  }
0x2f: {  	lr =	sadd.s32 s0, s3;
	s0 =	sld [smem:$0x3FAE]  }
0x30: {  	s3 =	sld [smem:$0x3FB1]  }
0x31: {  	[smem:$0x3FBA] =	sst s10  }
0x32: {  	s10 =	sld [smem:$0x3FB8];
	_ =	sdelay $0x3  }
0x33: {  	p0 =	seq.s32 s10, $0x1;
	s10 =	sld [smem:$0x3FBA];
	_ =	sdelay $0x3  }
0x34: {  	[smem:$0x3FBA] =	sst s10  }
0x35: {  	s10 =	sld [smem:$0x3FB9];
	_ =	sdelay $0x3  }
0x36: {  	p1 =	seq.s32 s10, $0x1;
	s10 =	sld [smem:$0x3FBA];
	_ =	sdelay $0x3  }
0x37: {  	[smem:$0x3FBA] =	sst s10  }
0x38: {  	s10 =	sld [smem:$0x3FBB]  }
0x39: {  	_ = 	snop;
	(pc) =	sbr.ind lr, $3  }
0x3a: {  	_ = 	snop  }
0x3b: {  	_ = 	snop  }
0x3c: {  	p2 =	seq.s32 s10, $0x1;
	s10 =	sld [smem:$0x3FBA]  }
0x3d: {  	_ =	shalt  }
0x3e: {  	_ =	shalt  }
0x3f: {  	_ =	shalt  }
0x40: {  	_ =	shalt  }
0x41: {  	_ =	shalt  }
0x42: {  	_ =	shalt  }
0x43: {  	_ =	shalt  }
0x44: {  	_ =	shalt  }
0x45: {  	_ =	shalt  }
0x46: {  	_ =	shalt  }
0x47: {  	_ =	shalt  }
0x48: {  	_ =	shalt  }
0x49: {  	_ =	shalt  }
0x4a: {  	_ =	shalt  }
0x4b: {  	_ =	shalt  }
0x4c: {  	_ =	shalt  }
0x4d: {  	_ =	shalt  }
0x4e: {  	_ =	shalt  }
0x4f: {  	_ =	shalt  }
0x50: {  	_ =	shalt  }
0x51: {  	_ =	shalt  }
0x52: {  	_ =	shalt  }
0x53: {  	_ =	shalt  }
0x54: {  	_ =	shalt  }
0x55: {  	_ =	shalt  }
0x56: {  	_ =	shalt  }
0x57: {  	_ =	shalt  }
0x58: {  	_ =	shalt  }
0x59: {  	_ =	shalt  }
0x5a: {  	_ =	shalt  }
0x5b: {  	_ =	shalt  }
0x5c: {  	_ =	shalt  }
0x5d: {  	_ =	shalt  }
0x5e: {  	_ =	shalt  }
0x5f: {  	_ =	shalt  }
0x60: {  	_ =	shalt  }
0x61: {  	_ =	shalt  }
0x62: {  	_ =	shalt  }
0x63: {  	_ =	shalt  }
0x64: {  	_ =	shalt  }
0x65: {  	_ =	shalt  }
0x66: {  	_ =	shalt  }
0x67: {  	_ =	shalt  }
0x68: {  	_ =	shalt  }
0x69: {  	_ =	shalt  }
0x6a: {  	_ =	shalt  }
0x6b: {  	_ =	shalt  }
0x6c: {  	_ =	shalt  }
0x6d: {  	_ =	shalt  }
0x6e: {  	_ =	shalt  }
0x6f: {  	_ =	shalt  }
0x70: {  	_ =	shalt  }
0x71: {  	_ =	shalt  }
0x72: {  	_ =	shalt  }
0x73: {  	_ =	shalt  }
0x74: {  	_ =	shalt  }
0x75: {  	_ =	shalt  }
0x76: {  	_ =	shalt  }
0x77: {  	_ =	shalt  }
0x78: {  	_ =	shalt  }
0x79: {  	_ =	shalt  }
0x7a: {  	_ =	shalt  }
0x7b: {  	_ =	shalt  }
0x7c: {  	_ =	shalt  }
0x7d: {  	_ =	shalt  }
0x7e: {  	_ =	shalt  }
0x7f: {  	_ =	shalt  }
0x80: {  	_ =	shalt  }
0x81: {  	_ =	shalt  }
0x82: {  	_ =	shalt  }
0x83: {  	_ =	shalt  }
0x84: {  	_ =	shalt  }
0x85: {  	_ =	shalt  }
0x86: {  	_ =	shalt  }
0x87: {  	_ =	shalt  }
.Lfunc_end0:
.L_simem_size_0:
called_computation.1_lowered:
.L_overlay_start_0:
0x88: {  	s2 =	sld [smem:$0x3FD9]  }
0x89: {  	s3 =	sld [smem:$0x3FFE];
	_ =	sdelay $0x1  }
0x8a: {  	s1 =	srdreg.scid  }
0x8b: {  	s0 =	sand.u32 $0x1, s1  }
0x8c: {  	s17 =	sshll.u32 s0, $0xA;
	s2 =	sadd.s32 s3, s2  }
0x8d: {  	s2 =	sadd.s32 s2, s17  }
0x8e: {  	[smem:$0x3FC6] =	sst s2  }
0x8f: {  	_ = 	snop  }
0x90: {  	s2 =	sld [smem:$0x3FD0];
	(tm) =	ssettm $0x1  }
0x91: {  	s18 =	sld [smem:$0x3FFB];
	_ =	sdelay $0x3  }
0x92: {  	_ =	strace s18  }
0x93: {  	s3 =	sld [smem:$0x3FFC];
	_ =	sdelay $0x3  }
0x94: {  	_ =	strace s3  }
0x95: {  	s3 =	sld [smem:$0x3FFD];
	_ =	sdelay $0x3  }
0x96: {  	_ =	strace s3  }
0x97: {  	_ =	strace $0x8FFFFFFF  }
0x98: {  	s19 =	sld [smem:$0x3FDB];
	_ =	sdelay $0x1  }
0x99: {  	s4 =	simm.s32 $_scs_section_size  }
0x9a: {  	s5 =	simm.s32 $_size__tile_overlayer_lowered;
	s6 =	simm.s32 $_tile_overlayer_lowered  }
0x9b: {  	s22 =	simm.s32 $0x1BFF;
	s21 =	sshll.u32 s6, $0x1;
	s3 =	sadd.s32 s4, s19  }
0x9c: {  	s7 =	simm.s32 $0x0;
	s20 =	sshll.u32 s5, $0x1;
	s5 =	sadd.s32 s21, s3  }
0x9d: {  	[timem:s7], [sflag:s22] =	dma.local [hbm:s5], s20  }
0x9e: {  	_ =	swait.ge [sflag:s22], s20  }
0x9f: {  	s4 =	ssub.s32 $0x0, s20;
	[sflag:s22] =	ssyncset.done $0x0  }
0xa0: {  	[sflag:s22] =	ssyncadd.s32 s4;
	_ =	sdelay $0x1  }
0xa1: {  	s23 =	simm.s32 $0x1B8B  }
0xa2: {  	_ =	swait.ge [sflag:s23], $0x1  }
0xa3: {  	[sflag:s23] =	ssyncset.done $0x0  }
0xa4: {  	s25 =	simm.s32 $0x1B8E;
	s24 =	sld [smem:$0x3FFE];
	[sflag:s23] =	ssyncadd.s32 $0xFFFFFFFF  }
0xa5: {  	s26 =	simm.s32 $execute0_lowered;
	[smem:$0x3FD2] =	sst s25  }
0xa6: {  	s5 =	sshll.u32 s26, $0x1;
	_ =	strace $0x80000046;
	[dreg:$0x1] =	wrdreg $0xFFFFFFFF  }
0xa7: {  	s28 =	simm.s32 $_size_execute0_lowered;
	s3 =	sadd.s32 s3, s5;
	[dreg:$0x0] =	wrdreg $0x0  }
0xa8: {  	s5 =	sshll.u32 s28, $0x1;
	[dreg:$0x2] =	wrdreg s3  }
0xa9: {  	[dreg:$0x3] =	wrdreg s5  }
0xaa: {  	[dreg:$0x4] =	wrdreg $0xC0  }
0xab: {  	_ =	task [dreg:s7], $0x5FFFF  }
0xac: {  	[dreg:$0x1] =	wrdreg $0xFFFFFFFF  }
0xad: {  	[dreg:$0x0] =	wrdreg $0x60  }
0xae: {  	[dreg:$0x2] =	wrdreg s2  }
0xaf: {  	[dreg:$0x3] =	wrdreg s24  }
0xb0: {  	[dreg:$0x4] =	wrdreg $0x9  }
0xb1: {  	_ =	task.clear_ibuf [dreg:s7], $0x5FFFF;
	_ =	strace $0x90000046  }
0xb2: {  	s29 =	simm.s32 $0x9;
	_ =	strace $0x80000048  }
0xb3: {  	_ =	swait.ge [sflag:s29], $0x1  }
0xb4: {  	[sflag:s29] =	ssyncadd.s32 $0xFFFFFFFF  }
0xb5: {  	_ =	strace $0x90000048  }
0xb6: {  	_ =	sfence  }
0xb7: {  	s30 =	sld [smem:$0x0];
	_ =	sdelay $0x2  }
0xb8: {  	s31 =	sshll.u32 s1, $0xD;
	s1 =	sshrl.u32 s1, $0x2  }
0xb9: {  	s3 =	sand.u32 $0x4000, s31;
	s1 =	sadd.s32 s1, s30  }
0xba: {  	s0 =	sor.u32 s3, s0;
	s1 =	sshll.u32 s1, $0x11  }
0xbb: {  	s0 =	sor.u32 s1, s0  }
0xbc: {  	s0 =	sadd.s32 $0x8F2B, s0  }
0xbd: {  	[sflag:s0] =	ssyncadd.remote.s32 $0x1  }
0xbe: {  	_ =	sfence.sel $0xFFFF  }
0xbf: {  	[dreg:$0x0] =	wrdreg $0xFFFFFFFF;
	(pc) =	sbr.abs _section_cstart, $3  }
0xc0: {  	[dreg:$0x1] =	wrdreg $0xFFFFFFFF  }
0xc1: {  	_ =	task.clear_ibuf [dreg:s7], $0x2FFFF;
	_ =	strace $0x9FFFFFFF  }
0xc2: {  	(tm) =	ssettm $0x7FFFFFFF  }
0xc3: {  	_ =	shalt  }
tec
execute0_lowered:
.L_overlay_start_1:
0x0: {  	(tag) =	ssettag $0x1  }
0x1: {  	s0 =	rddreg [dreg:$0x0]  }
0x2: {  	s1 =	rddreg [dreg:$0x1];
	s2 =	simm.s32 $0x0;
	s3 =	srdreg.scid  }
0x3: {  	s10 =	stileid.u32;
	s17 =	simm.s32 $0x1;
	s18 =	simm.s32 $0x180  }
0x4: {  	s21 =	simm.s32 $0xB800;
	s28 =	simm.s32 $0x4;
	s29 =	simm.s32 $0x14C00  }
0x5: {  	[smem:$0x7FF] =	sst s2;
	s7 =	sand.u32 $0x1, s3;
	s22 =	sshll.u32 s10, $0x1  }
0x6: {  	s3 =	sadd.s32 $0x9C00, s1;
	s6 =	sshrl.u32 s10, $0x3;
	s11 =	smul.u32 $0x4800, s10  }
0x7: {  	s5 =	sadd.s32 $0xC00, s1;
	_ =	strace $0x80000047;
	s9 =	smul.u32 $0x1B0000, s6  }
0x8: {  	s4 =	sor.u32 s7, s22;
	s8 =	ssub.s32 $0x2, s7;
	s7 =	smul.u32 $0x2400, s7  }
0x9: {  	s6 =	sadd.s32 $0x12C00, s1;
	s4 =	smul.u32 $0x2400, s4;
	s23 =	sshrl.u32 s8, $0x1  }
0xa: {  	s22 =	simm.s32 $0xB860;
	s1 =	ssub.s32 s8, s23;
	s30 =	sadd.s32 s7, s11  }
0xb: {  	s9 =	sadd.s32 s0, s9;
	s26 =	sor.u32 $0xC0, s4;
	[dreg:$0x6] =	wrdreg s30  }
0xc: {  	s23 =	simm.s32 $0x3;
	s1 =	smax.u32 s1, $0x1;
	[dreg:$0x5] =	wrdreg s26  }
0xd: {  	s24 =	sshrl.u32 s4, $0x3;
	s31 =	sor.u32 $0x60, s30;
	[dreg:$0x7] =	wrdreg s1  }
0xe: {  	s10 =	sor.u32 $0x60, s4;
	s0 =	sor.u32 $0xC0, s30;
	[dreg:$0x8] =	wrdreg s31  }
0xf: {  	s25 =	sadd.s32 s3, s24;
	s8 =	sadd.s32 s5, s24;
	[dreg:$0x9] =	wrdreg s0  }
0x10: {  	s24 =	simm.s32 $0xB8C0;
	s26 =	simm.s32 $0x9400;
	[dreg:$0x3] =	wrdreg s25  }
0x11: {  	v0 =	vlaneseq.u32;
	v1 =	vimm.s32 $0x0;
	s1 =	simm.s32 $0x0;
	[dreg:$0x4] =	wrdreg s8;
	s25 =	simm.s32 $0xBC00  }
.LBB2_1:
0x12: {  	[dreg:$0xa] =	wrdreg s1  }
0x13: {  	s0 =	rddreg [dreg:$0x3]  }
0x14: {  	[tilespmem:s2], [sflag:$0x1] =	stream.linear.gather [hbm4b:s0+s2], $0x60, $0x38;
	[tilespmem:$0x17000] =	vst v63  }
0x15: {  	s20 =	rddreg [dreg:$0x4];
	s30 =	simm.s32 $0x60  }
0x16: {  	[tilespmem:s30], [sflag:$0x1] =	stream.linear.gather [hbm4b:s20+s2], $0x60, $0x38;
	[tilespmem:$0x17000] =	vst v63  }
0x17: {  	_ =	swait.ge [sflag:s17], $0x60  }
0x18: {  	s31 =	rddreg [dreg:$0x6]  }
0x19: {  	[sflag:s17] =	ssyncset.done $0x0;
	v2 =	vmov s31  }
0x1a: {  	[sflag:s17] =	ssyncadd.s32 $0xFFFFFFA0;
	v3 =	vor.u32 s31, v0;
	v2 =	vmulhi.u32 $0xAAAAAAAB, v2  }
0x1b: {  	_ =	swait.ge [sflag:s17], $0x60;
	v4 =	vmulhi.u32 $0xAAAAAAAB, v3  }
0x1c: {  	[sflag:s17] =	ssyncset.done $0x0;
	v2 =	vshrl.u32 v2, $0x8  }
0x1d: {  	s0 =	simm.s32 $0x0;
	[sflag:s17] =	ssyncadd.s32 $0xFFFFFFA0;
	v4 =	vshrl.u32 v4, $0x8;
	v5 =	vmulhi.u32 $0xAAAAAB, v2  }
0x1e: {  	v4 =	vmul.u32 $0x180, v4;
	v6 =	vld [tilespmem:s0+$0x0]  }
0x1f: {  	v7 =	vld [tilespmem:s0+$0x60];
	v5 =	vmul.u32 $0x180, v5  }
0x20: {  	v3 =	vsub.s32 v3, v4  }
0x21: {  	v3 =	vcvt.s32.f32 v3;
	v2 =	vsub.s32 v2, v5  }
0x22: {  	v2 =	vcvt.s32.f32 v2  }
0x23: {  	v3 =	vadd.f32 v3, v6  }
0x24: {  	v2 =	vadd.f32 v2, v7  }
0x25: {  	v4 =	vadd.f32 $1.000000000e+00, v3  }
0x26: {  	v7 =	vadd.f32 $1.000000000e+00, v2  }
0x27: {  	v2 =	vtrunc.f32 v4  }
0x28: {  	v3 =	vcvt.f32.s32 v2;
	vm0 =	vlt.f32 v4, v2;
	v5 =	vtrunc.f32 v7  }
0x29: {  	v2 =	vsel vm0, $0xFFFFFFFF, v1;
	v6 =	vcvt.f32.s32 v5;
	vm1 =	vlt.f32 v7, v5  }
0x2a: {  	v2 =	vadd.s32 v3, v2;
	v5 =	vsel vm1, $0xFFFFFFFF, v1  }
0x2b: {  	v3 =	vadd.s32 $0x1, v2;
	v5 =	vadd.s32 v6, v5  }
0x2c: {  	s7 =	sadd.s32 $0x10, s31;
	vm1 =	vgt.s32 v3, $0x0;
	v6 =	vadd.s32 $0x1, v5  }
0x2d: {  	v14 =	vmov s7;
	v3 =	vnsel vm1, $0x0, v3;
	vm2 =	vgt.s32 v6, $0x0  }
0x2e: {  	vm0 =	vgt.s32 v5, $0x1;
	v9 =	vmin.u32 v3, $0x181;
	v6 =	vnsel vm2, $0x0, v6  }
0x2f: {  	v8 =	vnsel vm0, $0x1, v5;
	v10 =	vcvt.s32.f32 v9;
	v3 =	vmin.u32 v6, $0x181  }
0x30: {  	vm0 =	vgt.s32 v2, $0x1;
	v8 =	vmin.u32 v8, $0x180;
	v11 =	vcvt.s32.f32 v3  }
0x31: {  	v6 =	vmax.u32 v3, $0x1;
	v3 =	vmul.u32 $0x180, v8;
	v8 =	vsub.f32 v10, v4  }
0x32: {  	v10 =	vor.u32 s7, v0;
	v12 =	vmin.u32 v6, $0x180;
	v7 =	vsub.f32 v11, v7  }
0x33: {  	v6 =	vmax.u32 v9, $0x1;
	v9 =	vadd.s32 $0xFFFFFFFF, v5;
	v13 =	vmulhi.u32 $0xAAAAAAAB, v10  }
0x34: {  	s1 =	simm.s32 $0x40;
	s8 =	simm.s32 $0x80;
	v4 =	vmul.u32 $0x180, v12;
	v11 =	vsub.f32 $1.000000000e+00, v8;
	v12 =	vsub.f32 $1.000000000e+00, v7  }
.LBB2_2:
0x35: {  	p0 =	sne.s32 s8, $0x140;
	v14 =	vmulhi.u32 $0xAAAAAAAB, v14;
	v15 =	vnsel vm0, $0x1, v2;
	v16 =	vadd.s32 $0xFFFFFFFF, v2  }
0x36: {  	vm0 =	vlt.u32 v5, $0x180;
	vm1 =	vlt.u32 v2, $0x180;
	v17 =	vmul.f32 v12, v11  }
0x37: {  	v5 =	vmul.f32 v12, v8;
	vm2 =	vmand vm1, vm0;
	v2 =	vshrl.u32 v14, $0x8  }
0x38: {  	s11 =	sshra.s32 s1, $0x2;
	s1 =	smov.u32 s8;
	v12 =	vshrl.u32 v13, $0x8;
	v13 =	vmulhi.u32 $0xAAAAAB, v2;
	v14 =	vnsel vm2, $0x0, v17  }
0x39: {  	v8 =	vmul.f32 v7, v8;
	v7 =	vmul.f32 v7, v11;
	v12 =	vmul.u32 $0x180, v12;
	v17 =	vld [tilespmem:s11+$0x0];
	[tilespmem:s0+$0x390] =	vst v14  }
0x3a: {  	v6 =	vmin.u32 v6, $0x180;
	vm2 =	vlt.u32 v9, $0x180;
	v11 =	vmul.u32 $0x180, v13;
	v13 =	vld [tilespmem:s11+$0x60]  }
0x3b: {  	vm3 =	vlt.u32 v16, $0x180;
	v9 =	vsub.s32 v10, v12;
	v10 =	vmin.u32 v15, $0x180  }
0x3c: {  	v4 =	vadd.s32 $0xFFFFFE80, v4;
	v9 =	vcvt.s32.f32 v9;
	v2 =	vsub.s32 v2, v11  }
0x3d: {  	v3 =	vadd.s32 $0xFFFFFE80, v3;
	v6 =	vadd.s32 $0xFFFFFFFF, v6;
	v2 =	vcvt.s32.f32 v2  }
0x3e: {  	vm4 =	vmand vm3, vm2;
	vm1 =	vmand vm1, vm2;
	v9 =	vadd.f32 v9, v17  }
0x3f: {  	vm0 =	vmand vm3, vm0;
	v10 =	vadd.s32 $0xFFFFFFFF, v10;
	v2 =	vadd.f32 v2, v13  }
0x40: {  	v5 =	vnsel vm0, $0x0, v5;
	v8 =	vnsel vm4, $0x0, v8;
	v9 =	vadd.f32 $1.000000000e+00, v9  }
0x41: {  	v11 =	vadd.f32 $1.000000000e+00, v2;
	v2 =	vadd.s32 v10, v4;
	[tilespmem:s0+$0x2B0] =	vst v5;
	v5 =	vnsel vm1, $0x0, v7  }
0x42: {  	v10 =	vadd.s32 v10, v3;
	v4 =	vadd.s32 v6, v4;
	v7 =	vtrunc.f32 v9;
	[tilespmem:s0+$0x240] =	vst v8  }
0x43: {  	v3 =	vadd.s32 v3, v6;
	v8 =	vcvt.f32.s32 v7;
	v12 =	vtrunc.f32 v11;
	[tilespmem:s0+$0x320] =	vst v5  }
0x44: {  	vm0 =	vlt.f32 v9, v7;
	v5 =	vcvt.f32.s32 v12;
	vm1 =	vlt.f32 v11, v12;
	[tilespmem:s0+$0x120] =	vst v2  }
0x45: {  	v2 =	vsel vm0, $0xFFFFFFFF, v1;
	v6 =	vsel vm1, $0xFFFFFFFF, v1;
	[tilespmem:s0+$0x1E0] =	vst v4  }
0x46: {  	v2 =	vadd.s32 v8, v2;
	v5 =	vadd.s32 v5, v6;
	[tilespmem:s0+$0xC0] =	vst v10  }
0x47: {  	v4 =	vadd.s32 $0x1, v2;
	v6 =	vadd.s32 $0x1, v5;
	vm0 =	vgt.s32 v5, $0x1;
	[tilespmem:s0+$0x180] =	vst v3;
	s0 =	smov.u32 s11  }
0x48: {  	vm1 =	vgt.s32 v4, $0x0;
	vm2 =	vgt.s32 v6, $0x0;
	v3 =	vnsel vm0, $0x1, v5  }
0x49: {  	v4 =	vnsel vm1, $0x0, v4;
	v6 =	vnsel vm2, $0x0, v6;
	v3 =	vmin.u32 v3, $0x180  }
0x4a: {  	vm0 =	vgt.s32 v2, $0x1;
	v4 =	vmin.u32 v4, $0x181;
	v6 =	vmin.u32 v6, $0x181  }
.Ltmp0:
0x4b: {  	v7 =	vcvt.s32.f32 v4;
	v10 =	vcvt.s32.f32 v6;
	v6 =	vmax.u32 v6, $0x1;
	(pc) =	sbr.rel @p0 .LBB2_2-.Ltmp0, $4  }
0x4c: {  	v3 =	vmul.u32 $0x180, v3;
	v12 =	vmin.u32 v6, $0x180;
	v6 =	vmax.u32 v4, $0x1  }
0x4d: {  	s7 =	sadd.s32 $0x10, s7;
	v8 =	vsub.f32 v7, v9;
	v7 =	vsub.f32 v10, v11;
	v4 =	vmul.u32 $0x180, v12  }
0x4e: {  	v14 =	vmov s7;
	v9 =	vadd.s32 $0xFFFFFFFF, v5;
	v10 =	vor.u32 s7, v0  }
0x4f: {  	s8 =	sadd.s32 $0x40, s8;
	v13 =	vmulhi.u32 $0xAAAAAAAB, v10;
	v11 =	vsub.f32 $1.000000000e+00, v8;
	v12 =	vsub.f32 $1.000000000e+00, v7  }
0x50: {  	v14 =	vmulhi.u32 $0xAAAAAAAB, v14;
	vm1 =	vlt.u32 v5, $0x180  }
0x51: {  	vm2 =	vlt.u32 v2, $0x180;
	v17 =	vnsel vm0, $0x1, v2;
	v32 =	vmul.f32 v7, v8  }
0x52: {  	v2 =	vadd.s32 $0xFFFFFFFF, v2;
	vm12 =	vlt.u32 v9, $0x180;
	v15 =	vmul.f32 v12, v11  }
0x53: {  	s1 =	sshra.s32 s1, $0x2;
	vm3 =	vmand vm2, vm1;
	v13 =	vshrl.u32 v13, $0x8;
	v30 =	vshrl.u32 v14, $0x8  }
0x54: {  	v16 =	vld [tilespmem:s1+$0x0];
	v13 =	vmul.u32 $0x180, v13;
	v14 =	vmulhi.u32 $0xAAAAAB, v30;
	v15 =	vnsel vm3, $0x0, v15  }
0x55: {  	v6 =	vmin.u32 v6, $0x180;
	v4 =	vadd.s32 $0xFFFFFE80, v4;
	v3 =	vadd.s32 $0xFFFFFE80, v3;
	[tilespmem:s0+$0x390] =	vst v15  }
0x56: {  	v31 =	vmul.f32 v12, v8;
	v10 =	vsub.s32 v10, v13;
	v14 =	vmul.u32 $0x180, v14;
	v15 =	vld [tilespmem:s1+$0x60]  }
0x57: {  	v33 =	vmul.f32 v7, v11;
	v35 =	vmin.u32 v17, $0x180;
	v10 =	vcvt.s32.f32 v10  }
0x58: {  	vm13 =	vlt.u32 v2, $0x180;
	v6 =	vadd.s32 $0xFFFFFFFF, v6;
	v5 =	vsub.s32 v30, v14  }
0x59: {  	vm0 =	vmand vm2, vm12;
	v34 =	vadd.f32 v10, v16;
	v5 =	vcvt.s32.f32 v5  }
0x5a: {  	vm4 =	vmand vm13, vm12;
	v37 =	vadd.s32 $0xFFFFFFFF, v35;
	vm1 =	vmand vm13, vm1  }
0x5b: {  	v8 =	vnsel vm4, $0x0, v32;
	v36 =	vadd.f32 $1.000000000e+00, v34;
	v2 =	vadd.f32 v5, v15  }
0x5c: {  	v44 =	vadd.s32 v37, v4;
	v9 =	vadd.s32 v37, v3;
	v4 =	vadd.s32 v6, v4  }
0x5d: {  	v3 =	vadd.s32 v3, v6;
	v38 =	vtrunc.f32 v36;
	v2 =	vadd.f32 $1.000000000e+00, v2  }
0x5e: {  	v12 =	vnsel vm1, $0x0, v31;
	v39 =	vcvt.f32.s32 v38;
	vm14 =	vlt.f32 v36, v38  }
0x5f: {  	v7 =	vnsel vm0, $0x0, v33;
	v42 =	vsel vm14, $0xFFFFFFFF, v1;
	v40 =	vtrunc.f32 v2  }
0x60: {  	v11 =	vadd.s32 v39, v42;
	v41 =	vcvt.f32.s32 v40;
	vm15 =	vlt.f32 v2, v40  }
0x61: {  	v13 =	vadd.s32 $0x1, v11;
	vm9 =	vgt.s32 v11, $0x1;
	v43 =	vsel vm15, $0xFFFFFFFF, v1  }
0x62: {  	vm11 =	vlt.u32 v11, $0x180;
	v57 =	vadd.s32 $0xFFFFFFFF, v11;
	v10 =	vadd.s32 v41, v43  }
0x63: {  	vm6 =	vgt.s32 v13, $0x0;
	v55 =	vnsel vm9, $0x1, v11;
	v14 =	vadd.s32 $0x1, v10  }
0x64: {  	vm13 =	vlt.u32 v57, $0x180;
	v45 =	vnsel vm6, $0x0, v13;
	vm7 =	vgt.s32 v14, $0x0  }
0x65: {  	v60 =	vmin.u32 v55, $0x180;
	vm8 =	vgt.s32 v10, $0x1;
	v46 =	vnsel vm7, $0x0, v14  }
0x66: {  	v6 =	vmin.u32 v45, $0x181;
	v54 =	vadd.s32 $0xFFFFFFFF, v10;
	v13 =	vmin.u32 v46, $0x181  }
0x67: {  	[tilespmem:s0+$0x2B0] =	vst v12;
	vm10 =	vlt.u32 v10, $0x180;
	v48 =	vcvt.s32.f32 v6;
	v49 =	vcvt.s32.f32 v13  }
0x68: {  	[tilespmem:s0+$0x240] =	vst v8;
	v47 =	vnsel vm8, $0x1, v10;
	v6 =	vmax.u32 v6, $0x1;
	v13 =	vmax.u32 v13, $0x1  }
0x69: {  	[tilespmem:s0+$0x320] =	vst v7;
	v5 =	vsub.f32 v48, v36;
	v13 =	vmin.u32 v13, $0x180;
	v2 =	vsub.f32 v49, v2  }
0x6a: {  	[tilespmem:s0+$0x120] =	vst v44;
	vm12 =	vmand vm11, vm10;
	vm14 =	vlt.u32 v54, $0x180;
	v53 =	vmul.u32 $0x180, v13  }
0x6b: {  	[tilespmem:s0+$0x1E0] =	vst v4;
	vm0 =	vmand vm13, vm10;
	v52 =	vsub.f32 $1.000000000e+00, v5;
	v51 =	vsub.f32 $1.000000000e+00, v2  }
0x6c: {  	[tilespmem:s0+$0x180] =	vst v3;
	v3 =	vmin.u32 v6, $0x180;
	v6 =	vadd.s32 $0xFFFFFFFF, v60;
	v61 =	vadd.s32 $0xFFFFFE80, v53  }
0x6d: {  	[tilespmem:s0+$0xC0] =	vst v9;
	v3 =	vadd.s32 $0xFFFFFFFF, v3;
	v62 =	vadd.s32 v6, v61;
	v56 =	vmul.f32 v51, v52  }
0x6e: {  	v14 =	vmin.u32 v47, $0x180;
	v4 =	vadd.s32 v3, v61;
	v8 =	vmul.f32 v51, v5;
	[tilespmem:s1+$0x120] =	vst v62  }
0x6f: {  	v5 =	vmul.f32 v2, v5;
	v2 =	vmul.f32 v2, v52;
	[tilespmem:s1+$0x1E0] =	vst v4;
	v58 =	vnsel vm12, $0x0, v56  }
0x70: {  	vm15 =	vmand vm11, vm14;
	v50 =	vmul.u32 $0x180, v14;
	v59 =	vnsel vm0, $0x0, v8;
	[tilespmem:s1+$0x390] =	vst v58  }
0x71: {  	vm2 =	vmand vm13, vm14;
	v2 =	vnsel vm15, $0x0, v2;
	[tilespmem:s1+$0x2B0] =	vst v59  }
0x72: {  	v5 =	vnsel vm2, $0x0, v5;
	[tilespmem:s1+$0x320] =	vst v2;
	v2 =	vadd.s32 $0xFFFFFE80, v50  }
0x73: {  	[tilespmem:s1+$0x240] =	vst v5;
	v63 =	vadd.s32 v6, v2  }
0x74: {  	s30 =	simm.s32 $0xC0;
	s31 =	simm.s32 $0x400;
	s15 =	rddreg [dreg:$0x9];
	v2 =	vadd.s32 v2, v3;
	[tilespmem:s1+$0xC0] =	vst v63  }
0x75: {  	s14 =	rddreg [dreg:$0x8];
	s8 =	simm.s32 $0x0;
	s0 =	simm.s32 $0x0;
	[tilespmem:s1+$0x180] =	vst v2  }
0x76: {  	[tilespmem:s31], [sflag:$0x1] =	stream.indirect.gather [hbm4b:s9+s18], $0x60, s30, s18, $0xb8;
	[tilespmem:$0x17000] =	vst v63  }
.LBB2_4:
0x77: {  	s7 =	smul.u32 $0xC0, s8;
	_ =	sdelay $0x1  }
0x78: {  	s13 =	sadd.s32 s7, s10  }
0x79: {  	s1 =	sshrl.u32 s13, $0x3  }
0x7a: {  	s11 =	sadd.s32 s3, s1  }
0x7b: {  	[tilespmem:s21], [sflag:$0x3] =	stream.linear.gather [hbm4b:s11+s0], $0x60, $0x38;
	[tilespmem:$0x17000] =	vst v63  }
0x7c: {  	s1 =	sadd.s32 s5, s1  }
0x7d: {  	[tilespmem:s22], [sflag:$0x3] =	stream.linear.gather [hbm4b:s1+s0], $0x60, $0x38;
	[tilespmem:$0x17000] =	vst v63  }
0x7e: {  	_ =	swait.ge [sflag:s23], $0x60  }
0x7f: {  	v2 =	vmov s14;
	[sflag:s23] =	ssyncset.done $0x0  }
0x80: {  	v3 =	vor.u32 s14, v0;
	v2 =	vmulhi.u32 $0xAAAAAAAB, v2;
	[sflag:s23] =	ssyncadd.s32 $0xFFFFFFA0  }
0x81: {  	v4 =	vmulhi.u32 $0xAAAAAAAB, v3;
	_ =	swait.ge [sflag:s23], $0x60  }
0x82: {  	v2 =	vshrl.u32 v2, $0x8;
	[sflag:s23] =	ssyncset.done $0x0  }
0x83: {  	v4 =	vshrl.u32 v4, $0x8;
	v5 =	vmulhi.u32 $0xAAAAAB, v2;
	s1 =	simm.s32 $0x0;
	[sflag:s23] =	ssyncadd.s32 $0xFFFFFFA0  }
0x84: {  	v4 =	vmul.u32 $0x180, v4;
	v6 =	vld [tilespmem:s1+$0xB800]  }
0x85: {  	v5 =	vmul.u32 $0x180, v5;
	v7 =	vld [tilespmem:s1+$0xB860]  }
0x86: {  	v3 =	vsub.s32 v3, v4  }
0x87: {  	v3 =	vcvt.s32.f32 v3;
	v2 =	vsub.s32 v2, v5  }
0x88: {  	v2 =	vcvt.s32.f32 v2  }
0x89: {  	v3 =	vadd.f32 v3, v6  }
0x8a: {  	v2 =	vadd.f32 v2, v7  }
0x8b: {  	v4 =	vadd.f32 $1.000000000e+00, v3  }
0x8c: {  	v7 =	vadd.f32 $1.000000000e+00, v2  }
0x8d: {  	v2 =	vtrunc.f32 v4  }
0x8e: {  	v5 =	vtrunc.f32 v7;
	v3 =	vcvt.f32.s32 v2  }
0x8f: {  	vm0 =	vlt.f32 v4, v2;
	v6 =	vcvt.f32.s32 v5;
	vm1 =	vlt.f32 v7, v5  }
0x90: {  	v2 =	vsel vm0, $0xFFFFFFFF, v1;
	v5 =	vsel vm1, $0xFFFFFFFF, v1  }
0x91: {  	s16 =	sadd.s32 $0x10, s14;
	v2 =	vadd.s32 v3, v2;
	v5 =	vadd.s32 v6, v5  }
0x92: {  	v14 =	vmov s16;
	v3 =	vadd.s32 $0x1, v2;
	v6 =	vadd.s32 $0x1, v5  }
0x93: {  	vm0 =	vgt.s32 v5, $0x1;
	vm1 =	vgt.s32 v3, $0x0;
	vm2 =	vgt.s32 v6, $0x0  }
0x94: {  	v8 =	vnsel vm0, $0x1, v5;
	v3 =	vnsel vm1, $0x0, v3;
	v6 =	vnsel vm2, $0x0, v6  }
0x95: {  	v8 =	vmin.u32 v8, $0x180;
	v9 =	vmin.u32 v3, $0x181;
	v3 =	vmin.u32 v6, $0x181  }
0x96: {  	v10 =	vcvt.s32.f32 v9;
	v11 =	vcvt.s32.f32 v3;
	v6 =	vmax.u32 v3, $0x1  }
0x97: {  	vm0 =	vgt.s32 v2, $0x1;
	v3 =	vmul.u32 $0x180, v8;
	v12 =	vmin.u32 v6, $0x180  }
0x98: {  	v6 =	vmax.u32 v9, $0x1;
	v8 =	vsub.f32 v10, v4;
	v7 =	vsub.f32 v11, v7  }
0x99: {  	v9 =	vadd.s32 $0xFFFFFFFF, v5;
	v4 =	vmul.u32 $0x180, v12;
	v10 =	vor.u32 s16, v0  }
0x9a: {  	s12 =	simm.s32 $0x40;
	s30 =	simm.s32 $0x80;
	v13 =	vmulhi.u32 $0xAAAAAAAB, v10;
	v12 =	vsub.f32 $1.000000000e+00, v7;
	v11 =	vsub.f32 $1.000000000e+00, v8  }
.LBB2_5:
0x9b: {  	p0 =	sne.s32 s30, $0x140;
	v14 =	vmulhi.u32 $0xAAAAAAAB, v14;
	v15 =	vnsel vm0, $0x1, v2;
	v16 =	vadd.s32 $0xFFFFFFFF, v2  }
0x9c: {  	vm0 =	vlt.u32 v5, $0x180;
	vm1 =	vlt.u32 v2, $0x180;
	v17 =	vmul.f32 v12, v11  }
0x9d: {  	v5 =	vmul.f32 v12, v8;
	vm2 =	vmand vm1, vm0;
	v2 =	vshrl.u32 v14, $0x8  }
0x9e: {  	s11 =	sshra.s32 s12, $0x2;
	s12 =	smov.u32 s30;
	v12 =	vshrl.u32 v13, $0x8;
	v13 =	vmulhi.u32 $0xAAAAAB, v2;
	v14 =	vnsel vm2, $0x0, v17  }
0x9f: {  	v8 =	vmul.f32 v7, v8;
	v7 =	vmul.f32 v7, v11;
	v12 =	vmul.u32 $0x180, v12;
	v17 =	vld [tilespmem:s11+$0xB800];
	[tilespmem:s1+$0xBB90] =	vst v14  }
0xa0: {  	v6 =	vmin.u32 v6, $0x180;
	vm2 =	vlt.u32 v9, $0x180;
	v11 =	vmul.u32 $0x180, v13;
	v13 =	vld [tilespmem:s11+$0xB860]  }
0xa1: {  	vm3 =	vlt.u32 v16, $0x180;
	v9 =	vsub.s32 v10, v12;
	v10 =	vmin.u32 v15, $0x180  }
0xa2: {  	v4 =	vadd.s32 $0xFFFFFE80, v4;
	v9 =	vcvt.s32.f32 v9;
	v2 =	vsub.s32 v2, v11  }
0xa3: {  	v3 =	vadd.s32 $0xFFFFFE80, v3;
	v6 =	vadd.s32 $0xFFFFFFFF, v6;
	v2 =	vcvt.s32.f32 v2  }
0xa4: {  	vm4 =	vmand vm3, vm2;
	vm1 =	vmand vm1, vm2;
	v9 =	vadd.f32 v9, v17  }
0xa5: {  	vm0 =	vmand vm3, vm0;
	v10 =	vadd.s32 $0xFFFFFFFF, v10;
	v2 =	vadd.f32 v2, v13  }
0xa6: {  	v5 =	vnsel vm0, $0x0, v5;
	v8 =	vnsel vm4, $0x0, v8;
	v9 =	vadd.f32 $1.000000000e+00, v9  }
0xa7: {  	v11 =	vadd.f32 $1.000000000e+00, v2;
	v2 =	vadd.s32 v10, v4;
	[tilespmem:s1+$0xBAB0] =	vst v5;
	v5 =	vnsel vm1, $0x0, v7  }
0xa8: {  	v10 =	vadd.s32 v10, v3;
	v4 =	vadd.s32 v6, v4;
	v7 =	vtrunc.f32 v9;
	[tilespmem:s1+$0xBA40] =	vst v8  }
0xa9: {  	v3 =	vadd.s32 v3, v6;
	v8 =	vcvt.f32.s32 v7;
	v12 =	vtrunc.f32 v11;
	[tilespmem:s1+$0xBB20] =	vst v5  }
0xaa: {  	vm0 =	vlt.f32 v9, v7;
	v5 =	vcvt.f32.s32 v12;
	vm1 =	vlt.f32 v11, v12;
	[tilespmem:s1+$0xB920] =	vst v2  }
0xab: {  	v2 =	vsel vm0, $0xFFFFFFFF, v1;
	v6 =	vsel vm1, $0xFFFFFFFF, v1;
	[tilespmem:s1+$0xB9E0] =	vst v4  }
0xac: {  	v2 =	vadd.s32 v8, v2;
	v5 =	vadd.s32 v5, v6;
	[tilespmem:s1+$0xB8C0] =	vst v10  }
0xad: {  	v4 =	vadd.s32 $0x1, v2;
	v6 =	vadd.s32 $0x1, v5;
	vm0 =	vgt.s32 v5, $0x1;
	[tilespmem:s1+$0xB980] =	vst v3;
	s1 =	smov.u32 s11  }
0xae: {  	vm1 =	vgt.s32 v4, $0x0;
	vm2 =	vgt.s32 v6, $0x0;
	v3 =	vnsel vm0, $0x1, v5  }
0xaf: {  	v4 =	vnsel vm1, $0x0, v4;
	v6 =	vnsel vm2, $0x0, v6;
	v3 =	vmin.u32 v3, $0x180  }
0xb0: {  	vm0 =	vgt.s32 v2, $0x1;
	v4 =	vmin.u32 v4, $0x181;
	v6 =	vmin.u32 v6, $0x181  }
.Ltmp1:
0xb1: {  	v7 =	vcvt.s32.f32 v4;
	v10 =	vcvt.s32.f32 v6;
	v6 =	vmax.u32 v6, $0x1;
	(pc) =	sbr.rel @p0 .LBB2_5-.Ltmp1, $4  }
0xb2: {  	v3 =	vmul.u32 $0x180, v3;
	v12 =	vmin.u32 v6, $0x180;
	v6 =	vmax.u32 v4, $0x1  }
0xb3: {  	s16 =	sadd.s32 $0x10, s16;
	v8 =	vsub.f32 v7, v9;
	v7 =	vsub.f32 v10, v11;
	v4 =	vmul.u32 $0x180, v12  }
0xb4: {  	v14 =	vmov s16;
	v9 =	vadd.s32 $0xFFFFFFFF, v5;
	v10 =	vor.u32 s16, v0  }
0xb5: {  	s30 =	sadd.s32 $0x40, s30;
	v13 =	vmulhi.u32 $0xAAAAAAAB, v10;
	v11 =	vsub.f32 $1.000000000e+00, v8;
	v12 =	vsub.f32 $1.000000000e+00, v7  }
0xb6: {  	v14 =	vmulhi.u32 $0xAAAAAAAB, v14  }
0xb7: {  	vm1 =	vlt.u32 v5, $0x180;
	vm2 =	vlt.u32 v2, $0x180;
	v15 =	vmul.f32 v12, v11  }
0xb8: {  	vm3 =	vmand vm2, vm1;
	v5 =	vshrl.u32 v14, $0x8  }
0xb9: {  	s12 =	sshra.s32 s12, $0x2;
	v13 =	vshrl.u32 v13, $0x8;
	v14 =	vmulhi.u32 $0xAAAAAB, v5;
	v15 =	vnsel vm3, $0x0, v15  }
0xba: {  	v17 =	vnsel vm0, $0x1, v2;
	v16 =	vld [tilespmem:s12+$0xB800];
	v13 =	vmul.u32 $0x180, v13;
	[tilespmem:s1+$0xBB90] =	vst v15  }
0xbb: {  	v2 =	vadd.s32 $0xFFFFFFFF, v2;
	vm12 =	vlt.u32 v9, $0x180;
	v14 =	vmul.u32 $0x180, v14;
	v15 =	vld [tilespmem:s12+$0xB860]  }
0xbc: {  	v6 =	vmin.u32 v6, $0x180;
	v4 =	vadd.s32 $0xFFFFFE80, v4;
	v10 =	vsub.s32 v10, v13  }
0xbd: {  	v12 =	vmul.f32 v12, v8;
	v10 =	vcvt.s32.f32 v10;
	v5 =	vsub.s32 v5, v14  }
0xbe: {  	v3 =	vadd.s32 $0xFFFFFE80, v3;
	v8 =	vmul.f32 v7, v8;
	v5 =	vcvt.s32.f32 v5  }
0xbf: {  	v7 =	vmul.f32 v7, v11;
	vm13 =	vlt.u32 v2, $0x180;
	v9 =	vadd.f32 v10, v16  }
0xc0: {  	v6 =	vadd.s32 $0xFFFFFFFF, v6;
	vm0 =	vmand vm2, vm12;
	v2 =	vadd.f32 v5, v15  }
0xc1: {  	vm4 =	vmand vm13, vm12;
	vm1 =	vmand vm13, vm1;
	v5 =	vadd.f32 $1.000000000e+00, v9  }
0xc2: {  	v8 =	vnsel vm4, $0x0, v8;
	v10 =	vmin.u32 v17, $0x180;
	v2 =	vadd.f32 $1.000000000e+00, v2  }
0xc3: {  	v12 =	vnsel vm1, $0x0, v12;
	v9 =	vadd.s32 $0xFFFFFFFF, v10;
	v10 =	vtrunc.f32 v5  }
0xc4: {  	v11 =	vcvt.f32.s32 v10;
	vm14 =	vlt.f32 v5, v10;
	v13 =	vtrunc.f32 v2  }
0xc5: {  	v10 =	vcvt.f32.s32 v13;
	vm15 =	vlt.f32 v2, v13;
	v13 =	vsel vm14, $0xFFFFFFFF, v1  }
0xc6: {  	v7 =	vnsel vm0, $0x0, v7;
	v14 =	vsel vm15, $0xFFFFFFFF, v1;
	v11 =	vadd.s32 v11, v13  }
0xc7: {  	v13 =	vadd.s32 v9, v4;
	v9 =	vadd.s32 v9, v3;
	v10 =	vadd.s32 v10, v14  }
0xc8: {  	v4 =	vadd.s32 v6, v4;
	v14 =	vadd.s32 $0x1, v11;
	v15 =	vadd.s32 $0x1, v10  }
0xc9: {  	v3 =	vadd.s32 v3, v6;
	vm6 =	vgt.s32 v14, $0x0;
	vm7 =	vgt.s32 v15, $0x0  }
0xca: {  	vm9 =	vgt.s32 v11, $0x1;
	v14 =	vnsel vm6, $0x0, v14;
	v15 =	vnsel vm7, $0x0, v15  }
0xcb: {  	vm11 =	vlt.u32 v11, $0x180;
	v14 =	vmin.u32 v14, $0x181;
	v15 =	vmin.u32 v15, $0x181  }
0xcc: {  	[tilespmem:s1+$0xB9E0] =	vst v4;
	v4 =	vadd.s32 $0xFFFFFFFF, v11;
	v17 =	vcvt.s32.f32 v14;
	v18 =	vcvt.s32.f32 v15  }
0xcd: {  	vm8 =	vgt.s32 v10, $0x1;
	vm10 =	vlt.u32 v10, $0x180;
	vm13 =	vlt.u32 v4, $0x180  }
0xce: {  	v16 =	vnsel vm8, $0x1, v10;
	v5 =	vsub.f32 v17, v5;
	v2 =	vsub.f32 v18, v2  }
0xcf: {  	[tilespmem:s1+$0xBA40] =	vst v8;
	vm12 =	vmand vm11, vm10;
	v8 =	vmax.u32 v14, $0x1;
	v15 =	vmax.u32 v15, $0x1  }
0xd0: {  	[tilespmem:s1+$0xBAB0] =	vst v12;
	v12 =	vmin.u32 v15, $0x180;
	v15 =	vsub.f32 $1.000000000e+00, v5;
	v14 =	vsub.f32 $1.000000000e+00, v2  }
0xd1: {  	[tilespmem:s1+$0xB920] =	vst v13;
	vm0 =	vmand vm13, vm10;
	v6 =	vmin.u32 v16, $0x180;
	v16 =	vnsel vm9, $0x1, v11  }
0xd2: {  	[tilespmem:s1+$0xB980] =	vst v3;
	v6 =	vmul.u32 $0x180, v6;
	v3 =	vmin.u32 v8, $0x180;
	v13 =	vmul.f32 v14, v15  }
0xd3: {  	[tilespmem:s1+$0xBB20] =	vst v7;
	v7 =	vmul.u32 $0x180, v12;
	v12 =	vadd.s32 $0xFFFFFFFF, v10;
	v10 =	vmul.f32 v14, v5  }
0xd4: {  	[tilespmem:s1+$0xB8C0] =	vst v9;
	vm14 =	vlt.u32 v12, $0x180;
	v5 =	vmul.f32 v2, v5;
	v9 =	vnsel vm12, $0x0, v13  }
0xd5: {  	vm2 =	vmand vm13, vm14;
	v2 =	vmul.f32 v2, v15;
	v4 =	vnsel vm0, $0x0, v10;
	[tilespmem:s12+$0xBB90] =	vst v9  }
0xd6: {  	v8 =	vmin.u32 v16, $0x180;
	vm15 =	vmand vm11, vm14;
	v5 =	vnsel vm2, $0x0, v5;
	[tilespmem:s12+$0xBAB0] =	vst v4  }
0xd7: {  	v2 =	vnsel vm15, $0x0, v2;
	v4 =	vadd.s32 $0xFFFFFE80, v7;
	v7 =	vadd.s32 $0xFFFFFFFF, v8;
	[tilespmem:s12+$0xBA40] =	vst v5  }
0xd8: {  	v3 =	vadd.s32 $0xFFFFFFFF, v3;
	[tilespmem:s12+$0xBB20] =	vst v2;
	v5 =	vadd.s32 v7, v4  }
0xd9: {  	v2 =	vadd.s32 $0xFFFFFE80, v6;
	v4 =	vadd.s32 v3, v4;
	[tilespmem:s12+$0xB920] =	vst v5  }
0xda: {  	v5 =	vadd.s32 v7, v2;
	[tilespmem:s12+$0xB9E0] =	vst v4  }
0xdb: {  	p0 =	seq.s32 s8, $0x0;
	v2 =	vadd.s32 v2, v3;
	[tilespmem:s12+$0xB8C0] =	vst v5  }
0xdc: {  	s1 =	simm.s32 @!p0 $0x2;
	[tilespmem:s12+$0xB980] =	vst v2  }
0xdd: {  	[tilespmem:s25], [sflag:$0x3] =	stream.indirect.gather [hbm4b:s9+s18], $0x60, s24, s18, $0xb8;
	[tilespmem:$0x17000] =	vst v63  }
0xde: {  	_ =	swait.ge @!p0 [sflag:s1], $0x2400  }
0xdf: {  	[sflag:s1] =	ssyncset.done @!p0 $0x0  }
0xe0: {  	[sflag:s1] =	ssyncadd.s32 @!p0 $0xFFFFDC00  }
0xe1: {  	_ =	swait.ge [sflag:s17], $0x9000  }
0xe2: {  	[sflag:s17] =	ssyncset.done $0x0  }
0xe3: {  	s1 =	simm.s32 $0x0;
	[sflag:s17] =	ssyncadd.s32 $0xFFFF7000  }
0xe4: {  	v2 =	vld [tilespmem:s1+$0x7000]  }
0xe5: {  	v9 =	vld [tilespmem:s1+$0x410]  }
0xe6: {  	v3 =	vld [tilespmem:s1+$0x7040]  }
0xe7: {  	v8 =	vld [tilespmem:s1+$0x7020]  }
0xe8: {  	v4 =	vld [tilespmem:s1+$0x7050]  }
0xe9: {  	v11 =	vld [tilespmem:s1+$0x440]  }
0xea: {  	v5 =	vld [tilespmem:s1+$0x450]  }
0xeb: {  	v19 =	vld [tilespmem:s1+$0x2840]  }
0xec: {  	v7 =	vld [tilespmem:s1+$0x2850]  }
0xed: {  	v20 =	vld [tilespmem:s1+$0x4C20]  }
0xee: {  	v23 =	vld [tilespmem:s1+$0x7030]  }
0xef: {  	v6 =	vld [tilespmem:s1+$0x4C50]  }
0xf0: {  	v26 =	vld [tilespmem:s1+$0x420]  }
0xf1: {  	v18 =	vld [tilespmem:s1+$0x2810]  }
0xf2: {  	v12 =	vld [tilespmem:s1+$0x4C00]  }
0xf3: {  	s11 =	simm.s32 $0x390;
	v27 =	vld [tilespmem:s1+$0x400]  }
0xf4: {  	s12 =	simm.s32 $0x320;
	v13 =	vld.msk [tilespmem:s11+$0x0 ss:$0x0], $0xffff  }
0xf5: {  	s31 =	simm.s32 $0x2B0;
	v10 =	vld.msk [tilespmem:s12+$0x0 ss:$0x0], $0xffff  }
0xf6: {  	s16 =	simm.s32 $0x240;
	v14 =	vld.msk [tilespmem:s31+$0x0 ss:$0x0], $0xffff  }
0xf7: {  	v17 =	vld.msk [tilespmem:s16+$0x0 ss:$0x0], $0xffff  }
0xf8: {  	v22 =	vld [tilespmem:s1+$0x4C10]  }
0xf9: {  	v16 =	vld [tilespmem:s1+$0x4C30]  }
0xfa: {  	v24 =	vld [tilespmem:s1+$0x7010];
	v15 =	vmul.f32 v8, v13  }
0xfb: {  	v25 =	vld [tilespmem:s1+$0x2820];
	v12 =	vmul.f32 v12, v10;
	v21 =	vmul.f32 v20, v10  }
0xfc: {  	v20 =	vld [tilespmem:s1+$0x2830];
	v8 =	vmul.f32 v23, v13;
	v19 =	vmul.f32 v19, v14  }
0xfd: {  	s30 =	sadd.s32 s4, s7;
	s19 =	simm.s32 $0x180;
	s20 =	simm.s32 $0x391;
	v23 =	vmul.f32 v27, v17;
	v27 =	vld [tilespmem:s1+$0x2800];
	v26 =	vmul.f32 v26, v17  }
.LBB2_7:
0xfe: {  	v28 =	vmul.f32 v9, v17;
	v29 =	vld [tilespmem:s1+$0x430];
	v30 =	vmul.f32 v4, v13;
	s16 =	sadd.s32 $0x1, s16;
	s31 =	sadd.s32 $0x1, s31;
	s12 =	sadd.s32 $0x1, s12  }
0xff: {  	s11 =	sshra.s32 s19, $0x2;
	p1 =	sne.s32 s19, $0x8E80;
	s19 =	sadd.s32 $0x180, s19;
	v31 =	vmul.f32 v11, v17;
	v24 =	vmul.f32 v24, v13;
	v32 =	vld [tilespmem:s1+$0x4C40]  }
0x100: {  	v22 =	vmul.f32 v22, v10;
	v33 =	vld [tilespmem:s11+$0x7000];
	v4 =	vmul.f32 v25, v14  }
0x101: {  	v11 =	vmul.f32 v18, v14;
	v18 =	vmul.f32 v3, v13;
	v9 =	vld [tilespmem:s11+$0x410]  }
0x102: {  	v13 =	vmul.f32 v2, v13;
	v3 =	vld [tilespmem:s11+$0x7040];
	v25 =	vmul.f32 v27, v14;
	v34 =	vadd.f32 v4, v26  }
0x103: {  	v16 =	vmul.f32 v16, v10;
	v27 =	vadd.f32 v11, v28;
	v26 =	vld [tilespmem:s11+$0x7020];
	v28 =	vmul.f32 v29, v17  }
0x104: {  	v17 =	vmul.f32 v5, v17;
	v4 =	vld [tilespmem:s11+$0x7050];
	v23 =	vadd.f32 v25, v23;
	v21 =	vadd.f32 v21, v34  }
0x105: {  	v7 =	vmul.f32 v7, v14;
	v20 =	vmul.f32 v20, v14;
	v22 =	vadd.f32 v22, v27;
	v11 =	vld [tilespmem:s11+$0x440];
	v2 =	vmovc v33  }
0x106: {  	v5 =	vld [tilespmem:s11+$0x450];
	v14 =	vadd.f32 v15, v21;
	v15 =	vadd.f32 v19, v31;
	v19 =	vmul.f32 v32, v10  }
0x107: {  	v6 =	vmul.f32 v6, v10;
	v20 =	vadd.f32 v20, v28;
	v17 =	vadd.f32 v7, v17;
	v27 =	vld [tilespmem:s11+$0x2840]  }
0x108: {  	v10 =	vadd.f32 v24, v22;
	v7 =	vld [tilespmem:s11+$0x2850];
	[tilespmem:s1+$0x9420] =	vst v14;
	v14 =	vadd.f32 v19, v15  }
0x109: {  	v12 =	vadd.f32 v12, v23;
	v15 =	vadd.f32 v6, v17;
	v19 =	vld [tilespmem:s11+$0x4C20]  }
0x10a: {  	v23 =	vld [tilespmem:s11+$0x7030];
	[tilespmem:s1+$0x9410] =	vst v10;
	v10 =	vadd.f32 v16, v20;
	v14 =	vadd.f32 v18, v14  }
0x10b: {  	v12 =	vadd.f32 v13, v12;
	v13 =	vadd.f32 v30, v15;
	v6 =	vld [tilespmem:s11+$0x4C50]  }
0x10c: {  	v28 =	vld [tilespmem:s11+$0x420];
	v8 =	vadd.f32 v8, v10;
	[tilespmem:s1+$0x9440] =	vst v14  }
0x10d: {  	v18 =	vld [tilespmem:s11+$0x2810];
	[tilespmem:s1+$0x9400] =	vst v12  }
0x10e: {  	v12 =	vld [tilespmem:s11+$0x4C00];
	[tilespmem:s1+$0x9450] =	vst v13  }
0x10f: {  	v29 =	vld [tilespmem:s11+$0x400];
	[tilespmem:s1+$0x9430] =	vst v8;
	s1 =	smov.u32 s11  }
0x110: {  	v13 =	vld.msk [tilespmem:s20+$0x0 ss:$0x0], $0xffff  }
0x111: {  	v10 =	vld.msk [tilespmem:s12+$0x0 ss:$0x0], $0xffff  }
0x112: {  	v14 =	vld.msk [tilespmem:s31+$0x0 ss:$0x0], $0xffff  }
0x113: {  	v17 =	vld.msk [tilespmem:s16+$0x0 ss:$0x0], $0xffff  }
0x114: {  	v22 =	vld [tilespmem:s1+$0x4C10]  }
.Ltmp2:
0x115: {  	v16 =	vld [tilespmem:s1+$0x4C30];
	(pc) =	sbr.rel @p1 .LBB2_7-.Ltmp2, $4  }
0x116: {  	v15 =	vmul.f32 v26, v13;
	v24 =	vld [tilespmem:s1+$0x7010]  }
0x117: {  	v12 =	vmul.f32 v12, v10;
	v21 =	vmul.f32 v19, v10;
	v25 =	vld [tilespmem:s1+$0x2820]  }
0x118: {  	v8 =	vmul.f32 v23, v13;
	v19 =	vmul.f32 v27, v14;
	v20 =	vld [tilespmem:s1+$0x2830]  }
0x119: {  	s20 =	sadd.s32 $0x1, s20;
	v23 =	vmul.f32 v29, v17;
	v26 =	vmul.f32 v28, v17;
	v27 =	vld [tilespmem:s1+$0x2800]  }
0x11a: {  	v9 =	vmul.f32 v9, v17  }
0x11b: {  	s11 =	smulhi.u32 $0x38E38E39, s30;
	v18 =	vmul.f32 v18, v14;
	v11 =	vmul.f32 v11, v17  }
0x11c: {  	v28 =	vld [tilespmem:s1+$0x430];
	v22 =	vmul.f32 v22, v10;
	v5 =	vmul.f32 v5, v17  }
0x11d: {  	v29 =	vld [tilespmem:s1+$0x4C40];
	v7 =	vmul.f32 v7, v14;
	v6 =	vmul.f32 v6, v10;
	s11 =	sshrl.u32 s11, $0xF  }
0x11e: {  	v4 =	vmul.f32 v4, v13;
	v25 =	vmul.f32 v25, v14;
	v9 =	vadd.f32 v18, v9;
	s12 =	smul.u32 $0x24000, s11  }
0x11f: {  	v24 =	vmul.f32 v24, v13;
	v11 =	vadd.f32 v19, v11;
	v5 =	vadd.f32 v7, v5  }
0x120: {  	v58 =	vmul.f32 v20, v14;
	v27 =	vmul.f32 v27, v14;
	v25 =	vadd.f32 v25, v26;
	s12 =	ssub.s32 s30, s12  }
0x121: {  	v9 =	vadd.f32 v22, v9;
	v5 =	vadd.f32 v6, v5;
	v57 =	vmul.f32 v28, v17;
	s16 =	smulhi.u32 $0xAAAAAB, s12  }
0x122: {  	v59 =	vmul.f32 v29, v10;
	v23 =	vadd.f32 v27, v23;
	v21 =	vadd.f32 v21, v25  }
0x123: {  	v3 =	vmul.f32 v3, v13;
	v9 =	vadd.f32 v24, v9;
	v4 =	vadd.f32 v4, v5;
	s19 =	smul.u32 $0x180, s16  }
0x124: {  	v61 =	vmul.f32 v16, v10;
	s11 =	smul.u32 $0xD80000, s11;
	v17 =	vadd.f32 v58, v57;
	v60 =	vadd.f32 v59, v11  }
0x125: {  	v2 =	vmul.f32 v2, v13;
	v15 =	vadd.f32 v15, v21;
	v62 =	vadd.f32 v12, v23;
	s16 =	smul.u32 $0x9000, s16;
	[tilespmem:s1+$0x9410] =	vst v9;
	s12 =	ssub.s32 s12, s19  }
0x126: {  	p1 =	seq.s32 s8, $0x2F;
	[tilespmem:s1+$0x9450] =	vst v4;
	v3 =	vadd.f32 v3, v60;
	v63 =	vadd.f32 v61, v17;
	s12 =	smul.u32 $0x60, s12  }
.Ltmp3:
0x127: {  	[tilespmem:s1+$0x9420] =	vst v15;
	v2 =	vadd.f32 v2, v62;
	s11 =	sadd.s32 s11, s16;
	(pc) =	sbr.rel @p1 .LBB2_12-.Ltmp3, $4  }
0x128: {  	[tilespmem:s1+$0x9440] =	vst v3;
	v3 =	vadd.f32 v8, v63;
	s11 =	sadd.s32 s12, s11  }
0x129: {  	[tilespmem:s1+$0x9400] =	vst v2;
	s11 =	sshrl.u32 s11, $0x3  }
0x12a: {  	[tilespmem:s1+$0x9430] =	vst v3;
	s31 =	sadd.s32 s6, s11  }
0x12b: {  	[hbm4b:s31+s2] =	stream.linear.scatter [tilespmem:s26], [sflag:$0x2], $0x2400, $0x38;
	[tilespmem:$0x17000] =	vst v63  }
0x12c: {  	s1 =	rddreg [dreg:$0x5]  }
0x12d: {  	s1 =	sadd.s32 s7, s1  }
0x12e: {  	s1 =	sshrl.u32 s1, $0x3  }
0x12f: {  	s11 =	simm.s32 $0x0;
	s30 =	sadd.s32 s3, s1  }
0x130: {  	[tilespmem:s11], [sflag:$0x1] =	stream.linear.gather [hbm4b:s30+s11], $0x60, $0x38;
	[tilespmem:$0x17000] =	vst v63  }
0x131: {  	s31 =	simm.s32 $0x60;
	s1 =	sadd.s32 s5, s1  }
0x132: {  	[tilespmem:s31], [sflag:$0x1] =	stream.linear.gather [hbm4b:s1+s11], $0x60, $0x38;
	[tilespmem:$0x17000] =	vst v63  }
0x133: {  	_ =	swait.ge [sflag:s17], $0x60  }
0x134: {  	v2 =	vmov s15;
	[sflag:s17] =	ssyncset.done $0x0  }
0x135: {  	v3 =	vor.u32 s15, v0;
	v2 =	vmulhi.u32 $0xAAAAAAAB, v2;
	[sflag:s17] =	ssyncadd.s32 $0xFFFFFFA0  }
0x136: {  	v4 =	vmulhi.u32 $0xAAAAAAAB, v3;
	_ =	swait.ge [sflag:s17], $0x60  }
0x137: {  	v2 =	vshrl.u32 v2, $0x8;
	[sflag:s17] =	ssyncset.done $0x0  }
0x138: {  	v4 =	vshrl.u32 v4, $0x8;
	v5 =	vmulhi.u32 $0xAAAAAB, v2;
	s1 =	simm.s32 $0x0;
	[sflag:s17] =	ssyncadd.s32 $0xFFFFFFA0  }
0x139: {  	v4 =	vmul.u32 $0x180, v4;
	v6 =	vld [tilespmem:s1+$0x0]  }
0x13a: {  	v5 =	vmul.u32 $0x180, v5;
	v7 =	vld [tilespmem:s1+$0x60]  }
0x13b: {  	v3 =	vsub.s32 v3, v4  }
0x13c: {  	v3 =	vcvt.s32.f32 v3;
	v2 =	vsub.s32 v2, v5  }
0x13d: {  	v2 =	vcvt.s32.f32 v2  }
0x13e: {  	v3 =	vadd.f32 v3, v6  }
0x13f: {  	v2 =	vadd.f32 v2, v7  }
0x140: {  	v4 =	vadd.f32 $1.000000000e+00, v3  }
0x141: {  	v7 =	vadd.f32 $1.000000000e+00, v2  }
0x142: {  	v2 =	vtrunc.f32 v4  }
0x143: {  	v5 =	vtrunc.f32 v7;
	v3 =	vcvt.f32.s32 v2  }
0x144: {  	vm0 =	vlt.f32 v4, v2;
	v6 =	vcvt.f32.s32 v5;
	vm1 =	vlt.f32 v7, v5  }
0x145: {  	v2 =	vsel vm0, $0xFFFFFFFF, v1;
	v5 =	vsel vm1, $0xFFFFFFFF, v1  }
0x146: {  	s12 =	sadd.s32 $0x10, s15;
	v2 =	vadd.s32 v3, v2;
	v5 =	vadd.s32 v6, v5  }
0x147: {  	v14 =	vmov s12;
	v3 =	vadd.s32 $0x1, v2;
	v6 =	vadd.s32 $0x1, v5  }
0x148: {  	vm0 =	vgt.s32 v5, $0x1;
	vm1 =	vgt.s32 v3, $0x0;
	vm2 =	vgt.s32 v6, $0x0  }
0x149: {  	v8 =	vnsel vm0, $0x1, v5;
	v3 =	vnsel vm1, $0x0, v3;
	v6 =	vnsel vm2, $0x0, v6  }
0x14a: {  	v8 =	vmin.u32 v8, $0x180;
	v9 =	vmin.u32 v3, $0x181;
	v3 =	vmin.u32 v6, $0x181  }
0x14b: {  	v10 =	vcvt.s32.f32 v9;
	v11 =	vcvt.s32.f32 v3;
	v6 =	vmax.u32 v3, $0x1  }
0x14c: {  	vm0 =	vgt.s32 v2, $0x1;
	v3 =	vmul.u32 $0x180, v8;
	v12 =	vmin.u32 v6, $0x180  }
0x14d: {  	v6 =	vmax.u32 v9, $0x1;
	v8 =	vsub.f32 v10, v4;
	v7 =	vsub.f32 v11, v7  }
0x14e: {  	v9 =	vadd.s32 $0xFFFFFFFF, v5;
	v4 =	vmul.u32 $0x180, v12;
	v10 =	vor.u32 s12, v0  }
0x14f: {  	s16 =	simm.s32 $0x80;
	s7 =	simm.s32 $0x40;
	v13 =	vmulhi.u32 $0xAAAAAAAB, v10;
	v12 =	vsub.f32 $1.000000000e+00, v7;
	v11 =	vsub.f32 $1.000000000e+00, v8  }
.LBB2_10:
0x150: {  	p1 =	sne.s32 s16, $0x140;
	v14 =	vmulhi.u32 $0xAAAAAAAB, v14;
	v15 =	vnsel vm0, $0x1, v2;
	v16 =	vadd.s32 $0xFFFFFFFF, v2  }
0x151: {  	vm0 =	vlt.u32 v5, $0x180;
	vm1 =	vlt.u32 v2, $0x180;
	v17 =	vmul.f32 v12, v11  }
0x152: {  	v5 =	vmul.f32 v12, v8;
	vm2 =	vmand vm1, vm0;
	v2 =	vshrl.u32 v14, $0x8  }
0x153: {  	s11 =	sshra.s32 s7, $0x2;
	s7 =	smov.u32 s16;
	v12 =	vshrl.u32 v13, $0x8;
	v13 =	vmulhi.u32 $0xAAAAAB, v2;
	v14 =	vnsel vm2, $0x0, v17  }
0x154: {  	v8 =	vmul.f32 v7, v8;
	v7 =	vmul.f32 v7, v11;
	v12 =	vmul.u32 $0x180, v12;
	v17 =	vld [tilespmem:s11+$0x0];
	[tilespmem:s1+$0x390] =	vst v14  }
0x155: {  	v6 =	vmin.u32 v6, $0x180;
	vm2 =	vlt.u32 v9, $0x180;
	v11 =	vmul.u32 $0x180, v13;
	v13 =	vld [tilespmem:s11+$0x60]  }
0x156: {  	vm3 =	vlt.u32 v16, $0x180;
	v9 =	vsub.s32 v10, v12;
	v10 =	vmin.u32 v15, $0x180  }
0x157: {  	v4 =	vadd.s32 $0xFFFFFE80, v4;
	v9 =	vcvt.s32.f32 v9;
	v2 =	vsub.s32 v2, v11  }
0x158: {  	v3 =	vadd.s32 $0xFFFFFE80, v3;
	v6 =	vadd.s32 $0xFFFFFFFF, v6;
	v2 =	vcvt.s32.f32 v2  }
0x159: {  	vm4 =	vmand vm3, vm2;
	vm1 =	vmand vm1, vm2;
	v9 =	vadd.f32 v9, v17  }
0x15a: {  	vm0 =	vmand vm3, vm0;
	v10 =	vadd.s32 $0xFFFFFFFF, v10;
	v2 =	vadd.f32 v2, v13  }
0x15b: {  	v5 =	vnsel vm0, $0x0, v5;
	v8 =	vnsel vm4, $0x0, v8;
	v9 =	vadd.f32 $1.000000000e+00, v9  }
0x15c: {  	v11 =	vadd.f32 $1.000000000e+00, v2;
	v2 =	vadd.s32 v10, v4;
	[tilespmem:s1+$0x2B0] =	vst v5;
	v5 =	vnsel vm1, $0x0, v7  }
0x15d: {  	v10 =	vadd.s32 v10, v3;
	v4 =	vadd.s32 v6, v4;
	v7 =	vtrunc.f32 v9;
	[tilespmem:s1+$0x240] =	vst v8  }
0x15e: {  	v3 =	vadd.s32 v3, v6;
	v8 =	vcvt.f32.s32 v7;
	v12 =	vtrunc.f32 v11;
	[tilespmem:s1+$0x320] =	vst v5  }
0x15f: {  	vm0 =	vlt.f32 v9, v7;
	v5 =	vcvt.f32.s32 v12;
	vm1 =	vlt.f32 v11, v12;
	[tilespmem:s1+$0x120] =	vst v2  }
0x160: {  	v2 =	vsel vm0, $0xFFFFFFFF, v1;
	v6 =	vsel vm1, $0xFFFFFFFF, v1;
	[tilespmem:s1+$0x1E0] =	vst v4  }
0x161: {  	v2 =	vadd.s32 v8, v2;
	v5 =	vadd.s32 v5, v6;
	[tilespmem:s1+$0xC0] =	vst v10  }
0x162: {  	v4 =	vadd.s32 $0x1, v2;
	v6 =	vadd.s32 $0x1, v5;
	vm0 =	vgt.s32 v5, $0x1;
	[tilespmem:s1+$0x180] =	vst v3;
	s1 =	smov.u32 s11  }
0x163: {  	vm1 =	vgt.s32 v4, $0x0;
	vm2 =	vgt.s32 v6, $0x0;
	v3 =	vnsel vm0, $0x1, v5  }
0x164: {  	v4 =	vnsel vm1, $0x0, v4;
	v6 =	vnsel vm2, $0x0, v6;
	v3 =	vmin.u32 v3, $0x180  }
0x165: {  	vm0 =	vgt.s32 v2, $0x1;
	v4 =	vmin.u32 v4, $0x181;
	v6 =	vmin.u32 v6, $0x181  }
.Ltmp4:
0x166: {  	v7 =	vcvt.s32.f32 v4;
	v10 =	vcvt.s32.f32 v6;
	v6 =	vmax.u32 v6, $0x1;
	(pc) =	sbr.rel @p1 .LBB2_10-.Ltmp4, $4  }
0x167: {  	v3 =	vmul.u32 $0x180, v3;
	v12 =	vmin.u32 v6, $0x180;
	v6 =	vmax.u32 v4, $0x1  }
0x168: {  	s12 =	sadd.s32 $0x10, s12;
	v8 =	vsub.f32 v7, v9;
	v7 =	vsub.f32 v10, v11;
	v4 =	vmul.u32 $0x180, v12  }
0x169: {  	v14 =	vmov s12;
	v9 =	vadd.s32 $0xFFFFFFFF, v5;
	v10 =	vor.u32 s12, v0  }
0x16a: {  	s16 =	sadd.s32 $0x40, s16;
	v13 =	vmulhi.u32 $0xAAAAAAAB, v10;
	v11 =	vsub.f32 $1.000000000e+00, v8;
	v12 =	vsub.f32 $1.000000000e+00, v7  }
0x16b: {  	v14 =	vmulhi.u32 $0xAAAAAAAB, v14;
	vm1 =	vlt.u32 v5, $0x180  }
0x16c: {  	vm2 =	vlt.u32 v2, $0x180;
	v17 =	vnsel vm0, $0x1, v2;
	v32 =	vmul.f32 v7, v8  }
0x16d: {  	v2 =	vadd.s32 $0xFFFFFFFF, v2;
	vm12 =	vlt.u32 v9, $0x180;
	v15 =	vmul.f32 v12, v11  }
0x16e: {  	s7 =	sshra.s32 s7, $0x2;
	vm3 =	vmand vm2, vm1;
	v13 =	vshrl.u32 v13, $0x8;
	v30 =	vshrl.u32 v14, $0x8  }
0x16f: {  	v16 =	vld [tilespmem:s7+$0x0];
	v13 =	vmul.u32 $0x180, v13;
	v14 =	vmulhi.u32 $0xAAAAAB, v30;
	v15 =	vnsel vm3, $0x0, v15  }
0x170: {  	v6 =	vmin.u32 v6, $0x180;
	v4 =	vadd.s32 $0xFFFFFE80, v4;
	v3 =	vadd.s32 $0xFFFFFE80, v3;
	[tilespmem:s1+$0x390] =	vst v15  }
0x171: {  	v31 =	vmul.f32 v12, v8;
	v10 =	vsub.s32 v10, v13;
	v14 =	vmul.u32 $0x180, v14;
	v15 =	vld [tilespmem:s7+$0x60]  }
0x172: {  	v33 =	vmul.f32 v7, v11;
	v35 =	vmin.u32 v17, $0x180;
	v10 =	vcvt.s32.f32 v10  }
0x173: {  	vm13 =	vlt.u32 v2, $0x180;
	v6 =	vadd.s32 $0xFFFFFFFF, v6;
	v5 =	vsub.s32 v30, v14  }
0x174: {  	vm0 =	vmand vm2, vm12;
	v34 =	vadd.f32 v10, v16;
	v5 =	vcvt.s32.f32 v5  }
0x175: {  	vm4 =	vmand vm13, vm12;
	v37 =	vadd.s32 $0xFFFFFFFF, v35;
	vm1 =	vmand vm13, vm1  }
0x176: {  	v8 =	vnsel vm4, $0x0, v32;
	v36 =	vadd.f32 $1.000000000e+00, v34;
	v2 =	vadd.f32 v5, v15  }
0x177: {  	v44 =	vadd.s32 v37, v4;
	v9 =	vadd.s32 v37, v3;
	v4 =	vadd.s32 v6, v4  }
0x178: {  	v3 =	vadd.s32 v3, v6;
	v38 =	vtrunc.f32 v36;
	v2 =	vadd.f32 $1.000000000e+00, v2  }
0x179: {  	v12 =	vnsel vm1, $0x0, v31;
	v39 =	vcvt.f32.s32 v38;
	vm14 =	vlt.f32 v36, v38  }
0x17a: {  	v7 =	vnsel vm0, $0x0, v33;
	v42 =	vsel vm14, $0xFFFFFFFF, v1;
	v40 =	vtrunc.f32 v2  }
0x17b: {  	v11 =	vadd.s32 v39, v42;
	v41 =	vcvt.f32.s32 v40;
	vm15 =	vlt.f32 v2, v40  }
0x17c: {  	v13 =	vadd.s32 $0x1, v11;
	vm9 =	vgt.s32 v11, $0x1;
	v43 =	vsel vm15, $0xFFFFFFFF, v1  }
0x17d: {  	vm11 =	vlt.u32 v11, $0x180;
	v57 =	vadd.s32 $0xFFFFFFFF, v11;
	v10 =	vadd.s32 v41, v43  }
0x17e: {  	vm6 =	vgt.s32 v13, $0x0;
	v55 =	vnsel vm9, $0x1, v11;
	v14 =	vadd.s32 $0x1, v10  }
0x17f: {  	vm13 =	vlt.u32 v57, $0x180;
	v45 =	vnsel vm6, $0x0, v13;
	vm7 =	vgt.s32 v14, $0x0  }
0x180: {  	v60 =	vmin.u32 v55, $0x180;
	vm8 =	vgt.s32 v10, $0x1;
	v46 =	vnsel vm7, $0x0, v14  }
0x181: {  	v6 =	vmin.u32 v45, $0x181;
	v54 =	vadd.s32 $0xFFFFFFFF, v10;
	v13 =	vmin.u32 v46, $0x181  }
0x182: {  	[tilespmem:s1+$0x2B0] =	vst v12;
	vm10 =	vlt.u32 v10, $0x180;
	v48 =	vcvt.s32.f32 v6;
	v49 =	vcvt.s32.f32 v13  }
0x183: {  	[tilespmem:s1+$0x240] =	vst v8;
	v47 =	vnsel vm8, $0x1, v10;
	v6 =	vmax.u32 v6, $0x1;
	v13 =	vmax.u32 v13, $0x1  }
0x184: {  	[tilespmem:s1+$0x320] =	vst v7;
	v5 =	vsub.f32 v48, v36;
	v13 =	vmin.u32 v13, $0x180;
	v2 =	vsub.f32 v49, v2  }
0x185: {  	[tilespmem:s1+$0x120] =	vst v44;
	vm12 =	vmand vm11, vm10;
	vm14 =	vlt.u32 v54, $0x180;
	v53 =	vmul.u32 $0x180, v13  }
0x186: {  	[tilespmem:s1+$0x1E0] =	vst v4;
	vm0 =	vmand vm13, vm10;
	v52 =	vsub.f32 $1.000000000e+00, v5;
	v51 =	vsub.f32 $1.000000000e+00, v2  }
0x187: {  	[tilespmem:s1+$0x180] =	vst v3;
	v3 =	vmin.u32 v6, $0x180;
	v6 =	vadd.s32 $0xFFFFFFFF, v60;
	v61 =	vadd.s32 $0xFFFFFE80, v53  }
0x188: {  	[tilespmem:s1+$0xC0] =	vst v9;
	v3 =	vadd.s32 $0xFFFFFFFF, v3;
	v62 =	vadd.s32 v6, v61;
	v56 =	vmul.f32 v51, v52  }
0x189: {  	v14 =	vmin.u32 v47, $0x180;
	v4 =	vadd.s32 v3, v61;
	v8 =	vmul.f32 v51, v5;
	[tilespmem:s7+$0x120] =	vst v62  }
0x18a: {  	v5 =	vmul.f32 v2, v5;
	v2 =	vmul.f32 v2, v52;
	[tilespmem:s7+$0x1E0] =	vst v4;
	v58 =	vnsel vm12, $0x0, v56  }
0x18b: {  	vm15 =	vmand vm11, vm14;
	v50 =	vmul.u32 $0x180, v14;
	v59 =	vnsel vm0, $0x0, v8;
	[tilespmem:s7+$0x390] =	vst v58  }
0x18c: {  	vm2 =	vmand vm13, vm14;
	v2 =	vnsel vm15, $0x0, v2;
	[tilespmem:s7+$0x2B0] =	vst v59  }
.Ltmp5:
0x18d: {  	v5 =	vnsel vm2, $0x0, v5;
	[tilespmem:s7+$0x320] =	vst v2;
	v2 =	vadd.s32 $0xFFFFFE80, v50;
	(pc) =	sbr.rel @p0 .LBB2_13-.Ltmp5, $4  }
0x18e: {  	[tilespmem:s7+$0x240] =	vst v5;
	v63 =	vadd.s32 v6, v2  }
0x18f: {  	v2 =	vadd.s32 v2, v3;
	[tilespmem:s7+$0xC0] =	vst v63  }
0x190: {  	s30 =	simm.s32 $0xC0;
	s31 =	simm.s32 $0x400;
	[tilespmem:s7+$0x180] =	vst v2  }
0x191: {  	[tilespmem:s31], [sflag:$0x1] =	stream.indirect.gather [hbm4b:s9+s18], $0x60, s30, s18, $0xb8;
	[tilespmem:$0x17000] =	vst v63  }
.LBB2_12:
0x192: {  	_ =	swait.ge [sflag:s28], $0x2400  }
0x193: {  	[sflag:s28] =	ssyncset.done $0x0  }
0x194: {  	[sflag:s28] =	ssyncadd.s32 $0xFFFFDC00  }
.LBB2_13:
0x195: {  	_ =	swait.ge [sflag:s23], $0x9000  }
0x196: {  	[sflag:s23] =	ssyncset.done $0x0  }
0x197: {  	s1 =	simm.s32 $0x0;
	[sflag:s23] =	ssyncadd.s32 $0xFFFF7000  }
0x198: {  	v2 =	vld [tilespmem:s1+$0x12800]  }
0x199: {  	v9 =	vld [tilespmem:s1+$0xBC10]  }
0x19a: {  	v3 =	vld [tilespmem:s1+$0x12840]  }
0x19b: {  	v8 =	vld [tilespmem:s1+$0x12820]  }
0x19c: {  	v4 =	vld [tilespmem:s1+$0x12850]  }
0x19d: {  	v11 =	vld [tilespmem:s1+$0xBC40]  }
0x19e: {  	v5 =	vld [tilespmem:s1+$0xBC50]  }
0x19f: {  	v19 =	vld [tilespmem:s1+$0xE040]  }
0x1a0: {  	v7 =	vld [tilespmem:s1+$0xE050]  }
0x1a1: {  	v20 =	vld [tilespmem:s1+$0x10420]  }
0x1a2: {  	v23 =	vld [tilespmem:s1+$0x12830]  }
0x1a3: {  	v6 =	vld [tilespmem:s1+$0x10450]  }
0x1a4: {  	v26 =	vld [tilespmem:s1+$0xBC20]  }
0x1a5: {  	v18 =	vld [tilespmem:s1+$0xE010]  }
0x1a6: {  	v12 =	vld [tilespmem:s1+$0x10400]  }
0x1a7: {  	s11 =	simm.s32 $0xBB90;
	v27 =	vld [tilespmem:s1+$0xBC00]  }
0x1a8: {  	s7 =	simm.s32 $0xBB20;
	v13 =	vld.msk [tilespmem:s11+$0x0 ss:$0x0], $0xffff  }
0x1a9: {  	s12 =	simm.s32 $0xBAB0;
	v10 =	vld.msk [tilespmem:s7+$0x0 ss:$0x0], $0xffff  }
0x1aa: {  	s16 =	simm.s32 $0xBA40;
	v14 =	vld.msk [tilespmem:s12+$0x0 ss:$0x0], $0xffff  }
0x1ab: {  	v17 =	vld.msk [tilespmem:s16+$0x0 ss:$0x0], $0xffff  }
0x1ac: {  	v22 =	vld [tilespmem:s1+$0x10410]  }
0x1ad: {  	v16 =	vld [tilespmem:s1+$0x10430]  }
0x1ae: {  	v24 =	vld [tilespmem:s1+$0x12810];
	v15 =	vmul.f32 v8, v13  }
0x1af: {  	v25 =	vld [tilespmem:s1+$0xE020];
	v12 =	vmul.f32 v12, v10;
	v21 =	vmul.f32 v20, v10  }
0x1b0: {  	v20 =	vld [tilespmem:s1+$0xE030];
	v8 =	vmul.f32 v23, v13;
	v19 =	vmul.f32 v19, v14  }
0x1b1: {  	s19 =	simm.s32 $0x180;
	s20 =	simm.s32 $0xBB91;
	v23 =	vmul.f32 v27, v17;
	v27 =	vld [tilespmem:s1+$0xE000];
	v26 =	vmul.f32 v26, v17  }
.LBB2_14:
0x1b2: {  	v28 =	vmul.f32 v9, v17;
	v29 =	vld [tilespmem:s1+$0xBC30];
	v30 =	vmul.f32 v4, v13;
	s16 =	sadd.s32 $0x1, s16;
	s12 =	sadd.s32 $0x1, s12;
	s7 =	sadd.s32 $0x1, s7  }
0x1b3: {  	s11 =	sshra.s32 s19, $0x2;
	p0 =	sne.s32 s19, $0x8E80;
	s19 =	sadd.s32 $0x180, s19;
	v31 =	vmul.f32 v11, v17;
	v24 =	vmul.f32 v24, v13;
	v32 =	vld [tilespmem:s1+$0x10440]  }
0x1b4: {  	v22 =	vmul.f32 v22, v10;
	v33 =	vld [tilespmem:s11+$0x12800];
	v4 =	vmul.f32 v25, v14  }
0x1b5: {  	v11 =	vmul.f32 v18, v14;
	v18 =	vmul.f32 v3, v13;
	v9 =	vld [tilespmem:s11+$0xBC10]  }
0x1b6: {  	v13 =	vmul.f32 v2, v13;
	v3 =	vld [tilespmem:s11+$0x12840];
	v25 =	vmul.f32 v27, v14;
	v34 =	vadd.f32 v4, v26  }
0x1b7: {  	v16 =	vmul.f32 v16, v10;
	v27 =	vadd.f32 v11, v28;
	v26 =	vld [tilespmem:s11+$0x12820];
	v28 =	vmul.f32 v29, v17  }
0x1b8: {  	v17 =	vmul.f32 v5, v17;
	v4 =	vld [tilespmem:s11+$0x12850];
	v23 =	vadd.f32 v25, v23;
	v21 =	vadd.f32 v21, v34  }
0x1b9: {  	v7 =	vmul.f32 v7, v14;
	v20 =	vmul.f32 v20, v14;
	v22 =	vadd.f32 v22, v27;
	v11 =	vld [tilespmem:s11+$0xBC40];
	v2 =	vmovc v33  }
0x1ba: {  	v5 =	vld [tilespmem:s11+$0xBC50];
	v14 =	vadd.f32 v15, v21;
	v15 =	vadd.f32 v19, v31;
	v19 =	vmul.f32 v32, v10  }
0x1bb: {  	v6 =	vmul.f32 v6, v10;
	v20 =	vadd.f32 v20, v28;
	v17 =	vadd.f32 v7, v17;
	v27 =	vld [tilespmem:s11+$0xE040]  }
0x1bc: {  	v10 =	vadd.f32 v24, v22;
	v7 =	vld [tilespmem:s11+$0xE050];
	[tilespmem:s1+$0x14C20] =	vst v14;
	v14 =	vadd.f32 v19, v15  }
0x1bd: {  	v12 =	vadd.f32 v12, v23;
	v15 =	vadd.f32 v6, v17;
	v19 =	vld [tilespmem:s11+$0x10420]  }
0x1be: {  	v23 =	vld [tilespmem:s11+$0x12830];
	[tilespmem:s1+$0x14C10] =	vst v10;
	v10 =	vadd.f32 v16, v20;
	v14 =	vadd.f32 v18, v14  }
0x1bf: {  	v12 =	vadd.f32 v13, v12;
	v13 =	vadd.f32 v30, v15;
	v6 =	vld [tilespmem:s11+$0x10450]  }
0x1c0: {  	v28 =	vld [tilespmem:s11+$0xBC20];
	v8 =	vadd.f32 v8, v10;
	[tilespmem:s1+$0x14C40] =	vst v14  }
0x1c1: {  	v18 =	vld [tilespmem:s11+$0xE010];
	[tilespmem:s1+$0x14C00] =	vst v12  }
0x1c2: {  	v12 =	vld [tilespmem:s11+$0x10400];
	[tilespmem:s1+$0x14C50] =	vst v13  }
0x1c3: {  	v29 =	vld [tilespmem:s11+$0xBC00];
	[tilespmem:s1+$0x14C30] =	vst v8;
	s1 =	smov.u32 s11  }
0x1c4: {  	v13 =	vld.msk [tilespmem:s20+$0x0 ss:$0x0], $0xffff  }
0x1c5: {  	v10 =	vld.msk [tilespmem:s7+$0x0 ss:$0x0], $0xffff  }
0x1c6: {  	v14 =	vld.msk [tilespmem:s12+$0x0 ss:$0x0], $0xffff  }
0x1c7: {  	v17 =	vld.msk [tilespmem:s16+$0x0 ss:$0x0], $0xffff  }
0x1c8: {  	v22 =	vld [tilespmem:s1+$0x10410]  }
.Ltmp6:
0x1c9: {  	v16 =	vld [tilespmem:s1+$0x10430];
	(pc) =	sbr.rel @p0 .LBB2_14-.Ltmp6, $4  }
0x1ca: {  	v15 =	vmul.f32 v26, v13;
	v24 =	vld [tilespmem:s1+$0x12810]  }
0x1cb: {  	v12 =	vmul.f32 v12, v10;
	v21 =	vmul.f32 v19, v10;
	v25 =	vld [tilespmem:s1+$0xE020]  }
0x1cc: {  	v8 =	vmul.f32 v23, v13;
	v19 =	vmul.f32 v27, v14;
	v20 =	vld [tilespmem:s1+$0xE030]  }
0x1cd: {  	s20 =	sadd.s32 $0x1, s20;
	v23 =	vmul.f32 v29, v17;
	v26 =	vmul.f32 v28, v17;
	v27 =	vld [tilespmem:s1+$0xE000]  }
0x1ce: {  	v9 =	vmul.f32 v9, v17  }
0x1cf: {  	s7 =	smulhi.u32 $0x38E38E39, s13;
	v18 =	vmul.f32 v18, v14;
	v11 =	vmul.f32 v11, v17  }
0x1d0: {  	v28 =	vld [tilespmem:s1+$0xBC30];
	v22 =	vmul.f32 v22, v10;
	v5 =	vmul.f32 v5, v17  }
0x1d1: {  	v29 =	vld [tilespmem:s1+$0x10440];
	v7 =	vmul.f32 v7, v14;
	v6 =	vmul.f32 v6, v10;
	s7 =	sshrl.u32 s7, $0xF  }
0x1d2: {  	v4 =	vmul.f32 v4, v13;
	v25 =	vmul.f32 v25, v14;
	v9 =	vadd.f32 v18, v9;
	s11 =	smul.u32 $0x24000, s7  }
0x1d3: {  	v24 =	vmul.f32 v24, v13;
	v11 =	vadd.f32 v19, v11;
	v5 =	vadd.f32 v7, v5  }
0x1d4: {  	v58 =	vmul.f32 v20, v14;
	v27 =	vmul.f32 v27, v14;
	v25 =	vadd.f32 v25, v26;
	s11 =	ssub.s32 s13, s11  }
0x1d5: {  	v9 =	vadd.f32 v22, v9;
	v5 =	vadd.f32 v6, v5;
	v57 =	vmul.f32 v28, v17;
	s12 =	smulhi.u32 $0xAAAAAB, s11  }
0x1d6: {  	v59 =	vmul.f32 v29, v10;
	v23 =	vadd.f32 v27, v23;
	v21 =	vadd.f32 v21, v25  }
0x1d7: {  	v3 =	vmul.f32 v3, v13;
	v9 =	vadd.f32 v24, v9;
	v4 =	vadd.f32 v4, v5;
	s30 =	smul.u32 $0x180, s12  }
0x1d8: {  	v61 =	vmul.f32 v16, v10;
	s7 =	smul.u32 $0xD80000, s7;
	v17 =	vadd.f32 v58, v57;
	v60 =	vadd.f32 v59, v11  }
0x1d9: {  	v2 =	vmul.f32 v2, v13;
	s8 =	sadd.s32 $0x1, s8;
	v15 =	vadd.f32 v15, v21;
	v62 =	vadd.f32 v12, v23;
	s12 =	smul.u32 $0x9000, s12;
	[tilespmem:s1+$0x14C10] =	vst v9;
	s11 =	ssub.s32 s11, s30  }
0x1da: {  	p0 =	sne.s32 s8, $0x30;
	[tilespmem:s1+$0x14C50] =	vst v4;
	v3 =	vadd.f32 v3, v60;
	v63 =	vadd.f32 v61, v17;
	s11 =	smul.u32 $0x60, s11  }
.Ltmp7:
0x1db: {  	[tilespmem:s1+$0x14C20] =	vst v15;
	v2 =	vadd.f32 v2, v62;
	s7 =	sadd.s32 s7, s12;
	(pc) =	sbr.rel @p0 .LBB2_4-.Ltmp7, $4  }
0x1dc: {  	[tilespmem:s1+$0x14C40] =	vst v3;
	v3 =	vadd.f32 v8, v63;
	s7 =	sadd.s32 s11, s7  }
0x1dd: {  	[tilespmem:s1+$0x14C00] =	vst v2;
	s7 =	sshrl.u32 s7, $0x3  }
0x1de: {  	s14 =	sadd.s32 $0xC0, s14;
	s15 =	sadd.s32 $0xC0, s15;
	[tilespmem:s1+$0x14C30] =	vst v3;
	s31 =	sadd.s32 s6, s7  }
0x1df: {  	[hbm4b:s31+s2] =	stream.linear.scatter [tilespmem:s29], [sflag:$0x4], $0x2400, $0x38;
	[tilespmem:$0x17000] =	vst v63  }
0x1e0: {  	s0 =	simm.s32 $0x2  }
0x1e1: {  	_ =	swait.ge [sflag:s0], $0x2400  }
0x1e2: {  	[sflag:s0] =	ssyncset.done $0x0  }
0x1e3: {  	[sflag:s0] =	ssyncadd.s32 $0xFFFFDC00  }
0x1e4: {  	_ =	swait.ge [sflag:s28], $0x2400  }
0x1e5: {  	s1 =	rddreg [dreg:$0xa]  }
0x1e6: {  	s31 =	rddreg [dreg:$0x7];
	s1 =	sadd.s32 $0x1, s1  }
0x1e7: {  	p0 =	sne.s32 s1, s31  }
.Ltmp8:
0x1e8: {  	_ = 	snop;
	(pc) =	sbr.rel @p0 .LBB2_1-.Ltmp8, $3  }
0x1e9: {  	_ =	sdelay $0x1  }
0x1ea: {  	[sflag:s28] =	ssyncset.done $0x0  }
0x1eb: {  	[sflag:s28] =	ssyncadd.s32 $0xFFFFDC00  }
0x1ec: {  	_ =	sfence.sel $0x180000  }
0x1ed: {  	[bflag:$0x0] =	sbarrier.arrive $0xFFFF  }
0x1ee: {  	_ =	strace $0x90000047  }
0x1ef: {  	s0 =	stileid.u32;
	[bflag:$0x2] =	sbarrier.arrive $0xFFFF  }
0x1f0: {  	p0 =	sne.s32 s0, $0x0;
	s0 =	rddreg [dreg:$0x2]  }
0x1f1: {  	s0 =	sadd.s32 @!p0 $0x100000, s0  }
0x1f2: {  	[sflag:s0] =	ssyncadd.tile.s32 @!p0 $0x1;
	_ =	shalt  }
.Lfunc_end2:
_tile_overlayer_lowered:
.L_overlay_start_2:
0x1f3: {  	(tag) =	ssettag $0x2  }
0x1f4: {  	s0 =	rddreg [dreg:$0x0];
	s2 =	stileid.u32  }
0x1f5: {  	s1 =	rddreg [dreg:$0x1];
	p0 =	sne.s32 s2, $0x0  }
0x1f6: {  	s3 =	rddreg [dreg:$0x2];
	[bflag:$0x3] =	sbarrier.arrive $0xFFFF;
	s2 =	simm.s32 @!p0 $0x1C05  }
0x1f7: {  	[timem:s3], [sflag:s2] =	dma.local @!p0 [hbm:s0], s1  }
0x1f8: {  	s0 =	simm.s32 @!p0 $0x5  }
0x1f9: {  	_ =	swait.ge @!p0 [sflag:s0], s1  }
0x1fa: {  	s1 =	ssub.s32 @!p0 $0x0, s1;
	[sflag:s0] =	ssyncset.done @!p0 $0x0  }
0x1fb: {  	[sflag:s0] =	ssyncadd.s32 @!p0 s1  }
0x1fc: {  	[bflag:$0x3] =	sbarrier.arrive $0xFFFF  }
0x1fd: {  	_ =	shalt  }

// kernel: sparse-core-data-format-call.cloned.1.call-start
scs
called_computation_lowered:
.L_overlay_start_0:
0x0: {  	s2 =	sld [smem:$0x3FD9]  }
0x1: {  	s3 =	sld [smem:$0x3FFE];
	_ =	sdelay $0x1  }
0x2: {  	s1 =	srdreg.scid  }
0x3: {  	s0 =	sand.u32 $0x1, s1  }
0x4: {  	s18 =	sshll.u32 s0, $0xA;
	s2 =	sadd.s32 s3, s2  }
0x5: {  	s2 =	sadd.s32 s2, s18  }
0x6: {  	[smem:$0x3FC6] =	sst s2  }
0x7: {  	_ = 	snop  }
0x8: {  	s2 =	sld [smem:$0x3FD0];
	(tm) =	ssettm $0x1  }
0x9: {  	s19 =	sld [smem:$0x3FFB];
	_ =	sdelay $0x3  }
0xa: {  	_ =	strace s19  }
0xb: {  	s3 =	sld [smem:$0x3FFC];
	_ =	sdelay $0x3  }
0xc: {  	_ =	strace s3  }
0xd: {  	s3 =	sld [smem:$0x3FFD];
	_ =	sdelay $0x3  }
0xe: {  	_ =	strace s3  }
0xf: {  	_ =	strace $0x8FFFFFFF  }
0x10: {  	s20 =	sld [smem:$0x3FDB];
	_ =	sdelay $0x1  }
0x11: {  	s4 =	simm.s32 $_scs_section_size  }
0x12: {  	s5 =	simm.s32 $_size__tile_overlayer_lowered;
	s6 =	simm.s32 $_tile_overlayer_lowered  }
0x13: {  	s23 =	simm.s32 $0x1BFF;
	s22 =	sshll.u32 s6, $0x1;
	s3 =	sadd.s32 s4, s20  }
0x14: {  	s7 =	simm.s32 $0x0;
	s21 =	sshll.u32 s5, $0x1;
	s5 =	sadd.s32 s22, s3  }
0x15: {  	[timem:s7], [sflag:s23] =	dma.local [hbm:s5], s21  }
0x16: {  	_ =	swait.ge [sflag:s23], s21  }
0x17: {  	s4 =	ssub.s32 $0x0, s21;
	[sflag:s23] =	ssyncset.done $0x0  }
0x18: {  	[sflag:s23] =	ssyncadd.s32 s4;
	_ =	sdelay $0x1  }
0x19: {  	s24 =	simm.s32 $0x1B8B  }
0x1a: {  	_ =	swait.ge [sflag:s24], $0x1  }
0x1b: {  	[sflag:s24] =	ssyncset.done $0x0  }
0x1c: {  	s26 =	simm.s32 $0x1B8E;
	s25 =	sld [smem:$0x3FFE];
	[sflag:s24] =	ssyncadd.s32 $0xFFFFFFFF  }
0x1d: {  	s27 =	simm.s32 $execute0_lowered;
	[smem:$0x3FD2] =	sst s26  }
0x1e: {  	s5 =	sshll.u32 s27, $0x1;
	_ =	strace $0x80000049;
	[dreg:$0x1] =	wrdreg $0xFFFFFFFF  }
0x1f: {  	s28 =	simm.s32 $_size_execute0_lowered;
	s3 =	sadd.s32 s3, s5;
	[dreg:$0x0] =	wrdreg $0x0  }
0x20: {  	s5 =	sshll.u32 s28, $0x1;
	[dreg:$0x2] =	wrdreg s3  }
0x21: {  	[dreg:$0x3] =	wrdreg s5  }
0x22: {  	[dreg:$0x4] =	wrdreg $0xC0  }
0x23: {  	_ =	task [dreg:s7], $0x5FFFF  }
0x24: {  	[dreg:$0x1] =	wrdreg $0xFFFFFFFF  }
0x25: {  	[dreg:$0x0] =	wrdreg $0x60  }
0x26: {  	[dreg:$0x2] =	wrdreg s25  }
0x27: {  	[dreg:$0x3] =	wrdreg s2  }
0x28: {  	[dreg:$0x4] =	wrdreg $0x9  }
0x29: {  	_ =	task.clear_ibuf [dreg:s7], $0x5FFFF;
	_ =	strace $0x90000049  }
0x2a: {  	s29 =	simm.s32 $0x9;
	_ =	strace $0x8000004B  }
0x2b: {  	_ =	swait.ge [sflag:s29], $0x1  }
0x2c: {  	[sflag:s29] =	ssyncadd.s32 $0xFFFFFFFF  }
0x2d: {  	_ =	strace $0x9000004B  }
0x2e: {  	_ =	sfence  }
0x2f: {  	s30 =	sld [smem:$0x0];
	_ =	sdelay $0x2  }
0x30: {  	s31 =	sshll.u32 s1, $0xD;
	s1 =	sshrl.u32 s1, $0x2  }
0x31: {  	s3 =	sand.u32 $0x4000, s31;
	s1 =	sadd.s32 s1, s30  }
0x32: {  	s0 =	sor.u32 s3, s0;
	s1 =	sshll.u32 s1, $0x11  }
0x33: {  	s0 =	sor.u32 s1, s0  }
0x34: {  	s0 =	sadd.s32 $0x8F2B, s0  }
0x35: {  	[sflag:s0] =	ssyncadd.remote.s32 $0x1  }
0x36: {  	_ =	sfence.sel $0xFFFF  }
0x37: {  	[dreg:$0x0] =	wrdreg $0xFFFFFFFF;
	(pc) =	sbr.abs _section_cstart, $3  }
0x38: {  	[dreg:$0x1] =	wrdreg $0xFFFFFFFF  }
0x39: {  	_ =	task.clear_ibuf [dreg:s7], $0x2FFFF;
	_ =	strace $0x9FFFFFFF  }
0x3a: {  	(tm) =	ssettm $0x7FFFFFFF  }
0x3b: {  	_ =	shalt  }
tec
execute0_lowered:
.L_overlay_start_1:
0x0: {  	(tag) =	ssettag $0x1  }
0x1: {  	s4 =	rddreg [dreg:$0x0]  }
0x2: {  	s2 =	rddreg [dreg:$0x1]  }
0x3: {  	s1 =	stileid.u32;
	s0 =	rddreg [dreg:$0x2];
	_ =	strace $0x8000004A  }
0x4: {  	s5 =	srdreg.scid;
	s8 =	simm.s32 $0x2;
	s17 =	simm.s32 $0x0  }
0x5: {  	p0 =	por $0x0, $0x0;
	s9 =	simm.s32 $0xC00;
	s18 =	simm.s32 $0x0  }
0x6: {  	s19 =	simm.s32 $0x0;
	s10 =	simm.s32 $0x0;
	s11 =	simm.s32 $0x0  }
0x7: {  	s12 =	simm.s32 $0x0;
	s13 =	simm.s32 $0x0;
	s3 =	sand.u32 $0x1, s1  }
0x8: {  	s16 =	simm.s32 $0x0;
	s5 =	sshll.u32 s5, $0x4;
	s6 =	ssub.s32 $0x2, s3  }
.Ltmp0:
0x9: {  	s7 =	sshrl.u32 s6, $0x1;
	s6 =	sand.u32 $0x1, s6;
	(pc) =	sbr.rel .LBB1_1-.Ltmp0, $4  }
0xa: {  	s4 =	sadd.s32 $0x372C00, s4;
	s5 =	sand.u32 $0x10, s5;
	s6 =	sadd.s32 s6, s7  }
0xb: {  	s31 =	sor.u32 s1, s5;
	s5 =	simm.s32 $0x1;
	s6 =	smul.u32 $0x48, s6  }
0xc: {  	s15 =	smov.u32 s3;
	s7 =	sshrl.u32 s31, $0x1;
	[sflag:s5] =	ssyncpa.u1 $0x0  }
0xd: {  	[sflag:s8] =	ssyncpa.u1 $0x0;
	s14 =	smov.u32 s7;
	s8 =	sor.u32 $0x1, s6  }
.LBB1_4:
0xe: {  	s25 =	sshll.u32 s10, $0x3  }
0xf: {  	s26 =	sand.u32 $0x7F, s10;
	[tilespmem:s22+$0x2040 ss:$0x81] =	vst.msk $0xffff, v4;
	s25 =	sand.u32 $0xFFFFFC00, s25  }
0x10: {  	s24 =	sshra.s32 s24, $0x2;
	[tilespmem:s22+$0x2850 ss:$0x81] =	vst.msk $0xffff, v3;
	s26 =	sor.u32 s26, s25;
	s25 =	smulhi.u32 $0xAAAAAAAB, s25  }
0x11: {  	p1 =	sgt.s32 s12, $0x1;
	s29 =	sshra.s32 s12, $0x1F;
	[tilespmem:s22+$0x3060 ss:$0x81] =	vst.msk $0xffff, v2;
	s27 =	smulhi.u32 $0xAAAAAAAB, s26  }
0x12: {  	s31 =	sshra.s32 s11, $0x1F;
	[tilespmem:s22+$0x0 ss:$0x81] =	vst.msk $0xffff, v1;
	s22 =	smov.u32 s10;
	s25 =	sshrl.u32 s25, $0x8  }
0x13: {  	s23 =	sadd.s32 s24, s23;
	s30 =	sshrl.u32 s27, $0x8;
	s28 =	smulhi.u32 $0x2AAAAAB, s25  }
0x14: {  	s29 =	sand.u32 s29, s12;
	s27 =	smov.u32 s12;
	s24 =	smul.u32 $0x180, s30  }
0x15: {  	s27 =	simm.s32 @!p1 $0x1;
	p1 =	sgt.s32 s11, $0x17F;
	s30 =	smov.u32 s11  }
0x16: {  	s31 =	sand.u32 s31, s11;
	s29 =	sxor.u32 $0xFFFFFFFF, s29;
	s30 =	simm.s32 @!p1 $0x17F  }
0x17: {  	v5 =	vld [tilespmem:s21+$0xFFFFFFD0];
	s27 =	sadd.s32 s29, s27;
	s28 =	smul.u32 $0x60, s28;
	s31 =	ssub.s32 s30, s31  }
0x18: {  	v58 =	vld [tilespmem:s21+$0xFFFFFFE0];
	p1 =	sgt.s32 s27, $0x0;
	s27 =	ssub.s32 $0x1, s27;
	s30 =	sadd.s32 $0xFFFFFE81, s31  }
0x19: {  	v59 =	vld [tilespmem:s21+$0xFFFFFFF0];
	s29 =	ssub.s32 $0x180, s31;
	s27 =	smul.u32 $0x60, s27;
	p2 =	sgt.s32 s30, $0x0  }
0x1a: {  	v60 =	vld [tilespmem:s21+$0x0];
	s31 =	sshra.s32 s10, $0x1F;
	s29 =	simm.s32 @p2 $0x0;
	p2 =	sgt.s32 s10, $0x100  }
0x1b: {  	v61 =	vld [tilespmem:s21+$0x10];
	[tilespmem:s23+$0x3870 ss:$0x81] =	vst.msk $0xffff, v0;
	s24 =	ssub.s32 s26, s24;
	s30 =	sand.u32 s31, s10;
	s22 =	simm.s32 @!p2 $0x100  }
0x1c: {  	v62 =	vld [tilespmem:s21+$0x20];
	[tilespmem:s23+$0x810 ss:$0x81] =	vst.msk $0xffff, v5;
	s31 =	smul.u32 $0x1B0000, s12;
	s27 =	simm.s32 @p1 $0x0;
	s22 =	ssub.s32 s22, s30  }
0x1d: {  	v63 =	vld [tilespmem:s21+$0xFFFFFFC0];
	[tilespmem:s23+$0x1020 ss:$0x81] =	vst.msk $0xffff, v58;
	s26 =	smul.u32 s29, s27;
	s29 =	ssub.s32 s25, s28;
	s30 =	sadd.s32 $0xFFFFFF00, s22  }
0x1e: {  	[tilespmem:s23+$0x1830 ss:$0x81] =	vst.msk $0xffff, v59;
	s28 =	smul.u32 $0x1200, s11;
	s22 =	ssub.s32 $0x180, s22;
	p1 =	sgt.s32 s30, $0x7F  }
0x1f: {  	[tilespmem:s23+$0x2040 ss:$0x81] =	vst.msk $0xffff, v60;
	s27 =	sadd.s32 s2, s31;
	s21 =	smul.u32 $0x30, s29;
	s22 =	simm.s32 @p1 $0x0  }
0x20: {  	[tilespmem:s23+$0x2850 ss:$0x81] =	vst.msk $0xffff, v61;
	s29 =	sand.u32 $0x7, s24;
	s25 =	sadd.s32 s28, s27;
	s22 =	smul.u32 s22, s26  }
0x21: {  	[tilespmem:s23+$0x3060 ss:$0x81] =	vst.msk $0xffff, v62;
	s24 =	sshrl.u32 s24, $0x3;
	s21 =	sadd.s32 s21, s25;
	s30 =	sshll.u32 s29, $0x12  }
0x22: {  	[tilespmem:s23+$0x0 ss:$0x81] =	vst.msk $0xffff, v63;
	s21 =	sadd.s32 s24, s21;
	s31 =	sor.u32 $0x400, s30;
	s22 =	sand.u32 $0x3FFFFFE0, s22  }
0x23: {  	[hbm4b:s21+s31] =	stream.strided.scatter [tilespmem:s20], [sflag:$0x2], s22, s9, s31, $0x20;
	[tilespmem:$0x10100] =	vst v63  }
.LBB1_5:
0x24: {  	p1 =	slt.u32 s16, $0x2;
	s21 =	smov.u32 s19  }
0x25: {  	p2 =	sgt.s32 @!p1 s19, $0x1;
	s20 =	sshra.s32 @!p1 s19, $0x1F;
	s22 =	sshra.s32 @!p1 s17, $0x1F  }
0x26: {  	p2 =	por !p2, p1;
	s19 =	sand.u32 @!p1 s20, s19;
	s20 =	smov.u32 s18  }
0x27: {  	s21 =	simm.s32 @p2 $0x1;
	s19 =	sxor.u32 @!p1 $0xFFFFFFFF, s19;
	p2 =	sgt.s32 @!p1 s18, $0x17F  }
0x28: {  	s19 =	sadd.s32 @!p1 s19, s21;
	p3 =	por !p2, p1;
	s21 =	sshra.s32 @!p1 s18, $0x1F  }
0x29: {  	p2 =	sgt.s32 @!p1 s19, $0x0;
	s20 =	simm.s32 @p3 $0x17F;
	s18 =	sand.u32 @!p1 s21, s18  }
0x2a: {  	s19 =	ssub.s32 @!p1 $0x1, s19;
	p3 =	sgt.s32 @!p1 s17, $0x100;
	s21 =	smov.u32 s17  }
0x2b: {  	s17 =	sand.u32 @!p1 s22, s17;
	s18 =	ssub.s32 @!p1 s20, s18;
	p3 =	por !p3, p1  }
0x2c: {  	s19 =	smul.u32 @!p1 $0x60, s19;
	s20 =	sadd.s32 @!p1 $0xFFFFFE81, s18;
	s21 =	simm.s32 @p3 $0x100  }
0x2d: {  	p2 =	por !p2, p1;
	p3 =	sgt.s32 @!p1 s20, $0x0;
	s17 =	ssub.s32 @!p1 s21, s17  }
0x2e: {  	s18 =	ssub.s32 @!p1 $0x180, s18;
	p3 =	por !p3, p1;
	s20 =	sadd.s32 @!p1 $0xFFFFFF00, s17  }
0x2f: {  	s19 =	simm.s32 @!p2 $0x0;
	s18 =	simm.s32 @!p3 $0x0;
	p3 =	sgt.s32 @!p1 s20, $0x7F  }
0x30: {  	s17 =	ssub.s32 @!p1 $0x180, s17;
	p2 =	por !p3, p1;
	s18 =	smul.u32 @!p1 s18, s19  }
0x31: {  	s21 =	smov.u32 s14;
	s20 =	sadd.s32 $0x80, s13;
	s17 =	simm.s32 @!p2 $0x0  }
0x32: {  	p2 =	sgt.s32 s20, $0x17F;
	s17 =	smul.u32 @!p1 s17, s18;
	s18 =	sadd.s32 $0x10, s14  }
0x33: {  	s21 =	smov.u32 @p2 s18  }
0x34: {  	s23 =	smov.u32 s15;
	s18 =	sadd.s32 $0x2, s15;
	p3 =	sgt.s32 s21, $0x17F  }
0x35: {  	p0 =	por !p0, !p0;
	s22 =	simm.s32 @!p1 $0x2;
	s23 =	smov.u32 @p3 s18  }
0x36: {  	s19 =	smov.u32 s12;
	s20 =	simm.s32 @p2 $0x0;
	p2 =	sgt.s32 s23, $0x1  }
0x37: {  	s17 =	sand.u32 @!p1 $0x3FFFFFE0, s17;
	s23 =	smov.u32 @p2 s3;
	p2 =	sne.s32 s16, s8  }
.Ltmp1:
0x38: {  	s12 =	smov.u32 s15;
	_ =	swait.ge @!p1 [sflag:s22], s17;
	(pc) =	sbr.rel @!p2 .LBB1_6-.Ltmp1, $4  }
0x39: {  	s24 =	ssub.s32 @!p1 $0x0, s17;
	s21 =	smov.u32 @p3 s7;
	s17 =	smov.u32 s10  }
0x3a: {  	s18 =	smov.u32 s11;
	s10 =	smov.u32 s13;
	s11 =	smov.u32 s14  }
0x3b: {  	s13 =	smov.u32 s20;
	[sflag:s22] =	ssyncset.done @!p1 $0x0;
	s14 =	smov.u32 s21  }
0x3c: {  	s16 =	sadd.s32 $0x1, s16;
	[sflag:s22] =	ssyncadd.s32 @!p1 s24;
	s15 =	smov.u32 s23  }
.LBB1_1:
0x3d: {  	p1 =	sge.u32 s16, s6  }
0x3e: {  	s20 =	sand.u32 @!p1 $0x1FFFFFF, s13  }
0x3f: {  	s21 =	smulhi.u32 @!p1 $0xAAAAAB, s20  }
0x40: {  	s22 =	smul.u32 @!p1 $0x240000, s15  }
0x41: {  	s21 =	smul.u32 @!p1 $0x180, s21  }
0x42: {  	s31 =	sadd.s32 $0xFFFFFFFF, s16;
	s23 =	smul.u32 @!p1 $0x1800, s14  }
0x43: {  	s22 =	sadd.s32 @!p1 s4, s22;
	s20 =	ssub.s32 @!p1 s20, s21;
	s21 =	sxor.u32 @!p1 $0xFFFFFFFF, s16  }
0x44: {  	s22 =	sadd.s32 @!p1 s23, s22;
	s21 =	sshll.u32 @!p1 s21, $0xE;
	s20 =	sshll.u32 @!p1 s20, $0x4  }
0x45: {  	s21 =	sand.u32 @!p1 $0x4000, s21;
	s20 =	sadd.s32 @!p1 s20, s22;
	s22 =	simm.s32 @!p1 $0x0  }
0x46: {  	[tilespmem:s21], [sflag:$0x1] =	stream.linear.gather @!p1 [hbm4b:s20+s22], $0x4000, $0x38;
	[tilespmem:$0x10100] =	vst v63  }
0x47: {  	p1 =	sge.u32 s31, s6  }
.Ltmp2:
0x48: {  	_ = 	snop;
	(pc) =	sbr.rel @p1 .LBB1_5-.Ltmp2, $1  }
0x49: {  	_ =	sdelay $0x3  }
0x4a: {  	s20 =	simm.s32 $0x1  }
0x4b: {  	_ =	swait.ge [sflag:s5], $0x4000;
	s20 =	simm.s32 @!p0 $0x0  }
0x4c: {  	[sflag:s5] =	ssyncset.done $0x0;
	s21 =	sshll.u32 s20, $0xE  }
0x4d: {  	[sflag:s5] =	ssyncadd.s32 $0xFFFFC000;
	s21 =	sor.u32 $0x40, s21  }
0x4e: {  	s20 =	smul.u32 $0x10200, s20;
	v0 =	vld [tilespmem:s21+$0x30]  }
0x4f: {  	v1 =	vld [tilespmem:s21+$0xFFFFFFD0]  }
0x50: {  	s20 =	sshrl.u32 s20, $0x2;
	v5 =	vld [tilespmem:s21+$0xFFFFFFE0]  }
0x51: {  	v6 =	vld [tilespmem:s21+$0xFFFFFFF0];
	s23 =	sor.u32 $0x8000, s20  }
0x52: {  	s31 =	sand.u32 $0x1, s16;
	v4 =	vld [tilespmem:s21+$0x0];
	s22 =	sadd.s32 $0x0, s23  }
0x53: {  	v3 =	vld [tilespmem:s21+$0x10];
	s20 =	smul.u32 $0x10200, s31;
	[tilespmem:s22+$0x3870 ss:$0x81] =	vst.msk $0xffff, v0  }
0x54: {  	v2 =	vld [tilespmem:s21+$0x20];
	[tilespmem:s22+$0x810 ss:$0x81] =	vst.msk $0xffff, v1  }
0x55: {  	s20 =	sshrl.u32 s20, $0x2;
	v1 =	vld [tilespmem:s21+$0xFFFFFFC0];
	[tilespmem:s22+$0x1020 ss:$0x81] =	vst.msk $0xffff, v5;
	s21 =	sadd.s32 $0x80, s21  }
0x56: {  	s24 =	simm.s32 $0x4;
	s25 =	simm.s32 $0x8;
	s20 =	sor.u32 $0x8000, s20;
	[tilespmem:s22+$0x1830 ss:$0x81] =	vst.msk $0xffff, v6;
	v0 =	vld [tilespmem:s21+$0x30]  }
.LBB1_3:
0x57: {  	p1 =	sne.s32 s25, $0x1FC;
	v5 =	vld [tilespmem:s21+$0xFFFFFFD0];
	[tilespmem:s22+$0x2040 ss:$0x81] =	vst.msk $0xffff, v4  }
0x58: {  	v6 =	vld [tilespmem:s21+$0xFFFFFFE0];
	[tilespmem:s22+$0x2850 ss:$0x81] =	vst.msk $0xffff, v3  }
0x59: {  	s26 =	sshra.s32 s24, $0x2;
	s24 =	smov.u32 s25;
	v7 =	vld [tilespmem:s21+$0xFFFFFFF0];
	[tilespmem:s22+$0x3060 ss:$0x81] =	vst.msk $0xffff, v2  }
.Ltmp3:
0x5a: {  	v4 =	vld [tilespmem:s21+$0x0];
	[tilespmem:s22+$0x0 ss:$0x81] =	vst.msk $0xffff, v1;
	s22 =	sadd.s32 s26, s23;
	(pc) =	sbr.rel @p1 .LBB1_3-.Ltmp3, $4  }
0x5b: {  	v3 =	vld [tilespmem:s21+$0x10];
	[tilespmem:s22+$0x3870 ss:$0x81] =	vst.msk $0xffff, v0  }
0x5c: {  	[tilespmem:s22+$0x810 ss:$0x81] =	vst.msk $0xffff, v5;
	v2 =	vld [tilespmem:s21+$0x20]  }
0x5d: {  	v1 =	vld [tilespmem:s21+$0xFFFFFFC0];
	[tilespmem:s22+$0x1020 ss:$0x81] =	vst.msk $0xffff, v6;
	s21 =	sadd.s32 $0x80, s21  }
0x5e: {  	s25 =	sadd.s32 $0x4, s25;
	v0 =	vld [tilespmem:s21+$0x30];
	[tilespmem:s22+$0x1830 ss:$0x81] =	vst.msk $0xffff, v7  }
.Ltmp4:
0x5f: {  	_ = 	snop;
	(pc) =	sbr.rel .LBB1_4-.Ltmp4, $1  }
0x60: {  	_ =	sdelay $0x3  }
.LBB1_6:
0x61: {  	_ =	sfence.sel $0x180000  }
0x62: {  	s2 =	simm.s32 $0x1;
	[bflag:$0x0] =	sbarrier.arrive $0xFFFF  }
0x63: {  	s31 =	simm.s32 $0x2;
	[sflag:s2] =	ssyncpa.u1 $0x1  }
0x64: {  	[sflag:s31] =	ssyncpa.u1 $0x1  }
0x65: {  	p0 =	sne.s32 s1, $0x0;
	_ =	strace $0x9000004A  }
0x66: {  	s0 =	sadd.s32 @!p0 $0x100000, s0;
	[bflag:$0x2] =	sbarrier.arrive $0xFFFF  }
0x67: {  	[sflag:s0] =	ssyncadd.tile.s32 @!p0 $0x1;
	_ =	shalt  }
.Lfunc_end1:
_tile_overlayer_lowered:
.L_overlay_start_2:
0x68: {  	(tag) =	ssettag $0x2  }
0x69: {  	s0 =	rddreg [dreg:$0x0];
	s2 =	stileid.u32  }
0x6a: {  	s1 =	rddreg [dreg:$0x1];
	p0 =	sne.s32 s2, $0x0  }
0x6b: {  	s3 =	rddreg [dreg:$0x2];
	[bflag:$0x3] =	sbarrier.arrive $0xFFFF;
	s2 =	simm.s32 @!p0 $0x1C01  }
0x6c: {  	[timem:s3], [sflag:s2] =	dma.local @!p0 [hbm:s0], s1  }
0x6d: {  	s0 =	simm.s32 @!p0 $0x1  }
0x6e: {  	_ =	swait.ge @!p0 [sflag:s0], s1  }
0x6f: {  	s1 =	ssub.s32 @!p0 $0x0, s1;
	[sflag:s0] =	ssyncset.done @!p0 $0x0  }
0x70: {  	[sflag:s0] =	ssyncadd.s32 @!p0 s1  }
0x71: {  	[bflag:$0x3] =	sbarrier.arrive $0xFFFF  }
0x72: {  	_ =	shalt  }

</sc_bundles>
